<compile_context>
chip_gen: v7x
topology: tpu7x:2x2x1
jax: 0.10.2.dev20260603
libtpu: 0.0.44.dev20260713+nightly
codegen_flags: <defaults>
</compile_context>

<pallas_src>
import jax
import jax.numpy as jnp
from jax import lax
from jax.experimental import pallas as pl
from jax.experimental.pallas import tpu as pltpu
from jax.experimental.pallas import tpu_sc as plsc

NC = 2
NS = 16
L = 16
NW = NC * NS

N = 10000
E = 320000
EMB = 128
CUR = 512

N_PAD = 12288
CPW = N_PAD // NW
EPW = E // NW
EWIN = 10240
GCH = 128
NG = CPW // GCH

_mesh = plsc.VectorSubcoreMesh(core_axis_name="c", subcore_axis_name="s")
_params = pltpu.CompilerParams(needs_layout_passes=False)


def _wid():
    return lax.axis_index("s") * NC + lax.axis_index("c")


def _bin_body(row_hbm, col_hbm, wgt_hbm, out_hbm, row_v, col_v, wgt_v, s_v, sem):
    wid = _wid()
    lo = wid * EPW
    base = jnp.minimum((lo // 128) * 128, E - EWIN)
    base = pl.multiple_of(base, 128)
    copies = [
        pltpu.async_copy(row_hbm.at[pl.ds(base, EWIN)], row_v, sem),
        pltpu.async_copy(col_hbm.at[pl.ds(base, EWIN)], col_v, sem),
        pltpu.async_copy(wgt_hbm.at[pl.ds(base, EWIN)], wgt_v, sem),
    ]

    @plsc.parallel_loop(0, N_PAD // L, unroll=8)
    def _(i):
        s_v[pl.ds(i * L, L)] = jnp.zeros((L,), jnp.float32)

    for cp in copies:
        cp.wait()

    tt = jnp.full((L,), CUR, jnp.int32)
    lanes = lax.iota(jnp.int32, L)

    hd = lo - base

    def zhead(j, _):
        sl = pl.ds(j * L, L)
        pos = j * L + lanes
        wgt_v[sl] = jnp.where(pos < hd, 0.0, wgt_v[sl])
        return 0

    lax.fori_loop(0, 16, zhead, 0)

    tail0 = hd + EPW

    def ztail(j, _):
        off = (EWIN - 16 * L) + j * L
        sl = pl.ds(off, L)
        pos = off + lanes
        wgt_v[sl] = jnp.where(pos >= tail0, 0.0, wgt_v[sl])
        return 0

    lax.fori_loop(0, 16, ztail, 0)

    @plsc.parallel_loop(0, EWIN // L, unroll=8)
    def _(i):
        sl = pl.ds(i * L, L)
        r = row_v[sl]
        c = col_v[sl]
        w = wgt_v[sl]
        plsc.addupdate_scatter(s_v, [c], w, mask=r < tt)
    obase = pl.multiple_of(wid * N_PAD, 128)
    pltpu.sync_copy(s_v, out_hbm.at[pl.ds(obase, N_PAD)])


_bin = pl.kernel(
    _bin_body,
    mesh=_mesh,
    compiler_params=_params,
    out_type=jax.ShapeDtypeStruct((NW * N_PAD,), jnp.float32),
    scratch_types=[
        pltpu.VMEM((EWIN,), jnp.int32),
        pltpu.VMEM((EWIN,), jnp.int32),
        pltpu.VMEM((EWIN,), jnp.float32),
        pltpu.VMEM((N_PAD,), jnp.float32),
        pltpu.SemaphoreType.DMA,
    ],
)


def _gat_body(parts_hbm, nbr_hbm, table_hbm, out_hbm, sblk_v, s_v, nbr_v, rows_v, acc_v, gsems, psem):
    wid = _wid()
    nbase = pl.multiple_of(wid * CPW, 128)
    pltpu.sync_copy(nbr_hbm.at[pl.ds(nbase, CPW)], nbr_v)
    copies = [
        pltpu.async_copy(
            table_hbm.at[nbr_v.at[pl.ds(g * GCH, GCH)]],
            rows_v.at[pl.ds(g * GCH, GCH)],
            gsems.at[g],
        )
        for g in range(NG)
    ]
    pcopies = [
        pltpu.async_copy(
            parts_hbm.at[pl.ds(pl.multiple_of(r * N_PAD + wid * CPW, 128), CPW)],
            sblk_v.at[pl.ds(r * CPW, CPW)],
            psem,
        )
        for r in range(NW)
    ]
    for cp in pcopies:
        cp.wait()

    @plsc.parallel_loop(0, CPW // L, unroll=4)
    def _(j):
        sl = pl.ds(j * L, L)
        acc = sblk_v[pl.ds(j * L, L)]
        for r in range(1, NW):
            acc = acc + sblk_v[pl.ds(r * CPW + j * L, L)]
        s_v[sl] = acc

    for cp in copies:
        cp.wait()

    zeros8 = tuple(jnp.zeros((L,), jnp.float32) for _ in range(EMB // L))

    @plsc.parallel_loop(0, CPW, unroll=4, carry=zeros8)
    def acc(c, carry):
        sc = plsc.load_gather(s_v, [jnp.full((L,), c, jnp.int32)])
        return tuple(
            carry[d] + sc * rows_v[c, pl.ds(d * L, L)] for d in range(EMB // L)
        )
    for d in range(EMB // L):
        acc_v[pl.ds(d * L, L)] = acc[d]
    pltpu.sync_copy(acc_v, out_hbm.at[pl.ds(pl.multiple_of(wid * EMB, 128), EMB)])


_gat = pl.kernel(
    _gat_body,
    mesh=_mesh,
    compiler_params=_params,
    out_type=jax.ShapeDtypeStruct((NW * EMB,), jnp.float32),
    scratch_types=[
        pltpu.VMEM((NW * CPW,), jnp.float32),
        pltpu.VMEM((CPW,), jnp.float32),
        pltpu.VMEM((CPW,), jnp.int32),
        pltpu.VMEM((CPW, EMB), jnp.float32),
        pltpu.VMEM((EMB,), jnp.float32),
        pltpu.SemaphoreType.DMA((NG,)),
        pltpu.SemaphoreType.DMA,
    ],
)


def _ep_body(parts_ref, w_ref, bt_ref, f1_ref, fb_ref, out_ref):
    acc = jnp.sum(parts_ref[...], axis=0, keepdims=True)
    h = jnp.dot(acc, w_ref[...], preferred_element_type=jnp.float32) + bt_ref[...]
    o = jnp.dot(h, f1_ref[...], preferred_element_type=jnp.float32) + fb_ref[...]
    out_ref[...] = jnp.maximum(o, 0.0)


def kernel(neighbors, edge_row, edge_col, edge_weight, embedding_table, W_gcn, b_gcn, fc1_W, fc1_b, cur_len):
    er = edge_row.astype(jnp.int32)
    ec = edge_col.astype(jnp.int32)
    ew = edge_weight.astype(jnp.float32)
    nbr = neighbors.astype(jnp.int32)

    cur = jnp.asarray(cur_len, jnp.int32)
    T = jnp.minimum(cur, CUR)

    parts = _bin(er, ec, ew)

    nbr_pad = jnp.concatenate([nbr, jnp.arange(N_PAD - N, dtype=jnp.int32)])
    accp = _gat(parts, nbr_pad, embedding_table.astype(jnp.float32))

    inv = 1.0 / cur.astype(jnp.float32)
    W_scaled = W_gcn.astype(jnp.float32) * inv
    bias_term = (T.astype(jnp.float32) * inv) * b_gcn.astype(jnp.float32)

    out = pl.pallas_call(
        _ep_body,
        out_shape=jax.ShapeDtypeStruct((1, EMB), jnp.float32),
    )(accp.reshape(NW, EMB), W_scaled, bias_term.reshape(1, EMB),
      fc1_W.astype(jnp.float32).T, fc1_b.astype(jnp.float32).reshape(1, EMB))
    return out.reshape(1, 1, EMB)

# --- scband reference (transcript-rebuilt; emitter-appended) ---
"""Pipeline reference for scband-graph-encoder-43190191128720 (READ-ONLY COPY).

The authoritative reference and input builder live on the scoring server;
editing this copy changes nothing except your own understanding.
"""

import jax, jax.numpy as jnp
import numpy as np

N = 10000
E = 320000
ENTITY = 100000
EMB = 128
HID = 128
CUR_LEN = 512


def setup_inputs(seed: int = 0) -> dict:
    key = jax.random.key(seed)
    ks = jax.random.split(key, 10)
    # forward inputs (flattened b_state with B=1): neighbor node ids, sparse adj in COO form
    neighbors = jax.random.randint(ks[0], (N,), 0, ENTITY - 1, dtype=jnp.int64)  # avoid padding idx ENTITY-1
    edge_row = jax.random.randint(ks[1], (E,), 0, N, dtype=jnp.int64)
    edge_col = jax.random.randint(ks[2], (E,), 0, N, dtype=jnp.int64)
    edge_weight = jax.random.uniform(ks[3], (E,), dtype=jnp.float32)
    # learned parameters
    embedding_table = jax.random.normal(ks[4], (ENTITY, EMB), dtype=jnp.float32) * 0.02
    embedding_table = embedding_table.at[ENTITY - 1].set(0.0)  # padding_idx row
    stdv = 1.0 / np.sqrt(HID)
    W_gcn = jax.random.uniform(ks[5], (EMB, HID), minval=-stdv, maxval=stdv, dtype=jnp.float32)
    b_gcn = jax.random.uniform(ks[6], (HID,), minval=-stdv, maxval=stdv, dtype=jnp.float32)
    fc1_W = jax.random.normal(ks[7], (HID, HID), dtype=jnp.float32) * 0.02
    fc1_b = jnp.zeros((HID,), dtype=jnp.float32)
    return {
        "neighbors": neighbors,
        "edge_row": edge_row,
        "edge_col": edge_col,
        "edge_weight": edge_weight,
        "embedding_table": embedding_table,
        "W_gcn": W_gcn,
        "b_gcn": b_gcn,
        "fc1_W": fc1_W,
        "fc1_b": fc1_b,
        "cur_len": CUR_LEN,
    }


def reference(neighbors, edge_row, edge_col, edge_weight, embedding_table, W_gcn, b_gcn, fc1_W, fc1_b, cur_len):
    # GraphEncoder.forward with B=1 state, gcn=True, layers=1, seq='mean'
    # embedding lookup (gather)
    input_state = jnp.take(embedding_table, neighbors, axis=0)  # [N, EMB]
    # GraphConvolution: support = input @ W ; output = sparse_mm(adj, support) + bias
    support = input_state @ W_gcn  # [N, HID]
    msgs = jnp.take(support, edge_col, axis=0) * edge_weight[:, None]  # [E, HID]
    output_state = jax.ops.segment_sum(msgs, edge_row, num_segments=N)  # scatter-add over dst
    output_state = output_state + b_gcn
    # seq_embeddings = output[:cur_len][None]  -> [1, L, HID]
    mask = jnp.arange(CUR_LEN) < cur_len
    seq_embeddings = jnp.where(mask[:, None], output_state[:CUR_LEN], 0.0)[None, :, :]
    # seq == 'mean'
    seq_embeddings = jnp.sum(seq_embeddings, axis=1, keepdims=True) / cur_len  # [1, 1, HID]
    # fc1 + relu
    out = jax.nn.relu(seq_embeddings @ fc1_W.T + fc1_b)
    return out

if __name__ == "__main__":
    import jax
    _d = setup_inputs()
    print(jax.jit(kernel)(*tuple(_d.values())))

</pallas_src>

<mosaic_0001>
#map = affine_map<(d0, d1) -> (0)>
#map1 = affine_map<(d0, d1) -> (0, 0)>
module attributes {stable_mosaic.version = 14 : i64} {
  func.func @_gat_body(%arg0: i32, %arg1: i32, %arg2: memref<393216xf32, #tpu.memory_space<hbm>>, %arg3: memref<12288xi32, #tpu.memory_space<hbm>>, %arg4: memref<100000x128xf32, #tpu.memory_space<hbm>>, %arg5: memref<4096xf32, #tpu.memory_space<hbm>>, %arg6: memref<12288xf32, #tpu.memory_space<vmem>>, %arg7: memref<384xf32, #tpu.memory_space<vmem>>, %arg8: memref<384xi32, #tpu.memory_space<vmem>>, %arg9: memref<384x128xf32, #tpu.memory_space<vmem>>, %arg10: memref<128xf32, #tpu.memory_space<vmem>>, %arg11: memref<3x!tpu.dma_semaphore, #tpu.memory_space<semaphore_mem>>, %arg12: memref<!tpu.dma_semaphore, #tpu.memory_space<semaphore_mem>>) attributes {dimension_semantics = [#tpu.dimension_semantics<core_parallel>, #tpu.dimension_semantics<subcore_parallel>], iteration_bounds = array<i64: 2, 16>, scalar_prefetch = 0 : i64, scratch_operands = 7 : i64, tpu.core_type = #tpu.core_type<sc_vector_subcore>, window_params = [{transform_indices = #map}, {transform_indices = #map}, {transform_indices = #map1}, {transform_indices = #map}]} {
    %mul3A = arith.constant 2 : i32
    %mul3A_0 = arith.muli %arg1, %mul3A : i32
    %add3A = arith.addi %mul3A_0, %arg0 : i32
    %mul3A_1 = arith.constant 384 : i32
    %mul3A_2 = arith.muli %add3A, %mul3A_1 : i32
    %multiple_of3A = tpu.assume_multiple %mul3A_2, 128 : i32
    "tpu.region"() ({
      %run_scoped3A = tpu.sem_alloc : memref<!tpu.dma_semaphore, #tpu.memory_space<semaphore_mem>>
      %dma_start3A_650 = tpu.memref_slice %arg3[%multiple_of3A] : memref<12288xi32, #tpu.memory_space<hbm>> -> memref<384xi32, #tpu.memory_space<hbm>>
      %dma_start3A_651 = tpu.memref_slice %arg3[%multiple_of3A] : memref<12288xi32, #tpu.memory_space<hbm>> -> memref<384xi32, #tpu.memory_space<hbm>>
      tpu.enqueue_dma source(%dma_start3A_651 : memref<384xi32, #tpu.memory_space<hbm>>) target(%arg8 : memref<384xi32, #tpu.memory_space<vmem>>) target_semaphore(%run_scoped3A : memref<!tpu.dma_semaphore, #tpu.memory_space<semaphore_mem>>)
      %dma_wait3A_652 = tpu.memref_slice %arg3[%multiple_of3A] : memref<12288xi32, #tpu.memory_space<hbm>> -> memref<384xi32, #tpu.memory_space<hbm>>
      %dma_wait3A_653 = tpu.memref_slice %arg3[%multiple_of3A] : memref<12288xi32, #tpu.memory_space<hbm>> -> memref<384xi32, #tpu.memory_space<hbm>>
      tpu.wait_dma2 semaphore(%run_scoped3A : memref<!tpu.dma_semaphore, #tpu.memory_space<semaphore_mem>>) src(%dma_wait3A_653 : memref<384xi32, #tpu.memory_space<hbm>>) dst(%arg8 : memref<384xi32, #tpu.memory_space<vmem>>)
      tpu.yield
    }) : () -> ()
    %dma_start3A = arith.constant 0 : i32
    %dma_start3A_3 = arith.constant 0 : i32
    %dma_start3A_4 = arith.constant 0 : i32
    %dma_start3A_5 = tpu.memref_slice %arg9[%dma_start3A_3, %dma_start3A_4] : memref<384x128xf32, #tpu.memory_space<vmem>> -> memref<128x128xf32, #tpu.memory_space<vmem>>
    %dma_start3A_6 = arith.constant 0 : i32
    %dma_start3A_7 = tpu.memref_slice %arg8[%dma_start3A_6] : memref<384xi32, #tpu.memory_space<vmem>> -> memref<128xi32, #tpu.memory_space<vmem>>
    %dma_start3A_8 = arith.constant 0 : i32
    %dma_start3A_9 = arith.constant 0 : i32
    %dma_start3A_10 = tpu.memref_slice %arg4[%dma_start3A_8, %dma_start3A_9] : memref<100000x128xf32, #tpu.memory_space<hbm>> -> memref<100000x128xf32, #tpu.memory_space<hbm>>
    %dma_start3A_11 = tpu.memref_slice %arg11[%dma_start3A] : memref<3x!tpu.dma_semaphore, #tpu.memory_space<semaphore_mem>> -> memref<1x!tpu.dma_semaphore, #tpu.memory_space<semaphore_mem>>
    %dma_start3A_12 = tpu.memref_squeeze %dma_start3A_11 : memref<1x!tpu.dma_semaphore, #tpu.memory_space<semaphore_mem>> -> memref<!tpu.dma_semaphore, #tpu.memory_space<semaphore_mem>>
    tpu.enqueue_indirect_dma source(%dma_start3A_10 : memref<100000x128xf32, #tpu.memory_space<hbm>>) target(%dma_start3A_5 : memref<128x128xf32, #tpu.memory_space<vmem>>) offsets(%dma_start3A_7 : memref<128xi32, #tpu.memory_space<vmem>>) semaphore(%dma_start3A_12 : memref<!tpu.dma_semaphore, #tpu.memory_space<semaphore_mem>>)
    %dma_start3A_13 = arith.constant 1 : i32
    %dma_start3A_14 = arith.constant 128 : i32
    %dma_start3A_15 = arith.constant 0 : i32
    %dma_start3A_16 = tpu.memref_slice %arg9[%dma_start3A_14, %dma_start3A_15] : memref<384x128xf32, #tpu.memory_space<vmem>> -> memref<128x128xf32, #tpu.memory_space<vmem>>
    %dma_start3A_17 = arith.constant 128 : i32
    %dma_start3A_18 = tpu.memref_slice %arg8[%dma_start3A_17] : memref<384xi32, #tpu.memory_space<vmem>> -> memref<128xi32, #tpu.memory_space<vmem>>
    %dma_start3A_19 = arith.constant 0 : i32
    %dma_start3A_20 = arith.constant 0 : i32
    %dma_start3A_21 = tpu.memref_slice %arg4[%dma_start3A_19, %dma_start3A_20] : memref<100000x128xf32, #tpu.memory_space<hbm>> -> memref<100000x128xf32, #tpu.memory_space<hbm>>
    %dma_start3A_22 = tpu.memref_slice %arg11[%dma_start3A_13] : memref<3x!tpu.dma_semaphore, #tpu.memory_space<semaphore_mem>> -> memref<1x!tpu.dma_semaphore, #tpu.memory_space<semaphore_mem>>
    %dma_start3A_23 = tpu.memref_squeeze %dma_start3A_22 : memref<1x!tpu.dma_semaphore, #tpu.memory_space<semaphore_mem>> -> memref<!tpu.dma_semaphore, #tpu.memory_space<semaphore_mem>>
    tpu.enqueue_indirect_dma source(%dma_start3A_21 : memref<100000x128xf32, #tpu.memory_space<hbm>>) target(%dma_start3A_16 : memref<128x128xf32, #tpu.memory_space<vmem>>) offsets(%dma_start3A_18 : memref<128xi32, #tpu.memory_space<vmem>>) semaphore(%dma_start3A_23 : memref<!tpu.dma_semaphore, #tpu.memory_space<semaphore_mem>>)
    %dma_start3A_24 = arith.constant 2 : i32
    %dma_start3A_25 = arith.constant 256 : i32
    %dma_start3A_26 = arith.constant 0 : i32
    %dma_start3A_27 = tpu.memref_slice %arg9[%dma_start3A_25, %dma_start3A_26] : memref<384x128xf32, #tpu.memory_space<vmem>> -> memref<128x128xf32, #tpu.memory_space<vmem>>
    %dma_start3A_28 = arith.constant 256 : i32
    %dma_start3A_29 = tpu.memref_slice %arg8[%dma_start3A_28] : memref<384xi32, #tpu.memory_space<vmem>> -> memref<128xi32, #tpu.memory_space<vmem>>
    %dma_start3A_30 = arith.constant 0 : i32
    %dma_start3A_31 = arith.constant 0 : i32
    %dma_start3A_32 = tpu.memref_slice %arg4[%dma_start3A_30, %dma_start3A_31] : memref<100000x128xf32, #tpu.memory_space<hbm>> -> memref<100000x128xf32, #tpu.memory_space<hbm>>
    %dma_start3A_33 = tpu.memref_slice %arg11[%dma_start3A_24] : memref<3x!tpu.dma_semaphore, #tpu.memory_space<semaphore_mem>> -> memref<1x!tpu.dma_semaphore, #tpu.memory_space<semaphore_mem>>
    %dma_start3A_34 = tpu.memref_squeeze %dma_start3A_33 : memref<1x!tpu.dma_semaphore, #tpu.memory_space<semaphore_mem>> -> memref<!tpu.dma_semaphore, #tpu.memory_space<semaphore_mem>>
    tpu.enqueue_indirect_dma source(%dma_start3A_32 : memref<100000x128xf32, #tpu.memory_space<hbm>>) target(%dma_start3A_27 : memref<128x128xf32, #tpu.memory_space<vmem>>) offsets(%dma_start3A_29 : memref<128xi32, #tpu.memory_space<vmem>>) semaphore(%dma_start3A_34 : memref<!tpu.dma_semaphore, #tpu.memory_space<semaphore_mem>>)
    %mul3A_35 = arith.constant 384 : i32
    %mul3A_36 = arith.muli %add3A, %mul3A_35 : i32
    %add3A_37 = arith.constant 0 : i32
    %add3A_38 = arith.addi %add3A_37, %mul3A_36 : i32
    %multiple_of3A_39 = tpu.assume_multiple %add3A_38, 128 : i32
    %dma_start3A_40 = arith.constant 0 : i32
    %dma_start3A_41 = tpu.memref_slice %arg6[%dma_start3A_40] : memref<12288xf32, #tpu.memory_space<vmem>> -> memref<384xf32, #tpu.memory_space<vmem>>
    %dma_start3A_42 = tpu.memref_slice %arg2[%multiple_of3A_39] : memref<393216xf32, #tpu.memory_space<hbm>> -> memref<384xf32, #tpu.memory_space<hbm>>
    %dma_start3A_43 = arith.constant 0 : i32
    %dma_start3A_44 = tpu.memref_slice %arg6[%dma_start3A_43] : memref<12288xf32, #tpu.memory_space<vmem>> -> memref<384xf32, #tpu.memory_space<vmem>>
    %dma_start3A_45 = tpu.memref_slice %arg2[%multiple_of3A_39] : memref<393216xf32, #tpu.memory_space<hbm>> -> memref<384xf32, #tpu.memory_space<hbm>>
    tpu.enqueue_dma source(%dma_start3A_45 : memref<384xf32, #tpu.memory_space<hbm>>) target(%dma_start3A_44 : memref<384xf32, #tpu.memory_space<vmem>>) target_semaphore(%arg12 : memref<!tpu.dma_semaphore, #tpu.memory_space<semaphore_mem>>)
    %mul3A_46 = arith.constant 384 : i32
    %mul3A_47 = arith.muli %add3A, %mul3A_46 : i32
    %add3A_48 = arith.constant 12288 : i32
    %add3A_49 = arith.addi %add3A_48, %mul3A_47 : i32
    %multiple_of3A_50 = tpu.assume_multiple %add3A_49, 128 : i32
    %dma_start3A_51 = arith.constant 384 : i32
    %dma_start3A_52 = tpu.memref_slice %arg6[%dma_start3A_51] : memref<12288xf32, #tpu.memory_space<vmem>> -> memref<384xf32, #tpu.memory_space<vmem>>
    %dma_start3A_53 = tpu.memref_slice %arg2[%multiple_of3A_50] : memref<393216xf32, #tpu.memory_space<hbm>> -> memref<384xf32, #tpu.memory_space<hbm>>
    %dma_start3A_54 = arith.constant 384 : i32
    %dma_start3A_55 = tpu.memref_slice %arg6[%dma_start3A_54] : memref<12288xf32, #tpu.memory_space<vmem>> -> memref<384xf32, #tpu.memory_space<vmem>>
    %dma_start3A_56 = tpu.memref_slice %arg2[%multiple_of3A_50] : memref<393216xf32, #tpu.memory_space<hbm>> -> memref<384xf32, #tpu.memory_space<hbm>>
    tpu.enqueue_dma source(%dma_start3A_56 : memref<384xf32, #tpu.memory_space<hbm>>) target(%dma_start3A_55 : memref<384xf32, #tpu.memory_space<vmem>>) target_semaphore(%arg12 : memref<!tpu.dma_semaphore, #tpu.memory_space<semaphore_mem>>)
    %mul3A_57 = arith.constant 384 : i32
    %mul3A_58 = arith.muli %add3A, %mul3A_57 : i32
    %add3A_59 = arith.constant 24576 : i32
    %add3A_60 = arith.addi %add3A_59, %mul3A_58 : i32
    %multiple_of3A_61 = tpu.assume_multiple %add3A_60, 128 : i32
    %dma_start3A_62 = arith.constant 768 : i32
    %dma_start3A_63 = tpu.memref_slice %arg6[%dma_start3A_62] : memref<12288xf32, #tpu.memory_space<vmem>> -> memref<384xf32, #tpu.memory_space<vmem>>
    %dma_start3A_64 = tpu.memref_slice %arg2[%multiple_of3A_61] : memref<393216xf32, #tpu.memory_space<hbm>> -> memref<384xf32, #tpu.memory_space<hbm>>
    %dma_start3A_65 = arith.constant 768 : i32
    %dma_start3A_66 = tpu.memref_slice %arg6[%dma_start3A_65] : memref<12288xf32, #tpu.memory_space<vmem>> -> memref<384xf32, #tpu.memory_space<vmem>>
    %dma_start3A_67 = tpu.memref_slice %arg2[%multiple_of3A_61] : memref<393216xf32, #tpu.memory_space<hbm>> -> memref<384xf32, #tpu.memory_space<hbm>>
    tpu.enqueue_dma source(%dma_start3A_67 : memref<384xf32, #tpu.memory_space<hbm>>) target(%dma_start3A_66 : memref<384xf32, #tpu.memory_space<vmem>>) target_semaphore(%arg12 : memref<!tpu.dma_semaphore, #tpu.memory_space<semaphore_mem>>)
    %mul3A_68 = arith.constant 384 : i32
    %mul3A_69 = arith.muli %add3A, %mul3A_68 : i32
    %add3A_70 = arith.constant 36864 : i32
    %add3A_71 = arith.addi %add3A_70, %mul3A_69 : i32
    %multiple_of3A_72 = tpu.assume_multiple %add3A_71, 128 : i32
    %dma_start3A_73 = arith.constant 1152 : i32
    %dma_start3A_74 = tpu.memref_slice %arg6[%dma_start3A_73] : memref<12288xf32, #tpu.memory_space<vmem>> -> memref<384xf32, #tpu.memory_space<vmem>>
    %dma_start3A_75 = tpu.memref_slice %arg2[%multiple_of3A_72] : memref<393216xf32, #tpu.memory_space<hbm>> -> memref<384xf32, #tpu.memory_space<hbm>>
    %dma_start3A_76 = arith.constant 1152 : i32
    %dma_start3A_77 = tpu.memref_slice %arg6[%dma_start3A_76] : memref<12288xf32, #tpu.memory_space<vmem>> -> memref<384xf32, #tpu.memory_space<vmem>>
    %dma_start3A_78 = tpu.memref_slice %arg2[%multiple_of3A_72] : memref<393216xf32, #tpu.memory_space<hbm>> -> memref<384xf32, #tpu.memory_space<hbm>>
    tpu.enqueue_dma source(%dma_start3A_78 : memref<384xf32, #tpu.memory_space<hbm>>) target(%dma_start3A_77 : memref<384xf32, #tpu.memory_space<vmem>>) target_semaphore(%arg12 : memref<!tpu.dma_semaphore, #tpu.memory_space<semaphore_mem>>)
    %mul3A_79 = arith.constant 384 : i32
    %mul3A_80 = arith.muli %add3A, %mul3A_79 : i32
    %add3A_81 = arith.constant 49152 : i32
    %add3A_82 = arith.addi %add3A_81, %mul3A_80 : i32
    %multiple_of3A_83 = tpu.assume_multiple %add3A_82, 128 : i32
    %dma_start3A_84 = arith.constant 1536 : i32
    %dma_start3A_85 = tpu.memref_slice %arg6[%dma_start3A_84] : memref<12288xf32, #tpu.memory_space<vmem>> -> memref<384xf32, #tpu.memory_space<vmem>>
    %dma_start3A_86 = tpu.memref_slice %arg2[%multiple_of3A_83] : memref<393216xf32, #tpu.memory_space<hbm>> -> memref<384xf32, #tpu.memory_space<hbm>>
    %dma_start3A_87 = arith.constant 1536 : i32
    %dma_start3A_88 = tpu.memref_slice %arg6[%dma_start3A_87] : memref<12288xf32, #tpu.memory_space<vmem>> -> memref<384xf32, #tpu.memory_space<vmem>>
    %dma_start3A_89 = tpu.memref_slice %arg2[%multiple_of3A_83] : memref<393216xf32, #tpu.memory_space<hbm>> -> memref<384xf32, #tpu.memory_space<hbm>>
    tpu.enqueue_dma source(%dma_start3A_89 : memref<384xf32, #tpu.memory_space<hbm>>) target(%dma_start3A_88 : memref<384xf32, #tpu.memory_space<vmem>>) target_semaphore(%arg12 : memref<!tpu.dma_semaphore, #tpu.memory_space<semaphore_mem>>)
    %mul3A_90 = arith.constant 384 : i32
    %mul3A_91 = arith.muli %add3A, %mul3A_90 : i32
    %add3A_92 = arith.constant 61440 : i32
    %add3A_93 = arith.addi %add3A_92, %mul3A_91 : i32
    %multiple_of3A_94 = tpu.assume_multiple %add3A_93, 128 : i32
    %dma_start3A_95 = arith.constant 1920 : i32
    %dma_start3A_96 = tpu.memref_slice %arg6[%dma_start3A_95] : memref<12288xf32, #tpu.memory_space<vmem>> -> memref<384xf32, #tpu.memory_space<vmem>>
    %dma_start3A_97 = tpu.memref_slice %arg2[%multiple_of3A_94] : memref<393216xf32, #tpu.memory_space<hbm>> -> memref<384xf32, #tpu.memory_space<hbm>>
    %dma_start3A_98 = arith.constant 1920 : i32
    %dma_start3A_99 = tpu.memref_slice %arg6[%dma_start3A_98] : memref<12288xf32, #tpu.memory_space<vmem>> -> memref<384xf32, #tpu.memory_space<vmem>>
    %dma_start3A_100 = tpu.memref_slice %arg2[%multiple_of3A_94] : memref<393216xf32, #tpu.memory_space<hbm>> -> memref<384xf32, #tpu.memory_space<hbm>>
    tpu.enqueue_dma source(%dma_start3A_100 : memref<384xf32, #tpu.memory_space<hbm>>) target(%dma_start3A_99 : memref<384xf32, #tpu.memory_space<vmem>>) target_semaphore(%arg12 : memref<!tpu.dma_semaphore, #tpu.memory_space<semaphore_mem>>)
    %mul3A_101 = arith.constant 384 : i32
    %mul3A_102 = arith.muli %add3A, %mul3A_101 : i32
    %add3A_103 = arith.constant 73728 : i32
    %add3A_104 = arith.addi %add3A_103, %mul3A_102 : i32
    %multiple_of3A_105 = tpu.assume_multiple %add3A_104, 128 : i32
    %dma_start3A_106 = arith.constant 2304 : i32
    %dma_start3A_107 = tpu.memref_slice %arg6[%dma_start3A_106] : memref<12288xf32, #tpu.memory_space<vmem>> -> memref<384xf32, #tpu.memory_space<vmem>>
    %dma_start3A_108 = tpu.memref_slice %arg2[%multiple_of3A_105] : memref<393216xf32, #tpu.memory_space<hbm>> -> memref<384xf32, #tpu.memory_space<hbm>>
    %dma_start3A_109 = arith.constant 2304 : i32
    %dma_start3A_110 = tpu.memref_slice %arg6[%dma_start3A_109] : memref<12288xf32, #tpu.memory_space<vmem>> -> memref<384xf32, #tpu.memory_space<vmem>>
    %dma_start3A_111 = tpu.memref_slice %arg2[%multiple_of3A_105] : memref<393216xf32, #tpu.memory_space<hbm>> -> memref<384xf32, #tpu.memory_space<hbm>>
    tpu.enqueue_dma source(%dma_start3A_111 : memref<384xf32, #tpu.memory_space<hbm>>) target(%dma_start3A_110 : memref<384xf32, #tpu.memory_space<vmem>>) target_semaphore(%arg12 : memref<!tpu.dma_semaphore, #tpu.memory_space<semaphore_mem>>)
    %mul3A_112 = arith.constant 384 : i32
    %mul3A_113 = arith.muli %add3A, %mul3A_112 : i32
    %add3A_114 = arith.constant 86016 : i32
    %add3A_115 = arith.addi %add3A_114, %mul3A_113 : i32
    %multiple_of3A_116 = tpu.assume_multiple %add3A_115, 128 : i32
    %dma_start3A_117 = arith.constant 2688 : i32
    %dma_start3A_118 = tpu.memref_slice %arg6[%dma_start3A_117] : memref<12288xf32, #tpu.memory_space<vmem>> -> memref<384xf32, #tpu.memory_space<vmem>>
    %dma_start3A_119 = tpu.memref_slice %arg2[%multiple_of3A_116] : memref<393216xf32, #tpu.memory_space<hbm>> -> memref<384xf32, #tpu.memory_space<hbm>>
    %dma_start3A_120 = arith.constant 2688 : i32
    %dma_start3A_121 = tpu.memref_slice %arg6[%dma_start3A_120] : memref<12288xf32, #tpu.memory_space<vmem>> -> memref<384xf32, #tpu.memory_space<vmem>>
    %dma_start3A_122 = tpu.memref_slice %arg2[%multiple_of3A_116] : memref<393216xf32, #tpu.memory_space<hbm>> -> memref<384xf32, #tpu.memory_space<hbm>>
    tpu.enqueue_dma source(%dma_start3A_122 : memref<384xf32, #tpu.memory_space<hbm>>) target(%dma_start3A_121 : memref<384xf32, #tpu.memory_space<vmem>>) target_semaphore(%arg12 : memref<!tpu.dma_semaphore, #tpu.memory_space<semaphore_mem>>)
    %mul3A_123 = arith.constant 384 : i32
    %mul3A_124 = arith.muli %add3A, %mul3A_123 : i32
    %add3A_125 = arith.constant 98304 : i32
    %add3A_126 = arith.addi %add3A_125, %mul3A_124 : i32
    %multiple_of3A_127 = tpu.assume_multiple %add3A_126, 128 : i32
    %dma_start3A_128 = arith.constant 3072 : i32
    %dma_start3A_129 = tpu.memref_slice %arg6[%dma_start3A_128] : memref<12288xf32, #tpu.memory_space<vmem>> -> memref<384xf32, #tpu.memory_space<vmem>>
    %dma_start3A_130 = tpu.memref_slice %arg2[%multiple_of3A_127] : memref<393216xf32, #tpu.memory_space<hbm>> -> memref<384xf32, #tpu.memory_space<hbm>>
    %dma_start3A_131 = arith.constant 3072 : i32
    %dma_start3A_132 = tpu.memref_slice %arg6[%dma_start3A_131] : memref<12288xf32, #tpu.memory_space<vmem>> -> memref<384xf32, #tpu.memory_space<vmem>>
    %dma_start3A_133 = tpu.memref_slice %arg2[%multiple_of3A_127] : memref<393216xf32, #tpu.memory_space<hbm>> -> memref<384xf32, #tpu.memory_space<hbm>>
    tpu.enqueue_dma source(%dma_start3A_133 : memref<384xf32, #tpu.memory_space<hbm>>) target(%dma_start3A_132 : memref<384xf32, #tpu.memory_space<vmem>>) target_semaphore(%arg12 : memref<!tpu.dma_semaphore, #tpu.memory_space<semaphore_mem>>)
    %mul3A_134 = arith.constant 384 : i32
    %mul3A_135 = arith.muli %add3A, %mul3A_134 : i32
    %add3A_136 = arith.constant 110592 : i32
    %add3A_137 = arith.addi %add3A_136, %mul3A_135 : i32
    %multiple_of3A_138 = tpu.assume_multiple %add3A_137, 128 : i32
    %dma_start3A_139 = arith.constant 3456 : i32
    %dma_start3A_140 = tpu.memref_slice %arg6[%dma_start3A_139] : memref<12288xf32, #tpu.memory_space<vmem>> -> memref<384xf32, #tpu.memory_space<vmem>>
    %dma_start3A_141 = tpu.memref_slice %arg2[%multiple_of3A_138] : memref<393216xf32, #tpu.memory_space<hbm>> -> memref<384xf32, #tpu.memory_space<hbm>>
    %dma_start3A_142 = arith.constant 3456 : i32
    %dma_start3A_143 = tpu.memref_slice %arg6[%dma_start3A_142] : memref<12288xf32, #tpu.memory_space<vmem>> -> memref<384xf32, #tpu.memory_space<vmem>>
    %dma_start3A_144 = tpu.memref_slice %arg2[%multiple_of3A_138] : memref<393216xf32, #tpu.memory_space<hbm>> -> memref<384xf32, #tpu.memory_space<hbm>>
    tpu.enqueue_dma source(%dma_start3A_144 : memref<384xf32, #tpu.memory_space<hbm>>) target(%dma_start3A_143 : memref<384xf32, #tpu.memory_space<vmem>>) target_semaphore(%arg12 : memref<!tpu.dma_semaphore, #tpu.memory_space<semaphore_mem>>)
    %mul3A_145 = arith.constant 384 : i32
    %mul3A_146 = arith.muli %add3A, %mul3A_145 : i32
    %add3A_147 = arith.constant 122880 : i32
    %add3A_148 = arith.addi %add3A_147, %mul3A_146 : i32
    %multiple_of3A_149 = tpu.assume_multiple %add3A_148, 128 : i32
    %dma_start3A_150 = arith.constant 3840 : i32
    %dma_start3A_151 = tpu.memref_slice %arg6[%dma_start3A_150] : memref<12288xf32, #tpu.memory_space<vmem>> -> memref<384xf32, #tpu.memory_space<vmem>>
    %dma_start3A_152 = tpu.memref_slice %arg2[%multiple_of3A_149] : memref<393216xf32, #tpu.memory_space<hbm>> -> memref<384xf32, #tpu.memory_space<hbm>>
    %dma_start3A_153 = arith.constant 3840 : i32
    %dma_start3A_154 = tpu.memref_slice %arg6[%dma_start3A_153] : memref<12288xf32, #tpu.memory_space<vmem>> -> memref<384xf32, #tpu.memory_space<vmem>>
    %dma_start3A_155 = tpu.memref_slice %arg2[%multiple_of3A_149] : memref<393216xf32, #tpu.memory_space<hbm>> -> memref<384xf32, #tpu.memory_space<hbm>>
    tpu.enqueue_dma source(%dma_start3A_155 : memref<384xf32, #tpu.memory_space<hbm>>) target(%dma_start3A_154 : memref<384xf32, #tpu.memory_space<vmem>>) target_semaphore(%arg12 : memref<!tpu.dma_semaphore, #tpu.memory_space<semaphore_mem>>)
    %mul3A_156 = arith.constant 384 : i32
    %mul3A_157 = arith.muli %add3A, %mul3A_156 : i32
    %add3A_158 = arith.constant 135168 : i32
    %add3A_159 = arith.addi %add3A_158, %mul3A_157 : i32
    %multiple_of3A_160 = tpu.assume_multiple %add3A_159, 128 : i32
    %dma_start3A_161 = arith.constant 4224 : i32
    %dma_start3A_162 = tpu.memref_slice %arg6[%dma_start3A_161] : memref<12288xf32, #tpu.memory_space<vmem>> -> memref<384xf32, #tpu.memory_space<vmem>>
    %dma_start3A_163 = tpu.memref_slice %arg2[%multiple_of3A_160] : memref<393216xf32, #tpu.memory_space<hbm>> -> memref<384xf32, #tpu.memory_space<hbm>>
    %dma_start3A_164 = arith.constant 4224 : i32
    %dma_start3A_165 = tpu.memref_slice %arg6[%dma_start3A_164] : memref<12288xf32, #tpu.memory_space<vmem>> -> memref<384xf32, #tpu.memory_space<vmem>>
    %dma_start3A_166 = tpu.memref_slice %arg2[%multiple_of3A_160] : memref<393216xf32, #tpu.memory_space<hbm>> -> memref<384xf32, #tpu.memory_space<hbm>>
    tpu.enqueue_dma source(%dma_start3A_166 : memref<384xf32, #tpu.memory_space<hbm>>) target(%dma_start3A_165 : memref<384xf32, #tpu.memory_space<vmem>>) target_semaphore(%arg12 : memref<!tpu.dma_semaphore, #tpu.memory_space<semaphore_mem>>)
    %mul3A_167 = arith.constant 384 : i32
    %mul3A_168 = arith.muli %add3A, %mul3A_167 : i32
    %add3A_169 = arith.constant 147456 : i32
    %add3A_170 = arith.addi %add3A_169, %mul3A_168 : i32
    %multiple_of3A_171 = tpu.assume_multiple %add3A_170, 128 : i32
    %dma_start3A_172 = arith.constant 4608 : i32
    %dma_start3A_173 = tpu.memref_slice %arg6[%dma_start3A_172] : memref<12288xf32, #tpu.memory_space<vmem>> -> memref<384xf32, #tpu.memory_space<vmem>>
    %dma_start3A_174 = tpu.memref_slice %arg2[%multiple_of3A_171] : memref<393216xf32, #tpu.memory_space<hbm>> -> memref<384xf32, #tpu.memory_space<hbm>>
    %dma_start3A_175 = arith.constant 4608 : i32
    %dma_start3A_176 = tpu.memref_slice %arg6[%dma_start3A_175] : memref<12288xf32, #tpu.memory_space<vmem>> -> memref<384xf32, #tpu.memory_space<vmem>>
    %dma_start3A_177 = tpu.memref_slice %arg2[%multiple_of3A_171] : memref<393216xf32, #tpu.memory_space<hbm>> -> memref<384xf32, #tpu.memory_space<hbm>>
    tpu.enqueue_dma source(%dma_start3A_177 : memref<384xf32, #tpu.memory_space<hbm>>) target(%dma_start3A_176 : memref<384xf32, #tpu.memory_space<vmem>>) target_semaphore(%arg12 : memref<!tpu.dma_semaphore, #tpu.memory_space<semaphore_mem>>)
    %mul3A_178 = arith.constant 384 : i32
    %mul3A_179 = arith.muli %add3A, %mul3A_178 : i32
    %add3A_180 = arith.constant 159744 : i32
    %add3A_181 = arith.addi %add3A_180, %mul3A_179 : i32
    %multiple_of3A_182 = tpu.assume_multiple %add3A_181, 128 : i32
    %dma_start3A_183 = arith.constant 4992 : i32
    %dma_start3A_184 = tpu.memref_slice %arg6[%dma_start3A_183] : memref<12288xf32, #tpu.memory_space<vmem>> -> memref<384xf32, #tpu.memory_space<vmem>>
    %dma_start3A_185 = tpu.memref_slice %arg2[%multiple_of3A_182] : memref<393216xf32, #tpu.memory_space<hbm>> -> memref<384xf32, #tpu.memory_space<hbm>>
    %dma_start3A_186 = arith.constant 4992 : i32
    %dma_start3A_187 = tpu.memref_slice %arg6[%dma_start3A_186] : memref<12288xf32, #tpu.memory_space<vmem>> -> memref<384xf32, #tpu.memory_space<vmem>>
    %dma_start3A_188 = tpu.memref_slice %arg2[%multiple_of3A_182] : memref<393216xf32, #tpu.memory_space<hbm>> -> memref<384xf32, #tpu.memory_space<hbm>>
    tpu.enqueue_dma source(%dma_start3A_188 : memref<384xf32, #tpu.memory_space<hbm>>) target(%dma_start3A_187 : memref<384xf32, #tpu.memory_space<vmem>>) target_semaphore(%arg12 : memref<!tpu.dma_semaphore, #tpu.memory_space<semaphore_mem>>)
    %mul3A_189 = arith.constant 384 : i32
    %mul3A_190 = arith.muli %add3A, %mul3A_189 : i32
    %add3A_191 = arith.constant 172032 : i32
    %add3A_192 = arith.addi %add3A_191, %mul3A_190 : i32
    %multiple_of3A_193 = tpu.assume_multiple %add3A_192, 128 : i32
    %dma_start3A_194 = arith.constant 5376 : i32
    %dma_start3A_195 = tpu.memref_slice %arg6[%dma_start3A_194] : memref<12288xf32, #tpu.memory_space<vmem>> -> memref<384xf32, #tpu.memory_space<vmem>>
    %dma_start3A_196 = tpu.memref_slice %arg2[%multiple_of3A_193] : memref<393216xf32, #tpu.memory_space<hbm>> -> memref<384xf32, #tpu.memory_space<hbm>>
    %dma_start3A_197 = arith.constant 5376 : i32
    %dma_start3A_198 = tpu.memref_slice %arg6[%dma_start3A_197] : memref<12288xf32, #tpu.memory_space<vmem>> -> memref<384xf32, #tpu.memory_space<vmem>>
    %dma_start3A_199 = tpu.memref_slice %arg2[%multiple_of3A_193] : memref<393216xf32, #tpu.memory_space<hbm>> -> memref<384xf32, #tpu.memory_space<hbm>>
    tpu.enqueue_dma source(%dma_start3A_199 : memref<384xf32, #tpu.memory_space<hbm>>) target(%dma_start3A_198 : memref<384xf32, #tpu.memory_space<vmem>>) target_semaphore(%arg12 : memref<!tpu.dma_semaphore, #tpu.memory_space<semaphore_mem>>)
    %mul3A_200 = arith.constant 384 : i32
    %mul3A_201 = arith.muli %add3A, %mul3A_200 : i32
    %add3A_202 = arith.constant 184320 : i32
    %add3A_203 = arith.addi %add3A_202, %mul3A_201 : i32
    %multiple_of3A_204 = tpu.assume_multiple %add3A_203, 128 : i32
    %dma_start3A_205 = arith.constant 5760 : i32
    %dma_start3A_206 = tpu.memref_slice %arg6[%dma_start3A_205] : memref<12288xf32, #tpu.memory_space<vmem>> -> memref<384xf32, #tpu.memory_space<vmem>>
    %dma_start3A_207 = tpu.memref_slice %arg2[%multiple_of3A_204] : memref<393216xf32, #tpu.memory_space<hbm>> -> memref<384xf32, #tpu.memory_space<hbm>>
    %dma_start3A_208 = arith.constant 5760 : i32
    %dma_start3A_209 = tpu.memref_slice %arg6[%dma_start3A_208] : memref<12288xf32, #tpu.memory_space<vmem>> -> memref<384xf32, #tpu.memory_space<vmem>>
    %dma_start3A_210 = tpu.memref_slice %arg2[%multiple_of3A_204] : memref<393216xf32, #tpu.memory_space<hbm>> -> memref<384xf32, #tpu.memory_space<hbm>>
    tpu.enqueue_dma source(%dma_start3A_210 : memref<384xf32, #tpu.memory_space<hbm>>) target(%dma_start3A_209 : memref<384xf32, #tpu.memory_space<vmem>>) target_semaphore(%arg12 : memref<!tpu.dma_semaphore, #tpu.memory_space<semaphore_mem>>)
    %mul3A_211 = arith.constant 384 : i32
    %mul3A_212 = arith.muli %add3A, %mul3A_211 : i32
    %add3A_213 = arith.constant 196608 : i32
    %add3A_214 = arith.addi %add3A_213, %mul3A_212 : i32
    %multiple_of3A_215 = tpu.assume_multiple %add3A_214, 128 : i32
    %dma_start3A_216 = arith.constant 6144 : i32
    %dma_start3A_217 = tpu.memref_slice %arg6[%dma_start3A_216] : memref<12288xf32, #tpu.memory_space<vmem>> -> memref<384xf32, #tpu.memory_space<vmem>>
    %dma_start3A_218 = tpu.memref_slice %arg2[%multiple_of3A_215] : memref<393216xf32, #tpu.memory_space<hbm>> -> memref<384xf32, #tpu.memory_space<hbm>>
    %dma_start3A_219 = arith.constant 6144 : i32
    %dma_start3A_220 = tpu.memref_slice %arg6[%dma_start3A_219] : memref<12288xf32, #tpu.memory_space<vmem>> -> memref<384xf32, #tpu.memory_space<vmem>>
    %dma_start3A_221 = tpu.memref_slice %arg2[%multiple_of3A_215] : memref<393216xf32, #tpu.memory_space<hbm>> -> memref<384xf32, #tpu.memory_space<hbm>>
    tpu.enqueue_dma source(%dma_start3A_221 : memref<384xf32, #tpu.memory_space<hbm>>) target(%dma_start3A_220 : memref<384xf32, #tpu.memory_space<vmem>>) target_semaphore(%arg12 : memref<!tpu.dma_semaphore, #tpu.memory_space<semaphore_mem>>)
    %mul3A_222 = arith.constant 384 : i32
    %mul3A_223 = arith.muli %add3A, %mul3A_222 : i32
    %add3A_224 = arith.constant 208896 : i32
    %add3A_225 = arith.addi %add3A_224, %mul3A_223 : i32
    %multiple_of3A_226 = tpu.assume_multiple %add3A_225, 128 : i32
    %dma_start3A_227 = arith.constant 6528 : i32
    %dma_start3A_228 = tpu.memref_slice %arg6[%dma_start3A_227] : memref<12288xf32, #tpu.memory_space<vmem>> -> memref<384xf32, #tpu.memory_space<vmem>>
    %dma_start3A_229 = tpu.memref_slice %arg2[%multiple_of3A_226] : memref<393216xf32, #tpu.memory_space<hbm>> -> memref<384xf32, #tpu.memory_space<hbm>>
    %dma_start3A_230 = arith.constant 6528 : i32
    %dma_start3A_231 = tpu.memref_slice %arg6[%dma_start3A_230] : memref<12288xf32, #tpu.memory_space<vmem>> -> memref<384xf32, #tpu.memory_space<vmem>>
    %dma_start3A_232 = tpu.memref_slice %arg2[%multiple_of3A_226] : memref<393216xf32, #tpu.memory_space<hbm>> -> memref<384xf32, #tpu.memory_space<hbm>>
    tpu.enqueue_dma source(%dma_start3A_232 : memref<384xf32, #tpu.memory_space<hbm>>) target(%dma_start3A_231 : memref<384xf32, #tpu.memory_space<vmem>>) target_semaphore(%arg12 : memref<!tpu.dma_semaphore, #tpu.memory_space<semaphore_mem>>)
    %mul3A_233 = arith.constant 384 : i32
    %mul3A_234 = arith.muli %add3A, %mul3A_233 : i32
    %add3A_235 = arith.constant 221184 : i32
    %add3A_236 = arith.addi %add3A_235, %mul3A_234 : i32
    %multiple_of3A_237 = tpu.assume_multiple %add3A_236, 128 : i32
    %dma_start3A_238 = arith.constant 6912 : i32
    %dma_start3A_239 = tpu.memref_slice %arg6[%dma_start3A_238] : memref<12288xf32, #tpu.memory_space<vmem>> -> memref<384xf32, #tpu.memory_space<vmem>>
    %dma_start3A_240 = tpu.memref_slice %arg2[%multiple_of3A_237] : memref<393216xf32, #tpu.memory_space<hbm>> -> memref<384xf32, #tpu.memory_space<hbm>>
    %dma_start3A_241 = arith.constant 6912 : i32
    %dma_start3A_242 = tpu.memref_slice %arg6[%dma_start3A_241] : memref<12288xf32, #tpu.memory_space<vmem>> -> memref<384xf32, #tpu.memory_space<vmem>>
    %dma_start3A_243 = tpu.memref_slice %arg2[%multiple_of3A_237] : memref<393216xf32, #tpu.memory_space<hbm>> -> memref<384xf32, #tpu.memory_space<hbm>>
    tpu.enqueue_dma source(%dma_start3A_243 : memref<384xf32, #tpu.memory_space<hbm>>) target(%dma_start3A_242 : memref<384xf32, #tpu.memory_space<vmem>>) target_semaphore(%arg12 : memref<!tpu.dma_semaphore, #tpu.memory_space<semaphore_mem>>)
    %mul3A_244 = arith.constant 384 : i32
    %mul3A_245 = arith.muli %add3A, %mul3A_244 : i32
    %add3A_246 = arith.constant 233472 : i32
    %add3A_247 = arith.addi %add3A_246, %mul3A_245 : i32
    %multiple_of3A_248 = tpu.assume_multiple %add3A_247, 128 : i32
    %dma_start3A_249 = arith.constant 7296 : i32
    %dma_start3A_250 = tpu.memref_slice %arg6[%dma_start3A_249] : memref<12288xf32, #tpu.memory_space<vmem>> -> memref<384xf32, #tpu.memory_space<vmem>>
    %dma_start3A_251 = tpu.memref_slice %arg2[%multiple_of3A_248] : memref<393216xf32, #tpu.memory_space<hbm>> -> memref<384xf32, #tpu.memory_space<hbm>>
    %dma_start3A_252 = arith.constant 7296 : i32
    %dma_start3A_253 = tpu.memref_slice %arg6[%dma_start3A_252] : memref<12288xf32, #tpu.memory_space<vmem>> -> memref<384xf32, #tpu.memory_space<vmem>>
    %dma_start3A_254 = tpu.memref_slice %arg2[%multiple_of3A_248] : memref<393216xf32, #tpu.memory_space<hbm>> -> memref<384xf32, #tpu.memory_space<hbm>>
    tpu.enqueue_dma source(%dma_start3A_254 : memref<384xf32, #tpu.memory_space<hbm>>) target(%dma_start3A_253 : memref<384xf32, #tpu.memory_space<vmem>>) target_semaphore(%arg12 : memref<!tpu.dma_semaphore, #tpu.memory_space<semaphore_mem>>)
    %mul3A_255 = arith.constant 384 : i32
    %mul3A_256 = arith.muli %add3A, %mul3A_255 : i32
    %add3A_257 = arith.constant 245760 : i32
    %add3A_258 = arith.addi %add3A_257, %mul3A_256 : i32
    %multiple_of3A_259 = tpu.assume_multiple %add3A_258, 128 : i32
    %dma_start3A_260 = arith.constant 7680 : i32
    %dma_start3A_261 = tpu.memref_slice %arg6[%dma_start3A_260] : memref<12288xf32, #tpu.memory_space<vmem>> -> memref<384xf32, #tpu.memory_space<vmem>>
    %dma_start3A_262 = tpu.memref_slice %arg2[%multiple_of3A_259] : memref<393216xf32, #tpu.memory_space<hbm>> -> memref<384xf32, #tpu.memory_space<hbm>>
    %dma_start3A_263 = arith.constant 7680 : i32
    %dma_start3A_264 = tpu.memref_slice %arg6[%dma_start3A_263] : memref<12288xf32, #tpu.memory_space<vmem>> -> memref<384xf32, #tpu.memory_space<vmem>>
    %dma_start3A_265 = tpu.memref_slice %arg2[%multiple_of3A_259] : memref<393216xf32, #tpu.memory_space<hbm>> -> memref<384xf32, #tpu.memory_space<hbm>>
    tpu.enqueue_dma source(%dma_start3A_265 : memref<384xf32, #tpu.memory_space<hbm>>) target(%dma_start3A_264 : memref<384xf32, #tpu.memory_space<vmem>>) target_semaphore(%arg12 : memref<!tpu.dma_semaphore, #tpu.memory_space<semaphore_mem>>)
    %mul3A_266 = arith.constant 384 : i32
    %mul3A_267 = arith.muli %add3A, %mul3A_266 : i32
    %add3A_268 = arith.constant 258048 : i32
    %add3A_269 = arith.addi %add3A_268, %mul3A_267 : i32
    %multiple_of3A_270 = tpu.assume_multiple %add3A_269, 128 : i32
    %dma_start3A_271 = arith.constant 8064 : i32
    %dma_start3A_272 = tpu.memref_slice %arg6[%dma_start3A_271] : memref<12288xf32, #tpu.memory_space<vmem>> -> memref<384xf32, #tpu.memory_space<vmem>>
    %dma_start3A_273 = tpu.memref_slice %arg2[%multiple_of3A_270] : memref<393216xf32, #tpu.memory_space<hbm>> -> memref<384xf32, #tpu.memory_space<hbm>>
    %dma_start3A_274 = arith.constant 8064 : i32
    %dma_start3A_275 = tpu.memref_slice %arg6[%dma_start3A_274] : memref<12288xf32, #tpu.memory_space<vmem>> -> memref<384xf32, #tpu.memory_space<vmem>>
    %dma_start3A_276 = tpu.memref_slice %arg2[%multiple_of3A_270] : memref<393216xf32, #tpu.memory_space<hbm>> -> memref<384xf32, #tpu.memory_space<hbm>>
    tpu.enqueue_dma source(%dma_start3A_276 : memref<384xf32, #tpu.memory_space<hbm>>) target(%dma_start3A_275 : memref<384xf32, #tpu.memory_space<vmem>>) target_semaphore(%arg12 : memref<!tpu.dma_semaphore, #tpu.memory_space<semaphore_mem>>)
    %mul3A_277 = arith.constant 384 : i32
    %mul3A_278 = arith.muli %add3A, %mul3A_277 : i32
    %add3A_279 = arith.constant 270336 : i32
    %add3A_280 = arith.addi %add3A_279, %mul3A_278 : i32
    %multiple_of3A_281 = tpu.assume_multiple %add3A_280, 128 : i32
    %dma_start3A_282 = arith.constant 8448 : i32
    %dma_start3A_283 = tpu.memref_slice %arg6[%dma_start3A_282] : memref<12288xf32, #tpu.memory_space<vmem>> -> memref<384xf32, #tpu.memory_space<vmem>>
    %dma_start3A_284 = tpu.memref_slice %arg2[%multiple_of3A_281] : memref<393216xf32, #tpu.memory_space<hbm>> -> memref<384xf32, #tpu.memory_space<hbm>>
    %dma_start3A_285 = arith.constant 8448 : i32
    %dma_start3A_286 = tpu.memref_slice %arg6[%dma_start3A_285] : memref<12288xf32, #tpu.memory_space<vmem>> -> memref<384xf32, #tpu.memory_space<vmem>>
    %dma_start3A_287 = tpu.memref_slice %arg2[%multiple_of3A_281] : memref<393216xf32, #tpu.memory_space<hbm>> -> memref<384xf32, #tpu.memory_space<hbm>>
    tpu.enqueue_dma source(%dma_start3A_287 : memref<384xf32, #tpu.memory_space<hbm>>) target(%dma_start3A_286 : memref<384xf32, #tpu.memory_space<vmem>>) target_semaphore(%arg12 : memref<!tpu.dma_semaphore, #tpu.memory_space<semaphore_mem>>)
    %mul3A_288 = arith.constant 384 : i32
    %mul3A_289 = arith.muli %add3A, %mul3A_288 : i32
    %add3A_290 = arith.constant 282624 : i32
    %add3A_291 = arith.addi %add3A_290, %mul3A_289 : i32
    %multiple_of3A_292 = tpu.assume_multiple %add3A_291, 128 : i32
    %dma_start3A_293 = arith.constant 8832 : i32
    %dma_start3A_294 = tpu.memref_slice %arg6[%dma_start3A_293] : memref<12288xf32, #tpu.memory_space<vmem>> -> memref<384xf32, #tpu.memory_space<vmem>>
    %dma_start3A_295 = tpu.memref_slice %arg2[%multiple_of3A_292] : memref<393216xf32, #tpu.memory_space<hbm>> -> memref<384xf32, #tpu.memory_space<hbm>>
    %dma_start3A_296 = arith.constant 8832 : i32
    %dma_start3A_297 = tpu.memref_slice %arg6[%dma_start3A_296] : memref<12288xf32, #tpu.memory_space<vmem>> -> memref<384xf32, #tpu.memory_space<vmem>>
    %dma_start3A_298 = tpu.memref_slice %arg2[%multiple_of3A_292] : memref<393216xf32, #tpu.memory_space<hbm>> -> memref<384xf32, #tpu.memory_space<hbm>>
    tpu.enqueue_dma source(%dma_start3A_298 : memref<384xf32, #tpu.memory_space<hbm>>) target(%dma_start3A_297 : memref<384xf32, #tpu.memory_space<vmem>>) target_semaphore(%arg12 : memref<!tpu.dma_semaphore, #tpu.memory_space<semaphore_mem>>)
    %mul3A_299 = arith.constant 384 : i32
    %mul3A_300 = arith.muli %add3A, %mul3A_299 : i32
    %add3A_301 = arith.constant 294912 : i32
    %add3A_302 = arith.addi %add3A_301, %mul3A_300 : i32
    %multiple_of3A_303 = tpu.assume_multiple %add3A_302, 128 : i32
    %dma_start3A_304 = arith.constant 9216 : i32
    %dma_start3A_305 = tpu.memref_slice %arg6[%dma_start3A_304] : memref<12288xf32, #tpu.memory_space<vmem>> -> memref<384xf32, #tpu.memory_space<vmem>>
    %dma_start3A_306 = tpu.memref_slice %arg2[%multiple_of3A_303] : memref<393216xf32, #tpu.memory_space<hbm>> -> memref<384xf32, #tpu.memory_space<hbm>>
    %dma_start3A_307 = arith.constant 9216 : i32
    %dma_start3A_308 = tpu.memref_slice %arg6[%dma_start3A_307] : memref<12288xf32, #tpu.memory_space<vmem>> -> memref<384xf32, #tpu.memory_space<vmem>>
    %dma_start3A_309 = tpu.memref_slice %arg2[%multiple_of3A_303] : memref<393216xf32, #tpu.memory_space<hbm>> -> memref<384xf32, #tpu.memory_space<hbm>>
    tpu.enqueue_dma source(%dma_start3A_309 : memref<384xf32, #tpu.memory_space<hbm>>) target(%dma_start3A_308 : memref<384xf32, #tpu.memory_space<vmem>>) target_semaphore(%arg12 : memref<!tpu.dma_semaphore, #tpu.memory_space<semaphore_mem>>)
    %mul3A_310 = arith.constant 384 : i32
    %mul3A_311 = arith.muli %add3A, %mul3A_310 : i32
    %add3A_312 = arith.constant 307200 : i32
    %add3A_313 = arith.addi %add3A_312, %mul3A_311 : i32
    %multiple_of3A_314 = tpu.assume_multiple %add3A_313, 128 : i32
    %dma_start3A_315 = arith.constant 9600 : i32
    %dma_start3A_316 = tpu.memref_slice %arg6[%dma_start3A_315] : memref<12288xf32, #tpu.memory_space<vmem>> -> memref<384xf32, #tpu.memory_space<vmem>>
    %dma_start3A_317 = tpu.memref_slice %arg2[%multiple_of3A_314] : memref<393216xf32, #tpu.memory_space<hbm>> -> memref<384xf32, #tpu.memory_space<hbm>>
    %dma_start3A_318 = arith.constant 9600 : i32
    %dma_start3A_319 = tpu.memref_slice %arg6[%dma_start3A_318] : memref<12288xf32, #tpu.memory_space<vmem>> -> memref<384xf32, #tpu.memory_space<vmem>>
    %dma_start3A_320 = tpu.memref_slice %arg2[%multiple_of3A_314] : memref<393216xf32, #tpu.memory_space<hbm>> -> memref<384xf32, #tpu.memory_space<hbm>>
    tpu.enqueue_dma source(%dma_start3A_320 : memref<384xf32, #tpu.memory_space<hbm>>) target(%dma_start3A_319 : memref<384xf32, #tpu.memory_space<vmem>>) target_semaphore(%arg12 : memref<!tpu.dma_semaphore, #tpu.memory_space<semaphore_mem>>)
    %mul3A_321 = arith.constant 384 : i32
    %mul3A_322 = arith.muli %add3A, %mul3A_321 : i32
    %add3A_323 = arith.constant 319488 : i32
    %add3A_324 = arith.addi %add3A_323, %mul3A_322 : i32
    %multiple_of3A_325 = tpu.assume_multiple %add3A_324, 128 : i32
    %dma_start3A_326 = arith.constant 9984 : i32
    %dma_start3A_327 = tpu.memref_slice %arg6[%dma_start3A_326] : memref<12288xf32, #tpu.memory_space<vmem>> -> memref<384xf32, #tpu.memory_space<vmem>>
    %dma_start3A_328 = tpu.memref_slice %arg2[%multiple_of3A_325] : memref<393216xf32, #tpu.memory_space<hbm>> -> memref<384xf32, #tpu.memory_space<hbm>>
    %dma_start3A_329 = arith.constant 9984 : i32
    %dma_start3A_330 = tpu.memref_slice %arg6[%dma_start3A_329] : memref<12288xf32, #tpu.memory_space<vmem>> -> memref<384xf32, #tpu.memory_space<vmem>>
    %dma_start3A_331 = tpu.memref_slice %arg2[%multiple_of3A_325] : memref<393216xf32, #tpu.memory_space<hbm>> -> memref<384xf32, #tpu.memory_space<hbm>>
    tpu.enqueue_dma source(%dma_start3A_331 : memref<384xf32, #tpu.memory_space<hbm>>) target(%dma_start3A_330 : memref<384xf32, #tpu.memory_space<vmem>>) target_semaphore(%arg12 : memref<!tpu.dma_semaphore, #tpu.memory_space<semaphore_mem>>)
    %mul3A_332 = arith.constant 384 : i32
    %mul3A_333 = arith.muli %add3A, %mul3A_332 : i32
    %add3A_334 = arith.constant 331776 : i32
    %add3A_335 = arith.addi %add3A_334, %mul3A_333 : i32
    %multiple_of3A_336 = tpu.assume_multiple %add3A_335, 128 : i32
    %dma_start3A_337 = arith.constant 10368 : i32
    %dma_start3A_338 = tpu.memref_slice %arg6[%dma_start3A_337] : memref<12288xf32, #tpu.memory_space<vmem>> -> memref<384xf32, #tpu.memory_space<vmem>>
    %dma_start3A_339 = tpu.memref_slice %arg2[%multiple_of3A_336] : memref<393216xf32, #tpu.memory_space<hbm>> -> memref<384xf32, #tpu.memory_space<hbm>>
    %dma_start3A_340 = arith.constant 10368 : i32
    %dma_start3A_341 = tpu.memref_slice %arg6[%dma_start3A_340] : memref<12288xf32, #tpu.memory_space<vmem>> -> memref<384xf32, #tpu.memory_space<vmem>>
    %dma_start3A_342 = tpu.memref_slice %arg2[%multiple_of3A_336] : memref<393216xf32, #tpu.memory_space<hbm>> -> memref<384xf32, #tpu.memory_space<hbm>>
    tpu.enqueue_dma source(%dma_start3A_342 : memref<384xf32, #tpu.memory_space<hbm>>) target(%dma_start3A_341 : memref<384xf32, #tpu.memory_space<vmem>>) target_semaphore(%arg12 : memref<!tpu.dma_semaphore, #tpu.memory_space<semaphore_mem>>)
    %mul3A_343 = arith.constant 384 : i32
    %mul3A_344 = arith.muli %add3A, %mul3A_343 : i32
    %add3A_345 = arith.constant 344064 : i32
    %add3A_346 = arith.addi %add3A_345, %mul3A_344 : i32
    %multiple_of3A_347 = tpu.assume_multiple %add3A_346, 128 : i32
    %dma_start3A_348 = arith.constant 10752 : i32
    %dma_start3A_349 = tpu.memref_slice %arg6[%dma_start3A_348] : memref<12288xf32, #tpu.memory_space<vmem>> -> memref<384xf32, #tpu.memory_space<vmem>>
    %dma_start3A_350 = tpu.memref_slice %arg2[%multiple_of3A_347] : memref<393216xf32, #tpu.memory_space<hbm>> -> memref<384xf32, #tpu.memory_space<hbm>>
    %dma_start3A_351 = arith.constant 10752 : i32
    %dma_start3A_352 = tpu.memref_slice %arg6[%dma_start3A_351] : memref<12288xf32, #tpu.memory_space<vmem>> -> memref<384xf32, #tpu.memory_space<vmem>>
    %dma_start3A_353 = tpu.memref_slice %arg2[%multiple_of3A_347] : memref<393216xf32, #tpu.memory_space<hbm>> -> memref<384xf32, #tpu.memory_space<hbm>>
    tpu.enqueue_dma source(%dma_start3A_353 : memref<384xf32, #tpu.memory_space<hbm>>) target(%dma_start3A_352 : memref<384xf32, #tpu.memory_space<vmem>>) target_semaphore(%arg12 : memref<!tpu.dma_semaphore, #tpu.memory_space<semaphore_mem>>)
    %mul3A_354 = arith.constant 384 : i32
    %mul3A_355 = arith.muli %add3A, %mul3A_354 : i32
    %add3A_356 = arith.constant 356352 : i32
    %add3A_357 = arith.addi %add3A_356, %mul3A_355 : i32
    %multiple_of3A_358 = tpu.assume_multiple %add3A_357, 128 : i32
    %dma_start3A_359 = arith.constant 11136 : i32
    %dma_start3A_360 = tpu.memref_slice %arg6[%dma_start3A_359] : memref<12288xf32, #tpu.memory_space<vmem>> -> memref<384xf32, #tpu.memory_space<vmem>>
    %dma_start3A_361 = tpu.memref_slice %arg2[%multiple_of3A_358] : memref<393216xf32, #tpu.memory_space<hbm>> -> memref<384xf32, #tpu.memory_space<hbm>>
    %dma_start3A_362 = arith.constant 11136 : i32
    %dma_start3A_363 = tpu.memref_slice %arg6[%dma_start3A_362] : memref<12288xf32, #tpu.memory_space<vmem>> -> memref<384xf32, #tpu.memory_space<vmem>>
    %dma_start3A_364 = tpu.memref_slice %arg2[%multiple_of3A_358] : memref<393216xf32, #tpu.memory_space<hbm>> -> memref<384xf32, #tpu.memory_space<hbm>>
    tpu.enqueue_dma source(%dma_start3A_364 : memref<384xf32, #tpu.memory_space<hbm>>) target(%dma_start3A_363 : memref<384xf32, #tpu.memory_space<vmem>>) target_semaphore(%arg12 : memref<!tpu.dma_semaphore, #tpu.memory_space<semaphore_mem>>)
    %mul3A_365 = arith.constant 384 : i32
    %mul3A_366 = arith.muli %add3A, %mul3A_365 : i32
    %add3A_367 = arith.constant 368640 : i32
    %add3A_368 = arith.addi %add3A_367, %mul3A_366 : i32
    %multiple_of3A_369 = tpu.assume_multiple %add3A_368, 128 : i32
    %dma_start3A_370 = arith.constant 11520 : i32
    %dma_start3A_371 = tpu.memref_slice %arg6[%dma_start3A_370] : memref<12288xf32, #tpu.memory_space<vmem>> -> memref<384xf32, #tpu.memory_space<vmem>>
    %dma_start3A_372 = tpu.memref_slice %arg2[%multiple_of3A_369] : memref<393216xf32, #tpu.memory_space<hbm>> -> memref<384xf32, #tpu.memory_space<hbm>>
    %dma_start3A_373 = arith.constant 11520 : i32
    %dma_start3A_374 = tpu.memref_slice %arg6[%dma_start3A_373] : memref<12288xf32, #tpu.memory_space<vmem>> -> memref<384xf32, #tpu.memory_space<vmem>>
    %dma_start3A_375 = tpu.memref_slice %arg2[%multiple_of3A_369] : memref<393216xf32, #tpu.memory_space<hbm>> -> memref<384xf32, #tpu.memory_space<hbm>>
    tpu.enqueue_dma source(%dma_start3A_375 : memref<384xf32, #tpu.memory_space<hbm>>) target(%dma_start3A_374 : memref<384xf32, #tpu.memory_space<vmem>>) target_semaphore(%arg12 : memref<!tpu.dma_semaphore, #tpu.memory_space<semaphore_mem>>)
    %mul3A_376 = arith.constant 384 : i32
    %mul3A_377 = arith.muli %add3A, %mul3A_376 : i32
    %add3A_378 = arith.constant 380928 : i32
    %add3A_379 = arith.addi %add3A_378, %mul3A_377 : i32
    %multiple_of3A_380 = tpu.assume_multiple %add3A_379, 128 : i32
    %dma_start3A_381 = arith.constant 11904 : i32
    %dma_start3A_382 = tpu.memref_slice %arg6[%dma_start3A_381] : memref<12288xf32, #tpu.memory_space<vmem>> -> memref<384xf32, #tpu.memory_space<vmem>>
    %dma_start3A_383 = tpu.memref_slice %arg2[%multiple_of3A_380] : memref<393216xf32, #tpu.memory_space<hbm>> -> memref<384xf32, #tpu.memory_space<hbm>>
    %dma_start3A_384 = arith.constant 11904 : i32
    %dma_start3A_385 = tpu.memref_slice %arg6[%dma_start3A_384] : memref<12288xf32, #tpu.memory_space<vmem>> -> memref<384xf32, #tpu.memory_space<vmem>>
    %dma_start3A_386 = tpu.memref_slice %arg2[%multiple_of3A_380] : memref<393216xf32, #tpu.memory_space<hbm>> -> memref<384xf32, #tpu.memory_space<hbm>>
    tpu.enqueue_dma source(%dma_start3A_386 : memref<384xf32, #tpu.memory_space<hbm>>) target(%dma_start3A_385 : memref<384xf32, #tpu.memory_space<vmem>>) target_semaphore(%arg12 : memref<!tpu.dma_semaphore, #tpu.memory_space<semaphore_mem>>)
    %dma_wait3A = arith.constant 0 : i32
    %dma_wait3A_387 = tpu.memref_slice %arg6[%dma_wait3A] : memref<12288xf32, #tpu.memory_space<vmem>> -> memref<384xf32, #tpu.memory_space<vmem>>
    %dma_wait3A_388 = tpu.memref_slice %arg2[%multiple_of3A_39] : memref<393216xf32, #tpu.memory_space<hbm>> -> memref<384xf32, #tpu.memory_space<hbm>>
    %dma_wait3A_389 = arith.constant 0 : i32
    %dma_wait3A_390 = tpu.memref_slice %arg6[%dma_wait3A_389] : memref<12288xf32, #tpu.memory_space<vmem>> -> memref<384xf32, #tpu.memory_space<vmem>>
    %dma_wait3A_391 = tpu.memref_slice %arg2[%multiple_of3A_39] : memref<393216xf32, #tpu.memory_space<hbm>> -> memref<384xf32, #tpu.memory_space<hbm>>
    tpu.wait_dma2 semaphore(%arg12 : memref<!tpu.dma_semaphore, #tpu.memory_space<semaphore_mem>>) src(%dma_wait3A_391 : memref<384xf32, #tpu.memory_space<hbm>>) dst(%dma_wait3A_390 : memref<384xf32, #tpu.memory_space<vmem>>)
    %dma_wait3A_392 = arith.constant 384 : i32
    %dma_wait3A_393 = tpu.memref_slice %arg6[%dma_wait3A_392] : memref<12288xf32, #tpu.memory_space<vmem>> -> memref<384xf32, #tpu.memory_space<vmem>>
    %dma_wait3A_394 = tpu.memref_slice %arg2[%multiple_of3A_50] : memref<393216xf32, #tpu.memory_space<hbm>> -> memref<384xf32, #tpu.memory_space<hbm>>
    %dma_wait3A_395 = arith.constant 384 : i32
    %dma_wait3A_396 = tpu.memref_slice %arg6[%dma_wait3A_395] : memref<12288xf32, #tpu.memory_space<vmem>> -> memref<384xf32, #tpu.memory_space<vmem>>
    %dma_wait3A_397 = tpu.memref_slice %arg2[%multiple_of3A_50] : memref<393216xf32, #tpu.memory_space<hbm>> -> memref<384xf32, #tpu.memory_space<hbm>>
    tpu.wait_dma2 semaphore(%arg12 : memref<!tpu.dma_semaphore, #tpu.memory_space<semaphore_mem>>) src(%dma_wait3A_397 : memref<384xf32, #tpu.memory_space<hbm>>) dst(%dma_wait3A_396 : memref<384xf32, #tpu.memory_space<vmem>>)
    %dma_wait3A_398 = arith.constant 768 : i32
    %dma_wait3A_399 = tpu.memref_slice %arg6[%dma_wait3A_398] : memref<12288xf32, #tpu.memory_space<vmem>> -> memref<384xf32, #tpu.memory_space<vmem>>
    %dma_wait3A_400 = tpu.memref_slice %arg2[%multiple_of3A_61] : memref<393216xf32, #tpu.memory_space<hbm>> -> memref<384xf32, #tpu.memory_space<hbm>>
    %dma_wait3A_401 = arith.constant 768 : i32
    %dma_wait3A_402 = tpu.memref_slice %arg6[%dma_wait3A_401] : memref<12288xf32, #tpu.memory_space<vmem>> -> memref<384xf32, #tpu.memory_space<vmem>>
    %dma_wait3A_403 = tpu.memref_slice %arg2[%multiple_of3A_61] : memref<393216xf32, #tpu.memory_space<hbm>> -> memref<384xf32, #tpu.memory_space<hbm>>
    tpu.wait_dma2 semaphore(%arg12 : memref<!tpu.dma_semaphore, #tpu.memory_space<semaphore_mem>>) src(%dma_wait3A_403 : memref<384xf32, #tpu.memory_space<hbm>>) dst(%dma_wait3A_402 : memref<384xf32, #tpu.memory_space<vmem>>)
    %dma_wait3A_404 = arith.constant 1152 : i32
    %dma_wait3A_405 = tpu.memref_slice %arg6[%dma_wait3A_404] : memref<12288xf32, #tpu.memory_space<vmem>> -> memref<384xf32, #tpu.memory_space<vmem>>
    %dma_wait3A_406 = tpu.memref_slice %arg2[%multiple_of3A_72] : memref<393216xf32, #tpu.memory_space<hbm>> -> memref<384xf32, #tpu.memory_space<hbm>>
    %dma_wait3A_407 = arith.constant 1152 : i32
    %dma_wait3A_408 = tpu.memref_slice %arg6[%dma_wait3A_407] : memref<12288xf32, #tpu.memory_space<vmem>> -> memref<384xf32, #tpu.memory_space<vmem>>
    %dma_wait3A_409 = tpu.memref_slice %arg2[%multiple_of3A_72] : memref<393216xf32, #tpu.memory_space<hbm>> -> memref<384xf32, #tpu.memory_space<hbm>>
    tpu.wait_dma2 semaphore(%arg12 : memref<!tpu.dma_semaphore, #tpu.memory_space<semaphore_mem>>) src(%dma_wait3A_409 : memref<384xf32, #tpu.memory_space<hbm>>) dst(%dma_wait3A_408 : memref<384xf32, #tpu.memory_space<vmem>>)
    %dma_wait3A_410 = arith.constant 1536 : i32
    %dma_wait3A_411 = tpu.memref_slice %arg6[%dma_wait3A_410] : memref<12288xf32, #tpu.memory_space<vmem>> -> memref<384xf32, #tpu.memory_space<vmem>>
    %dma_wait3A_412 = tpu.memref_slice %arg2[%multiple_of3A_83] : memref<393216xf32, #tpu.memory_space<hbm>> -> memref<384xf32, #tpu.memory_space<hbm>>
    %dma_wait3A_413 = arith.constant 1536 : i32
    %dma_wait3A_414 = tpu.memref_slice %arg6[%dma_wait3A_413] : memref<12288xf32, #tpu.memory_space<vmem>> -> memref<384xf32, #tpu.memory_space<vmem>>
    %dma_wait3A_415 = tpu.memref_slice %arg2[%multiple_of3A_83] : memref<393216xf32, #tpu.memory_space<hbm>> -> memref<384xf32, #tpu.memory_space<hbm>>
    tpu.wait_dma2 semaphore(%arg12 : memref<!tpu.dma_semaphore, #tpu.memory_space<semaphore_mem>>) src(%dma_wait3A_415 : memref<384xf32, #tpu.memory_space<hbm>>) dst(%dma_wait3A_414 : memref<384xf32, #tpu.memory_space<vmem>>)
    %dma_wait3A_416 = arith.constant 1920 : i32
    %dma_wait3A_417 = tpu.memref_slice %arg6[%dma_wait3A_416] : memref<12288xf32, #tpu.memory_space<vmem>> -> memref<384xf32, #tpu.memory_space<vmem>>
    %dma_wait3A_418 = tpu.memref_slice %arg2[%multiple_of3A_94] : memref<393216xf32, #tpu.memory_space<hbm>> -> memref<384xf32, #tpu.memory_space<hbm>>
    %dma_wait3A_419 = arith.constant 1920 : i32
    %dma_wait3A_420 = tpu.memref_slice %arg6[%dma_wait3A_419] : memref<12288xf32, #tpu.memory_space<vmem>> -> memref<384xf32, #tpu.memory_space<vmem>>
    %dma_wait3A_421 = tpu.memref_slice %arg2[%multiple_of3A_94] : memref<393216xf32, #tpu.memory_space<hbm>> -> memref<384xf32, #tpu.memory_space<hbm>>
    tpu.wait_dma2 semaphore(%arg12 : memref<!tpu.dma_semaphore, #tpu.memory_space<semaphore_mem>>) src(%dma_wait3A_421 : memref<384xf32, #tpu.memory_space<hbm>>) dst(%dma_wait3A_420 : memref<384xf32, #tpu.memory_space<vmem>>)
    %dma_wait3A_422 = arith.constant 2304 : i32
    %dma_wait3A_423 = tpu.memref_slice %arg6[%dma_wait3A_422] : memref<12288xf32, #tpu.memory_space<vmem>> -> memref<384xf32, #tpu.memory_space<vmem>>
    %dma_wait3A_424 = tpu.memref_slice %arg2[%multiple_of3A_105] : memref<393216xf32, #tpu.memory_space<hbm>> -> memref<384xf32, #tpu.memory_space<hbm>>
    %dma_wait3A_425 = arith.constant 2304 : i32
    %dma_wait3A_426 = tpu.memref_slice %arg6[%dma_wait3A_425] : memref<12288xf32, #tpu.memory_space<vmem>> -> memref<384xf32, #tpu.memory_space<vmem>>
    %dma_wait3A_427 = tpu.memref_slice %arg2[%multiple_of3A_105] : memref<393216xf32, #tpu.memory_space<hbm>> -> memref<384xf32, #tpu.memory_space<hbm>>
    tpu.wait_dma2 semaphore(%arg12 : memref<!tpu.dma_semaphore, #tpu.memory_space<semaphore_mem>>) src(%dma_wait3A_427 : memref<384xf32, #tpu.memory_space<hbm>>) dst(%dma_wait3A_426 : memref<384xf32, #tpu.memory_space<vmem>>)
    %dma_wait3A_428 = arith.constant 2688 : i32
    %dma_wait3A_429 = tpu.memref_slice %arg6[%dma_wait3A_428] : memref<12288xf32, #tpu.memory_space<vmem>> -> memref<384xf32, #tpu.memory_space<vmem>>
    %dma_wait3A_430 = tpu.memref_slice %arg2[%multiple_of3A_116] : memref<393216xf32, #tpu.memory_space<hbm>> -> memref<384xf32, #tpu.memory_space<hbm>>
    %dma_wait3A_431 = arith.constant 2688 : i32
    %dma_wait3A_432 = tpu.memref_slice %arg6[%dma_wait3A_431] : memref<12288xf32, #tpu.memory_space<vmem>> -> memref<384xf32, #tpu.memory_space<vmem>>
    %dma_wait3A_433 = tpu.memref_slice %arg2[%multiple_of3A_116] : memref<393216xf32, #tpu.memory_space<hbm>> -> memref<384xf32, #tpu.memory_space<hbm>>
    tpu.wait_dma2 semaphore(%arg12 : memref<!tpu.dma_semaphore, #tpu.memory_space<semaphore_mem>>) src(%dma_wait3A_433 : memref<384xf32, #tpu.memory_space<hbm>>) dst(%dma_wait3A_432 : memref<384xf32, #tpu.memory_space<vmem>>)
    %dma_wait3A_434 = arith.constant 3072 : i32
    %dma_wait3A_435 = tpu.memref_slice %arg6[%dma_wait3A_434] : memref<12288xf32, #tpu.memory_space<vmem>> -> memref<384xf32, #tpu.memory_space<vmem>>
    %dma_wait3A_436 = tpu.memref_slice %arg2[%multiple_of3A_127] : memref<393216xf32, #tpu.memory_space<hbm>> -> memref<384xf32, #tpu.memory_space<hbm>>
    %dma_wait3A_437 = arith.constant 3072 : i32
    %dma_wait3A_438 = tpu.memref_slice %arg6[%dma_wait3A_437] : memref<12288xf32, #tpu.memory_space<vmem>> -> memref<384xf32, #tpu.memory_space<vmem>>
    %dma_wait3A_439 = tpu.memref_slice %arg2[%multiple_of3A_127] : memref<393216xf32, #tpu.memory_space<hbm>> -> memref<384xf32, #tpu.memory_space<hbm>>
    tpu.wait_dma2 semaphore(%arg12 : memref<!tpu.dma_semaphore, #tpu.memory_space<semaphore_mem>>) src(%dma_wait3A_439 : memref<384xf32, #tpu.memory_space<hbm>>) dst(%dma_wait3A_438 : memref<384xf32, #tpu.memory_space<vmem>>)
    %dma_wait3A_440 = arith.constant 3456 : i32
    %dma_wait3A_441 = tpu.memref_slice %arg6[%dma_wait3A_440] : memref<12288xf32, #tpu.memory_space<vmem>> -> memref<384xf32, #tpu.memory_space<vmem>>
    %dma_wait3A_442 = tpu.memref_slice %arg2[%multiple_of3A_138] : memref<393216xf32, #tpu.memory_space<hbm>> -> memref<384xf32, #tpu.memory_space<hbm>>
    %dma_wait3A_443 = arith.constant 3456 : i32
    %dma_wait3A_444 = tpu.memref_slice %arg6[%dma_wait3A_443] : memref<12288xf32, #tpu.memory_space<vmem>> -> memref<384xf32, #tpu.memory_space<vmem>>
    %dma_wait3A_445 = tpu.memref_slice %arg2[%multiple_of3A_138] : memref<393216xf32, #tpu.memory_space<hbm>> -> memref<384xf32, #tpu.memory_space<hbm>>
    tpu.wait_dma2 semaphore(%arg12 : memref<!tpu.dma_semaphore, #tpu.memory_space<semaphore_mem>>) src(%dma_wait3A_445 : memref<384xf32, #tpu.memory_space<hbm>>) dst(%dma_wait3A_444 : memref<384xf32, #tpu.memory_space<vmem>>)
    %dma_wait3A_446 = arith.constant 3840 : i32
    %dma_wait3A_447 = tpu.memref_slice %arg6[%dma_wait3A_446] : memref<12288xf32, #tpu.memory_space<vmem>> -> memref<384xf32, #tpu.memory_space<vmem>>
    %dma_wait3A_448 = tpu.memref_slice %arg2[%multiple_of3A_149] : memref<393216xf32, #tpu.memory_space<hbm>> -> memref<384xf32, #tpu.memory_space<hbm>>
    %dma_wait3A_449 = arith.constant 3840 : i32
    %dma_wait3A_450 = tpu.memref_slice %arg6[%dma_wait3A_449] : memref<12288xf32, #tpu.memory_space<vmem>> -> memref<384xf32, #tpu.memory_space<vmem>>
    %dma_wait3A_451 = tpu.memref_slice %arg2[%multiple_of3A_149] : memref<393216xf32, #tpu.memory_space<hbm>> -> memref<384xf32, #tpu.memory_space<hbm>>
    tpu.wait_dma2 semaphore(%arg12 : memref<!tpu.dma_semaphore, #tpu.memory_space<semaphore_mem>>) src(%dma_wait3A_451 : memref<384xf32, #tpu.memory_space<hbm>>) dst(%dma_wait3A_450 : memref<384xf32, #tpu.memory_space<vmem>>)
    %dma_wait3A_452 = arith.constant 4224 : i32
    %dma_wait3A_453 = tpu.memref_slice %arg6[%dma_wait3A_452] : memref<12288xf32, #tpu.memory_space<vmem>> -> memref<384xf32, #tpu.memory_space<vmem>>
    %dma_wait3A_454 = tpu.memref_slice %arg2[%multiple_of3A_160] : memref<393216xf32, #tpu.memory_space<hbm>> -> memref<384xf32, #tpu.memory_space<hbm>>
    %dma_wait3A_455 = arith.constant 4224 : i32
    %dma_wait3A_456 = tpu.memref_slice %arg6[%dma_wait3A_455] : memref<12288xf32, #tpu.memory_space<vmem>> -> memref<384xf32, #tpu.memory_space<vmem>>
    %dma_wait3A_457 = tpu.memref_slice %arg2[%multiple_of3A_160] : memref<393216xf32, #tpu.memory_space<hbm>> -> memref<384xf32, #tpu.memory_space<hbm>>
    tpu.wait_dma2 semaphore(%arg12 : memref<!tpu.dma_semaphore, #tpu.memory_space<semaphore_mem>>) src(%dma_wait3A_457 : memref<384xf32, #tpu.memory_space<hbm>>) dst(%dma_wait3A_456 : memref<384xf32, #tpu.memory_space<vmem>>)
    %dma_wait3A_458 = arith.constant 4608 : i32
    %dma_wait3A_459 = tpu.memref_slice %arg6[%dma_wait3A_458] : memref<12288xf32, #tpu.memory_space<vmem>> -> memref<384xf32, #tpu.memory_space<vmem>>
    %dma_wait3A_460 = tpu.memref_slice %arg2[%multiple_of3A_171] : memref<393216xf32, #tpu.memory_space<hbm>> -> memref<384xf32, #tpu.memory_space<hbm>>
    %dma_wait3A_461 = arith.constant 4608 : i32
    %dma_wait3A_462 = tpu.memref_slice %arg6[%dma_wait3A_461] : memref<12288xf32, #tpu.memory_space<vmem>> -> memref<384xf32, #tpu.memory_space<vmem>>
    %dma_wait3A_463 = tpu.memref_slice %arg2[%multiple_of3A_171] : memref<393216xf32, #tpu.memory_space<hbm>> -> memref<384xf32, #tpu.memory_space<hbm>>
    tpu.wait_dma2 semaphore(%arg12 : memref<!tpu.dma_semaphore, #tpu.memory_space<semaphore_mem>>) src(%dma_wait3A_463 : memref<384xf32, #tpu.memory_space<hbm>>) dst(%dma_wait3A_462 : memref<384xf32, #tpu.memory_space<vmem>>)
    %dma_wait3A_464 = arith.constant 4992 : i32
    %dma_wait3A_465 = tpu.memref_slice %arg6[%dma_wait3A_464] : memref<12288xf32, #tpu.memory_space<vmem>> -> memref<384xf32, #tpu.memory_space<vmem>>
    %dma_wait3A_466 = tpu.memref_slice %arg2[%multiple_of3A_182] : memref<393216xf32, #tpu.memory_space<hbm>> -> memref<384xf32, #tpu.memory_space<hbm>>
    %dma_wait3A_467 = arith.constant 4992 : i32
    %dma_wait3A_468 = tpu.memref_slice %arg6[%dma_wait3A_467] : memref<12288xf32, #tpu.memory_space<vmem>> -> memref<384xf32, #tpu.memory_space<vmem>>
    %dma_wait3A_469 = tpu.memref_slice %arg2[%multiple_of3A_182] : memref<393216xf32, #tpu.memory_space<hbm>> -> memref<384xf32, #tpu.memory_space<hbm>>
    tpu.wait_dma2 semaphore(%arg12 : memref<!tpu.dma_semaphore, #tpu.memory_space<semaphore_mem>>) src(%dma_wait3A_469 : memref<384xf32, #tpu.memory_space<hbm>>) dst(%dma_wait3A_468 : memref<384xf32, #tpu.memory_space<vmem>>)
    %dma_wait3A_470 = arith.constant 5376 : i32
    %dma_wait3A_471 = tpu.memref_slice %arg6[%dma_wait3A_470] : memref<12288xf32, #tpu.memory_space<vmem>> -> memref<384xf32, #tpu.memory_space<vmem>>
    %dma_wait3A_472 = tpu.memref_slice %arg2[%multiple_of3A_193] : memref<393216xf32, #tpu.memory_space<hbm>> -> memref<384xf32, #tpu.memory_space<hbm>>
    %dma_wait3A_473 = arith.constant 5376 : i32
    %dma_wait3A_474 = tpu.memref_slice %arg6[%dma_wait3A_473] : memref<12288xf32, #tpu.memory_space<vmem>> -> memref<384xf32, #tpu.memory_space<vmem>>
    %dma_wait3A_475 = tpu.memref_slice %arg2[%multiple_of3A_193] : memref<393216xf32, #tpu.memory_space<hbm>> -> memref<384xf32, #tpu.memory_space<hbm>>
    tpu.wait_dma2 semaphore(%arg12 : memref<!tpu.dma_semaphore, #tpu.memory_space<semaphore_mem>>) src(%dma_wait3A_475 : memref<384xf32, #tpu.memory_space<hbm>>) dst(%dma_wait3A_474 : memref<384xf32, #tpu.memory_space<vmem>>)
    %dma_wait3A_476 = arith.constant 5760 : i32
    %dma_wait3A_477 = tpu.memref_slice %arg6[%dma_wait3A_476] : memref<12288xf32, #tpu.memory_space<vmem>> -> memref<384xf32, #tpu.memory_space<vmem>>
    %dma_wait3A_478 = tpu.memref_slice %arg2[%multiple_of3A_204] : memref<393216xf32, #tpu.memory_space<hbm>> -> memref<384xf32, #tpu.memory_space<hbm>>
    %dma_wait3A_479 = arith.constant 5760 : i32
    %dma_wait3A_480 = tpu.memref_slice %arg6[%dma_wait3A_479] : memref<12288xf32, #tpu.memory_space<vmem>> -> memref<384xf32, #tpu.memory_space<vmem>>
    %dma_wait3A_481 = tpu.memref_slice %arg2[%multiple_of3A_204] : memref<393216xf32, #tpu.memory_space<hbm>> -> memref<384xf32, #tpu.memory_space<hbm>>
    tpu.wait_dma2 semaphore(%arg12 : memref<!tpu.dma_semaphore, #tpu.memory_space<semaphore_mem>>) src(%dma_wait3A_481 : memref<384xf32, #tpu.memory_space<hbm>>) dst(%dma_wait3A_480 : memref<384xf32, #tpu.memory_space<vmem>>)
    %dma_wait3A_482 = arith.constant 6144 : i32
    %dma_wait3A_483 = tpu.memref_slice %arg6[%dma_wait3A_482] : memref<12288xf32, #tpu.memory_space<vmem>> -> memref<384xf32, #tpu.memory_space<vmem>>
    %dma_wait3A_484 = tpu.memref_slice %arg2[%multiple_of3A_215] : memref<393216xf32, #tpu.memory_space<hbm>> -> memref<384xf32, #tpu.memory_space<hbm>>
    %dma_wait3A_485 = arith.constant 6144 : i32
    %dma_wait3A_486 = tpu.memref_slice %arg6[%dma_wait3A_485] : memref<12288xf32, #tpu.memory_space<vmem>> -> memref<384xf32, #tpu.memory_space<vmem>>
    %dma_wait3A_487 = tpu.memref_slice %arg2[%multiple_of3A_215] : memref<393216xf32, #tpu.memory_space<hbm>> -> memref<384xf32, #tpu.memory_space<hbm>>
    tpu.wait_dma2 semaphore(%arg12 : memref<!tpu.dma_semaphore, #tpu.memory_space<semaphore_mem>>) src(%dma_wait3A_487 : memref<384xf32, #tpu.memory_space<hbm>>) dst(%dma_wait3A_486 : memref<384xf32, #tpu.memory_space<vmem>>)
    %dma_wait3A_488 = arith.constant 6528 : i32
    %dma_wait3A_489 = tpu.memref_slice %arg6[%dma_wait3A_488] : memref<12288xf32, #tpu.memory_space<vmem>> -> memref<384xf32, #tpu.memory_space<vmem>>
    %dma_wait3A_490 = tpu.memref_slice %arg2[%multiple_of3A_226] : memref<393216xf32, #tpu.memory_space<hbm>> -> memref<384xf32, #tpu.memory_space<hbm>>
    %dma_wait3A_491 = arith.constant 6528 : i32
    %dma_wait3A_492 = tpu.memref_slice %arg6[%dma_wait3A_491] : memref<12288xf32, #tpu.memory_space<vmem>> -> memref<384xf32, #tpu.memory_space<vmem>>
    %dma_wait3A_493 = tpu.memref_slice %arg2[%multiple_of3A_226] : memref<393216xf32, #tpu.memory_space<hbm>> -> memref<384xf32, #tpu.memory_space<hbm>>
    tpu.wait_dma2 semaphore(%arg12 : memref<!tpu.dma_semaphore, #tpu.memory_space<semaphore_mem>>) src(%dma_wait3A_493 : memref<384xf32, #tpu.memory_space<hbm>>) dst(%dma_wait3A_492 : memref<384xf32, #tpu.memory_space<vmem>>)
    %dma_wait3A_494 = arith.constant 6912 : i32
    %dma_wait3A_495 = tpu.memref_slice %arg6[%dma_wait3A_494] : memref<12288xf32, #tpu.memory_space<vmem>> -> memref<384xf32, #tpu.memory_space<vmem>>
    %dma_wait3A_496 = tpu.memref_slice %arg2[%multiple_of3A_237] : memref<393216xf32, #tpu.memory_space<hbm>> -> memref<384xf32, #tpu.memory_space<hbm>>
    %dma_wait3A_497 = arith.constant 6912 : i32
    %dma_wait3A_498 = tpu.memref_slice %arg6[%dma_wait3A_497] : memref<12288xf32, #tpu.memory_space<vmem>> -> memref<384xf32, #tpu.memory_space<vmem>>
    %dma_wait3A_499 = tpu.memref_slice %arg2[%multiple_of3A_237] : memref<393216xf32, #tpu.memory_space<hbm>> -> memref<384xf32, #tpu.memory_space<hbm>>
    tpu.wait_dma2 semaphore(%arg12 : memref<!tpu.dma_semaphore, #tpu.memory_space<semaphore_mem>>) src(%dma_wait3A_499 : memref<384xf32, #tpu.memory_space<hbm>>) dst(%dma_wait3A_498 : memref<384xf32, #tpu.memory_space<vmem>>)
    %dma_wait3A_500 = arith.constant 7296 : i32
    %dma_wait3A_501 = tpu.memref_slice %arg6[%dma_wait3A_500] : memref<12288xf32, #tpu.memory_space<vmem>> -> memref<384xf32, #tpu.memory_space<vmem>>
    %dma_wait3A_502 = tpu.memref_slice %arg2[%multiple_of3A_248] : memref<393216xf32, #tpu.memory_space<hbm>> -> memref<384xf32, #tpu.memory_space<hbm>>
    %dma_wait3A_503 = arith.constant 7296 : i32
    %dma_wait3A_504 = tpu.memref_slice %arg6[%dma_wait3A_503] : memref<12288xf32, #tpu.memory_space<vmem>> -> memref<384xf32, #tpu.memory_space<vmem>>
    %dma_wait3A_505 = tpu.memref_slice %arg2[%multiple_of3A_248] : memref<393216xf32, #tpu.memory_space<hbm>> -> memref<384xf32, #tpu.memory_space<hbm>>
    tpu.wait_dma2 semaphore(%arg12 : memref<!tpu.dma_semaphore, #tpu.memory_space<semaphore_mem>>) src(%dma_wait3A_505 : memref<384xf32, #tpu.memory_space<hbm>>) dst(%dma_wait3A_504 : memref<384xf32, #tpu.memory_space<vmem>>)
    %dma_wait3A_506 = arith.constant 7680 : i32
    %dma_wait3A_507 = tpu.memref_slice %arg6[%dma_wait3A_506] : memref<12288xf32, #tpu.memory_space<vmem>> -> memref<384xf32, #tpu.memory_space<vmem>>
    %dma_wait3A_508 = tpu.memref_slice %arg2[%multiple_of3A_259] : memref<393216xf32, #tpu.memory_space<hbm>> -> memref<384xf32, #tpu.memory_space<hbm>>
    %dma_wait3A_509 = arith.constant 7680 : i32
    %dma_wait3A_510 = tpu.memref_slice %arg6[%dma_wait3A_509] : memref<12288xf32, #tpu.memory_space<vmem>> -> memref<384xf32, #tpu.memory_space<vmem>>
    %dma_wait3A_511 = tpu.memref_slice %arg2[%multiple_of3A_259] : memref<393216xf32, #tpu.memory_space<hbm>> -> memref<384xf32, #tpu.memory_space<hbm>>
    tpu.wait_dma2 semaphore(%arg12 : memref<!tpu.dma_semaphore, #tpu.memory_space<semaphore_mem>>) src(%dma_wait3A_511 : memref<384xf32, #tpu.memory_space<hbm>>) dst(%dma_wait3A_510 : memref<384xf32, #tpu.memory_space<vmem>>)
    %dma_wait3A_512 = arith.constant 8064 : i32
    %dma_wait3A_513 = tpu.memref_slice %arg6[%dma_wait3A_512] : memref<12288xf32, #tpu.memory_space<vmem>> -> memref<384xf32, #tpu.memory_space<vmem>>
    %dma_wait3A_514 = tpu.memref_slice %arg2[%multiple_of3A_270] : memref<393216xf32, #tpu.memory_space<hbm>> -> memref<384xf32, #tpu.memory_space<hbm>>
    %dma_wait3A_515 = arith.constant 8064 : i32
    %dma_wait3A_516 = tpu.memref_slice %arg6[%dma_wait3A_515] : memref<12288xf32, #tpu.memory_space<vmem>> -> memref<384xf32, #tpu.memory_space<vmem>>
    %dma_wait3A_517 = tpu.memref_slice %arg2[%multiple_of3A_270] : memref<393216xf32, #tpu.memory_space<hbm>> -> memref<384xf32, #tpu.memory_space<hbm>>
    tpu.wait_dma2 semaphore(%arg12 : memref<!tpu.dma_semaphore, #tpu.memory_space<semaphore_mem>>) src(%dma_wait3A_517 : memref<384xf32, #tpu.memory_space<hbm>>) dst(%dma_wait3A_516 : memref<384xf32, #tpu.memory_space<vmem>>)
    %dma_wait3A_518 = arith.constant 8448 : i32
    %dma_wait3A_519 = tpu.memref_slice %arg6[%dma_wait3A_518] : memref<12288xf32, #tpu.memory_space<vmem>> -> memref<384xf32, #tpu.memory_space<vmem>>
    %dma_wait3A_520 = tpu.memref_slice %arg2[%multiple_of3A_281] : memref<393216xf32, #tpu.memory_space<hbm>> -> memref<384xf32, #tpu.memory_space<hbm>>
    %dma_wait3A_521 = arith.constant 8448 : i32
    %dma_wait3A_522 = tpu.memref_slice %arg6[%dma_wait3A_521] : memref<12288xf32, #tpu.memory_space<vmem>> -> memref<384xf32, #tpu.memory_space<vmem>>
    %dma_wait3A_523 = tpu.memref_slice %arg2[%multiple_of3A_281] : memref<393216xf32, #tpu.memory_space<hbm>> -> memref<384xf32, #tpu.memory_space<hbm>>
    tpu.wait_dma2 semaphore(%arg12 : memref<!tpu.dma_semaphore, #tpu.memory_space<semaphore_mem>>) src(%dma_wait3A_523 : memref<384xf32, #tpu.memory_space<hbm>>) dst(%dma_wait3A_522 : memref<384xf32, #tpu.memory_space<vmem>>)
    %dma_wait3A_524 = arith.constant 8832 : i32
    %dma_wait3A_525 = tpu.memref_slice %arg6[%dma_wait3A_524] : memref<12288xf32, #tpu.memory_space<vmem>> -> memref<384xf32, #tpu.memory_space<vmem>>
    %dma_wait3A_526 = tpu.memref_slice %arg2[%multiple_of3A_292] : memref<393216xf32, #tpu.memory_space<hbm>> -> memref<384xf32, #tpu.memory_space<hbm>>
    %dma_wait3A_527 = arith.constant 8832 : i32
    %dma_wait3A_528 = tpu.memref_slice %arg6[%dma_wait3A_527] : memref<12288xf32, #tpu.memory_space<vmem>> -> memref<384xf32, #tpu.memory_space<vmem>>
    %dma_wait3A_529 = tpu.memref_slice %arg2[%multiple_of3A_292] : memref<393216xf32, #tpu.memory_space<hbm>> -> memref<384xf32, #tpu.memory_space<hbm>>
    tpu.wait_dma2 semaphore(%arg12 : memref<!tpu.dma_semaphore, #tpu.memory_space<semaphore_mem>>) src(%dma_wait3A_529 : memref<384xf32, #tpu.memory_space<hbm>>) dst(%dma_wait3A_528 : memref<384xf32, #tpu.memory_space<vmem>>)
    %dma_wait3A_530 = arith.constant 9216 : i32
    %dma_wait3A_531 = tpu.memref_slice %arg6[%dma_wait3A_530] : memref<12288xf32, #tpu.memory_space<vmem>> -> memref<384xf32, #tpu.memory_space<vmem>>
    %dma_wait3A_532 = tpu.memref_slice %arg2[%multiple_of3A_303] : memref<393216xf32, #tpu.memory_space<hbm>> -> memref<384xf32, #tpu.memory_space<hbm>>
    %dma_wait3A_533 = arith.constant 9216 : i32
    %dma_wait3A_534 = tpu.memref_slice %arg6[%dma_wait3A_533] : memref<12288xf32, #tpu.memory_space<vmem>> -> memref<384xf32, #tpu.memory_space<vmem>>
    %dma_wait3A_535 = tpu.memref_slice %arg2[%multiple_of3A_303] : memref<393216xf32, #tpu.memory_space<hbm>> -> memref<384xf32, #tpu.memory_space<hbm>>
    tpu.wait_dma2 semaphore(%arg12 : memref<!tpu.dma_semaphore, #tpu.memory_space<semaphore_mem>>) src(%dma_wait3A_535 : memref<384xf32, #tpu.memory_space<hbm>>) dst(%dma_wait3A_534 : memref<384xf32, #tpu.memory_space<vmem>>)
    %dma_wait3A_536 = arith.constant 9600 : i32
    %dma_wait3A_537 = tpu.memref_slice %arg6[%dma_wait3A_536] : memref<12288xf32, #tpu.memory_space<vmem>> -> memref<384xf32, #tpu.memory_space<vmem>>
    %dma_wait3A_538 = tpu.memref_slice %arg2[%multiple_of3A_314] : memref<393216xf32, #tpu.memory_space<hbm>> -> memref<384xf32, #tpu.memory_space<hbm>>
    %dma_wait3A_539 = arith.constant 9600 : i32
    %dma_wait3A_540 = tpu.memref_slice %arg6[%dma_wait3A_539] : memref<12288xf32, #tpu.memory_space<vmem>> -> memref<384xf32, #tpu.memory_space<vmem>>
    %dma_wait3A_541 = tpu.memref_slice %arg2[%multiple_of3A_314] : memref<393216xf32, #tpu.memory_space<hbm>> -> memref<384xf32, #tpu.memory_space<hbm>>
    tpu.wait_dma2 semaphore(%arg12 : memref<!tpu.dma_semaphore, #tpu.memory_space<semaphore_mem>>) src(%dma_wait3A_541 : memref<384xf32, #tpu.memory_space<hbm>>) dst(%dma_wait3A_540 : memref<384xf32, #tpu.memory_space<vmem>>)
    %dma_wait3A_542 = arith.constant 9984 : i32
    %dma_wait3A_543 = tpu.memref_slice %arg6[%dma_wait3A_542] : memref<12288xf32, #tpu.memory_space<vmem>> -> memref<384xf32, #tpu.memory_space<vmem>>
    %dma_wait3A_544 = tpu.memref_slice %arg2[%multiple_of3A_325] : memref<393216xf32, #tpu.memory_space<hbm>> -> memref<384xf32, #tpu.memory_space<hbm>>
    %dma_wait3A_545 = arith.constant 9984 : i32
    %dma_wait3A_546 = tpu.memref_slice %arg6[%dma_wait3A_545] : memref<12288xf32, #tpu.memory_space<vmem>> -> memref<384xf32, #tpu.memory_space<vmem>>
    %dma_wait3A_547 = tpu.memref_slice %arg2[%multiple_of3A_325] : memref<393216xf32, #tpu.memory_space<hbm>> -> memref<384xf32, #tpu.memory_space<hbm>>
    tpu.wait_dma2 semaphore(%arg12 : memref<!tpu.dma_semaphore, #tpu.memory_space<semaphore_mem>>) src(%dma_wait3A_547 : memref<384xf32, #tpu.memory_space<hbm>>) dst(%dma_wait3A_546 : memref<384xf32, #tpu.memory_space<vmem>>)
    %dma_wait3A_548 = arith.constant 10368 : i32
    %dma_wait3A_549 = tpu.memref_slice %arg6[%dma_wait3A_548] : memref<12288xf32, #tpu.memory_space<vmem>> -> memref<384xf32, #tpu.memory_space<vmem>>
    %dma_wait3A_550 = tpu.memref_slice %arg2[%multiple_of3A_336] : memref<393216xf32, #tpu.memory_space<hbm>> -> memref<384xf32, #tpu.memory_space<hbm>>
    %dma_wait3A_551 = arith.constant 10368 : i32
    %dma_wait3A_552 = tpu.memref_slice %arg6[%dma_wait3A_551] : memref<12288xf32, #tpu.memory_space<vmem>> -> memref<384xf32, #tpu.memory_space<vmem>>
    %dma_wait3A_553 = tpu.memref_slice %arg2[%multiple_of3A_336] : memref<393216xf32, #tpu.memory_space<hbm>> -> memref<384xf32, #tpu.memory_space<hbm>>
    tpu.wait_dma2 semaphore(%arg12 : memref<!tpu.dma_semaphore, #tpu.memory_space<semaphore_mem>>) src(%dma_wait3A_553 : memref<384xf32, #tpu.memory_space<hbm>>) dst(%dma_wait3A_552 : memref<384xf32, #tpu.memory_space<vmem>>)
    %dma_wait3A_554 = arith.constant 10752 : i32
    %dma_wait3A_555 = tpu.memref_slice %arg6[%dma_wait3A_554] : memref<12288xf32, #tpu.memory_space<vmem>> -> memref<384xf32, #tpu.memory_space<vmem>>
    %dma_wait3A_556 = tpu.memref_slice %arg2[%multiple_of3A_347] : memref<393216xf32, #tpu.memory_space<hbm>> -> memref<384xf32, #tpu.memory_space<hbm>>
    %dma_wait3A_557 = arith.constant 10752 : i32
    %dma_wait3A_558 = tpu.memref_slice %arg6[%dma_wait3A_557] : memref<12288xf32, #tpu.memory_space<vmem>> -> memref<384xf32, #tpu.memory_space<vmem>>
    %dma_wait3A_559 = tpu.memref_slice %arg2[%multiple_of3A_347] : memref<393216xf32, #tpu.memory_space<hbm>> -> memref<384xf32, #tpu.memory_space<hbm>>
    tpu.wait_dma2 semaphore(%arg12 : memref<!tpu.dma_semaphore, #tpu.memory_space<semaphore_mem>>) src(%dma_wait3A_559 : memref<384xf32, #tpu.memory_space<hbm>>) dst(%dma_wait3A_558 : memref<384xf32, #tpu.memory_space<vmem>>)
    %dma_wait3A_560 = arith.constant 11136 : i32
    %dma_wait3A_561 = tpu.memref_slice %arg6[%dma_wait3A_560] : memref<12288xf32, #tpu.memory_space<vmem>> -> memref<384xf32, #tpu.memory_space<vmem>>
    %dma_wait3A_562 = tpu.memref_slice %arg2[%multiple_of3A_358] : memref<393216xf32, #tpu.memory_space<hbm>> -> memref<384xf32, #tpu.memory_space<hbm>>
    %dma_wait3A_563 = arith.constant 11136 : i32
    %dma_wait3A_564 = tpu.memref_slice %arg6[%dma_wait3A_563] : memref<12288xf32, #tpu.memory_space<vmem>> -> memref<384xf32, #tpu.memory_space<vmem>>
    %dma_wait3A_565 = tpu.memref_slice %arg2[%multiple_of3A_358] : memref<393216xf32, #tpu.memory_space<hbm>> -> memref<384xf32, #tpu.memory_space<hbm>>
    tpu.wait_dma2 semaphore(%arg12 : memref<!tpu.dma_semaphore, #tpu.memory_space<semaphore_mem>>) src(%dma_wait3A_565 : memref<384xf32, #tpu.memory_space<hbm>>) dst(%dma_wait3A_564 : memref<384xf32, #tpu.memory_space<vmem>>)
    %dma_wait3A_566 = arith.constant 11520 : i32
    %dma_wait3A_567 = tpu.memref_slice %arg6[%dma_wait3A_566] : memref<12288xf32, #tpu.memory_space<vmem>> -> memref<384xf32, #tpu.memory_space<vmem>>
    %dma_wait3A_568 = tpu.memref_slice %arg2[%multiple_of3A_369] : memref<393216xf32, #tpu.memory_space<hbm>> -> memref<384xf32, #tpu.memory_space<hbm>>
    %dma_wait3A_569 = arith.constant 11520 : i32
    %dma_wait3A_570 = tpu.memref_slice %arg6[%dma_wait3A_569] : memref<12288xf32, #tpu.memory_space<vmem>> -> memref<384xf32, #tpu.memory_space<vmem>>
    %dma_wait3A_571 = tpu.memref_slice %arg2[%multiple_of3A_369] : memref<393216xf32, #tpu.memory_space<hbm>> -> memref<384xf32, #tpu.memory_space<hbm>>
    tpu.wait_dma2 semaphore(%arg12 : memref<!tpu.dma_semaphore, #tpu.memory_space<semaphore_mem>>) src(%dma_wait3A_571 : memref<384xf32, #tpu.memory_space<hbm>>) dst(%dma_wait3A_570 : memref<384xf32, #tpu.memory_space<vmem>>)
    %dma_wait3A_572 = arith.constant 11904 : i32
    %dma_wait3A_573 = tpu.memref_slice %arg6[%dma_wait3A_572] : memref<12288xf32, #tpu.memory_space<vmem>> -> memref<384xf32, #tpu.memory_space<vmem>>
    %dma_wait3A_574 = tpu.memref_slice %arg2[%multiple_of3A_380] : memref<393216xf32, #tpu.memory_space<hbm>> -> memref<384xf32, #tpu.memory_space<hbm>>
    %dma_wait3A_575 = arith.constant 11904 : i32
    %dma_wait3A_576 = tpu.memref_slice %arg6[%dma_wait3A_575] : memref<12288xf32, #tpu.memory_space<vmem>> -> memref<384xf32, #tpu.memory_space<vmem>>
    %dma_wait3A_577 = tpu.memref_slice %arg2[%multiple_of3A_380] : memref<393216xf32, #tpu.memory_space<hbm>> -> memref<384xf32, #tpu.memory_space<hbm>>
    tpu.wait_dma2 semaphore(%arg12 : memref<!tpu.dma_semaphore, #tpu.memory_space<semaphore_mem>>) src(%dma_wait3A_577 : memref<384xf32, #tpu.memory_space<hbm>>) dst(%dma_wait3A_576 : memref<384xf32, #tpu.memory_space<vmem>>)
    %parallel_loop3A = arith.constant 0 : i32
    %parallel_loop3A_578 = arith.constant 24 : i32
    %parallel_loop3A_579 = arith.constant 1 : i32
    scf.for %parallel_loop3A_650 = %parallel_loop3A to %parallel_loop3A_578 step %parallel_loop3A_579  : i32 {
      %parallel_loop3A_651 = arith.constant 16 : i32
      %parallel_loop3A_652 = arith.muli %parallel_loop3A_650, %parallel_loop3A_651 : i32
      %parallel_loop3A_653 = arith.constant 16 : i32
      %parallel_loop3A_654 = arith.muli %parallel_loop3A_650, %parallel_loop3A_653 : i32
      %parallel_loop3A_655 = arith.index_cast %parallel_loop3A_654 : i32 to index
      %parallel_loop3A_656 = tpu.vector_load %arg6[%parallel_loop3A_655] {strides = array<i32>} : memref<12288xf32, #tpu.memory_space<vmem>>, vector<16xf32>,
      %parallel_loop3A_657 = arith.constant 16 : i32
      %parallel_loop3A_658 = arith.muli %parallel_loop3A_650, %parallel_loop3A_657 : i32
      %parallel_loop3A_659 = arith.constant 384 : i32
      %parallel_loop3A_660 = arith.addi %parallel_loop3A_659, %parallel_loop3A_658 : i32
      %parallel_loop3A_661 = arith.index_cast %parallel_loop3A_660 : i32 to index
      %parallel_loop3A_662 = tpu.vector_load %arg6[%parallel_loop3A_661] {strides = array<i32>} : memref<12288xf32, #tpu.memory_space<vmem>>, vector<16xf32>,
      %parallel_loop3A_663 = arith.addf %parallel_loop3A_656, %parallel_loop3A_662 : vector<16xf32>
      %parallel_loop3A_664 = arith.constant 16 : i32
      %parallel_loop3A_665 = arith.muli %parallel_loop3A_650, %parallel_loop3A_664 : i32
      %parallel_loop3A_666 = arith.constant 768 : i32
      %parallel_loop3A_667 = arith.addi %parallel_loop3A_666, %parallel_loop3A_665 : i32
      %parallel_loop3A_668 = arith.index_cast %parallel_loop3A_667 : i32 to index
      %parallel_loop3A_669 = tpu.vector_load %arg6[%parallel_loop3A_668] {strides = array<i32>} : memref<12288xf32, #tpu.memory_space<vmem>>, vector<16xf32>,
      %parallel_loop3A_670 = arith.addf %parallel_loop3A_663, %parallel_loop3A_669 : vector<16xf32>
      %parallel_loop3A_671 = arith.constant 16 : i32
      %parallel_loop3A_672 = arith.muli %parallel_loop3A_650, %parallel_loop3A_671 : i32
      %parallel_loop3A_673 = arith.constant 1152 : i32
      %parallel_loop3A_674 = arith.addi %parallel_loop3A_673, %parallel_loop3A_672 : i32
      %parallel_loop3A_675 = arith.index_cast %parallel_loop3A_674 : i32 to index
      %parallel_loop3A_676 = tpu.vector_load %arg6[%parallel_loop3A_675] {strides = array<i32>} : memref<12288xf32, #tpu.memory_space<vmem>>, vector<16xf32>,
      %parallel_loop3A_677 = arith.addf %parallel_loop3A_670, %parallel_loop3A_676 : vector<16xf32>
      %parallel_loop3A_678 = arith.constant 16 : i32
      %parallel_loop3A_679 = arith.muli %parallel_loop3A_650, %parallel_loop3A_678 : i32
      %parallel_loop3A_680 = arith.constant 1536 : i32
      %parallel_loop3A_681 = arith.addi %parallel_loop3A_680, %parallel_loop3A_679 : i32
      %parallel_loop3A_682 = arith.index_cast %parallel_loop3A_681 : i32 to index
      %parallel_loop3A_683 = tpu.vector_load %arg6[%parallel_loop3A_682] {strides = array<i32>} : memref<12288xf32, #tpu.memory_space<vmem>>, vector<16xf32>,
      %parallel_loop3A_684 = arith.addf %parallel_loop3A_677, %parallel_loop3A_683 : vector<16xf32>
      %parallel_loop3A_685 = arith.constant 16 : i32
      %parallel_loop3A_686 = arith.muli %parallel_loop3A_650, %parallel_loop3A_685 : i32
      %parallel_loop3A_687 = arith.constant 1920 : i32
      %parallel_loop3A_688 = arith.addi %parallel_loop3A_687, %parallel_loop3A_686 : i32
      %parallel_loop3A_689 = arith.index_cast %parallel_loop3A_688 : i32 to index
      %parallel_loop3A_690 = tpu.vector_load %arg6[%parallel_loop3A_689] {strides = array<i32>} : memref<12288xf32, #tpu.memory_space<vmem>>, vector<16xf32>,
      %parallel_loop3A_691 = arith.addf %parallel_loop3A_684, %parallel_loop3A_690 : vector<16xf32>
      %parallel_loop3A_692 = arith.constant 16 : i32
      %parallel_loop3A_693 = arith.muli %parallel_loop3A_650, %parallel_loop3A_692 : i32
      %parallel_loop3A_694 = arith.constant 2304 : i32
      %parallel_loop3A_695 = arith.addi %parallel_loop3A_694, %parallel_loop3A_693 : i32
      %parallel_loop3A_696 = arith.index_cast %parallel_loop3A_695 : i32 to index
      %parallel_loop3A_697 = tpu.vector_load %arg6[%parallel_loop3A_696] {strides = array<i32>} : memref<12288xf32, #tpu.memory_space<vmem>>, vector<16xf32>,
      %parallel_loop3A_698 = arith.addf %parallel_loop3A_691, %parallel_loop3A_697 : vector<16xf32>
      %parallel_loop3A_699 = arith.constant 16 : i32
      %parallel_loop3A_700 = arith.muli %parallel_loop3A_650, %parallel_loop3A_699 : i32
      %parallel_loop3A_701 = arith.constant 2688 : i32
      %parallel_loop3A_702 = arith.addi %parallel_loop3A_701, %parallel_loop3A_700 : i32
      %parallel_loop3A_703 = arith.index_cast %parallel_loop3A_702 : i32 to index
      %parallel_loop3A_704 = tpu.vector_load %arg6[%parallel_loop3A_703] {strides = array<i32>} : memref<12288xf32, #tpu.memory_space<vmem>>, vector<16xf32>,
      %parallel_loop3A_705 = arith.addf %parallel_loop3A_698, %parallel_loop3A_704 : vector<16xf32>
      %parallel_loop3A_706 = arith.constant 16 : i32
      %parallel_loop3A_707 = arith.muli %parallel_loop3A_650, %parallel_loop3A_706 : i32
      %parallel_loop3A_708 = arith.constant 3072 : i32
      %parallel_loop3A_709 = arith.addi %parallel_loop3A_708, %parallel_loop3A_707 : i32
      %parallel_loop3A_710 = arith.index_cast %parallel_loop3A_709 : i32 to index
      %parallel_loop3A_711 = tpu.vector_load %arg6[%parallel_loop3A_710] {strides = array<i32>} : memref<12288xf32, #tpu.memory_space<vmem>>, vector<16xf32>,
      %parallel_loop3A_712 = arith.addf %parallel_loop3A_705, %parallel_loop3A_711 : vector<16xf32>
      %parallel_loop3A_713 = arith.constant 16 : i32
      %parallel_loop3A_714 = arith.muli %parallel_loop3A_650, %parallel_loop3A_713 : i32
      %parallel_loop3A_715 = arith.constant 3456 : i32
      %parallel_loop3A_716 = arith.addi %parallel_loop3A_715, %parallel_loop3A_714 : i32
      %parallel_loop3A_717 = arith.index_cast %parallel_loop3A_716 : i32 to index
      %parallel_loop3A_718 = tpu.vector_load %arg6[%parallel_loop3A_717] {strides = array<i32>} : memref<12288xf32, #tpu.memory_space<vmem>>, vector<16xf32>,
      %parallel_loop3A_719 = arith.addf %parallel_loop3A_712, %parallel_loop3A_718 : vector<16xf32>
      %parallel_loop3A_720 = arith.constant 16 : i32
      %parallel_loop3A_721 = arith.muli %parallel_loop3A_650, %parallel_loop3A_720 : i32
      %parallel_loop3A_722 = arith.constant 3840 : i32
      %parallel_loop3A_723 = arith.addi %parallel_loop3A_722, %parallel_loop3A_721 : i32
      %parallel_loop3A_724 = arith.index_cast %parallel_loop3A_723 : i32 to index
      %parallel_loop3A_725 = tpu.vector_load %arg6[%parallel_loop3A_724] {strides = array<i32>} : memref<12288xf32, #tpu.memory_space<vmem>>, vector<16xf32>,
      %parallel_loop3A_726 = arith.addf %parallel_loop3A_719, %parallel_loop3A_725 : vector<16xf32>
      %parallel_loop3A_727 = arith.constant 16 : i32
      %parallel_loop3A_728 = arith.muli %parallel_loop3A_650, %parallel_loop3A_727 : i32
      %parallel_loop3A_729 = arith.constant 4224 : i32
      %parallel_loop3A_730 = arith.addi %parallel_loop3A_729, %parallel_loop3A_728 : i32
      %parallel_loop3A_731 = arith.index_cast %parallel_loop3A_730 : i32 to index
      %parallel_loop3A_732 = tpu.vector_load %arg6[%parallel_loop3A_731] {strides = array<i32>} : memref<12288xf32, #tpu.memory_space<vmem>>, vector<16xf32>,
      %parallel_loop3A_733 = arith.addf %parallel_loop3A_726, %parallel_loop3A_732 : vector<16xf32>
      %parallel_loop3A_734 = arith.constant 16 : i32
      %parallel_loop3A_735 = arith.muli %parallel_loop3A_650, %parallel_loop3A_734 : i32
      %parallel_loop3A_736 = arith.constant 4608 : i32
      %parallel_loop3A_737 = arith.addi %parallel_loop3A_736, %parallel_loop3A_735 : i32
      %parallel_loop3A_738 = arith.index_cast %parallel_loop3A_737 : i32 to index
      %parallel_loop3A_739 = tpu.vector_load %arg6[%parallel_loop3A_738] {strides = array<i32>} : memref<12288xf32, #tpu.memory_space<vmem>>, vector<16xf32>,
      %parallel_loop3A_740 = arith.addf %parallel_loop3A_733, %parallel_loop3A_739 : vector<16xf32>
      %parallel_loop3A_741 = arith.constant 16 : i32
      %parallel_loop3A_742 = arith.muli %parallel_loop3A_650, %parallel_loop3A_741 : i32
      %parallel_loop3A_743 = arith.constant 4992 : i32
      %parallel_loop3A_744 = arith.addi %parallel_loop3A_743, %parallel_loop3A_742 : i32
      %parallel_loop3A_745 = arith.index_cast %parallel_loop3A_744 : i32 to index
      %parallel_loop3A_746 = tpu.vector_load %arg6[%parallel_loop3A_745] {strides = array<i32>} : memref<12288xf32, #tpu.memory_space<vmem>>, vector<16xf32>,
      %parallel_loop3A_747 = arith.addf %parallel_loop3A_740, %parallel_loop3A_746 : vector<16xf32>
      %parallel_loop3A_748 = arith.constant 16 : i32
      %parallel_loop3A_749 = arith.muli %parallel_loop3A_650, %parallel_loop3A_748 : i32
      %parallel_loop3A_750 = arith.constant 5376 : i32
      %parallel_loop3A_751 = arith.addi %parallel_loop3A_750, %parallel_loop3A_749 : i32
      %parallel_loop3A_752 = arith.index_cast %parallel_loop3A_751 : i32 to index
      %parallel_loop3A_753 = tpu.vector_load %arg6[%parallel_loop3A_752] {strides = array<i32>} : memref<12288xf32, #tpu.memory_space<vmem>>, vector<16xf32>,
      %parallel_loop3A_754 = arith.addf %parallel_loop3A_747, %parallel_loop3A_753 : vector<16xf32>
      %parallel_loop3A_755 = arith.constant 16 : i32
      %parallel_loop3A_756 = arith.muli %parallel_loop3A_650, %parallel_loop3A_755 : i32
      %parallel_loop3A_757 = arith.constant 5760 : i32
      %parallel_loop3A_758 = arith.addi %parallel_loop3A_757, %parallel_loop3A_756 : i32
      %parallel_loop3A_759 = arith.index_cast %parallel_loop3A_758 : i32 to index
      %parallel_loop3A_760 = tpu.vector_load %arg6[%parallel_loop3A_759] {strides = array<i32>} : memref<12288xf32, #tpu.memory_space<vmem>>, vector<16xf32>,
      %parallel_loop3A_761 = arith.addf %parallel_loop3A_754, %parallel_loop3A_760 : vector<16xf32>
      %parallel_loop3A_762 = arith.constant 16 : i32
      %parallel_loop3A_763 = arith.muli %parallel_loop3A_650, %parallel_loop3A_762 : i32
      %parallel_loop3A_764 = arith.constant 6144 : i32
      %parallel_loop3A_765 = arith.addi %parallel_loop3A_764, %parallel_loop3A_763 : i32
      %parallel_loop3A_766 = arith.index_cast %parallel_loop3A_765 : i32 to index
      %parallel_loop3A_767 = tpu.vector_load %arg6[%parallel_loop3A_766] {strides = array<i32>} : memref<12288xf32, #tpu.memory_space<vmem>>, vector<16xf32>,
      %parallel_loop3A_768 = arith.addf %parallel_loop3A_761, %parallel_loop3A_767 : vector<16xf32>
      %parallel_loop3A_769 = arith.constant 16 : i32
      %parallel_loop3A_770 = arith.muli %parallel_loop3A_650, %parallel_loop3A_769 : i32
      %parallel_loop3A_771 = arith.constant 6528 : i32
      %parallel_loop3A_772 = arith.addi %parallel_loop3A_771, %parallel_loop3A_770 : i32
      %parallel_loop3A_773 = arith.index_cast %parallel_loop3A_772 : i32 to index
      %parallel_loop3A_774 = tpu.vector_load %arg6[%parallel_loop3A_773] {strides = array<i32>} : memref<12288xf32, #tpu.memory_space<vmem>>, vector<16xf32>,
      %parallel_loop3A_775 = arith.addf %parallel_loop3A_768, %parallel_loop3A_774 : vector<16xf32>
      %parallel_loop3A_776 = arith.constant 16 : i32
      %parallel_loop3A_777 = arith.muli %parallel_loop3A_650, %parallel_loop3A_776 : i32
      %parallel_loop3A_778 = arith.constant 6912 : i32
      %parallel_loop3A_779 = arith.addi %parallel_loop3A_778, %parallel_loop3A_777 : i32
      %parallel_loop3A_780 = arith.index_cast %parallel_loop3A_779 : i32 to index
      %parallel_loop3A_781 = tpu.vector_load %arg6[%parallel_loop3A_780] {strides = array<i32>} : memref<12288xf32, #tpu.memory_space<vmem>>, vector<16xf32>,
      %parallel_loop3A_782 = arith.addf %parallel_loop3A_775, %parallel_loop3A_781 : vector<16xf32>
      %parallel_loop3A_783 = arith.constant 16 : i32
      %parallel_loop3A_784 = arith.muli %parallel_loop3A_650, %parallel_loop3A_783 : i32
      %parallel_loop3A_785 = arith.constant 7296 : i32
      %parallel_loop3A_786 = arith.addi %parallel_loop3A_785, %parallel_loop3A_784 : i32
      %parallel_loop3A_787 = arith.index_cast %parallel_loop3A_786 : i32 to index
      %parallel_loop3A_788 = tpu.vector_load %arg6[%parallel_loop3A_787] {strides = array<i32>} : memref<12288xf32, #tpu.memory_space<vmem>>, vector<16xf32>,
      %parallel_loop3A_789 = arith.addf %parallel_loop3A_782, %parallel_loop3A_788 : vector<16xf32>
      %parallel_loop3A_790 = arith.constant 16 : i32
      %parallel_loop3A_791 = arith.muli %parallel_loop3A_650, %parallel_loop3A_790 : i32
      %parallel_loop3A_792 = arith.constant 7680 : i32
      %parallel_loop3A_793 = arith.addi %parallel_loop3A_792, %parallel_loop3A_791 : i32
      %parallel_loop3A_794 = arith.index_cast %parallel_loop3A_793 : i32 to index
      %parallel_loop3A_795 = tpu.vector_load %arg6[%parallel_loop3A_794] {strides = array<i32>} : memref<12288xf32, #tpu.memory_space<vmem>>, vector<16xf32>,
      %parallel_loop3A_796 = arith.addf %parallel_loop3A_789, %parallel_loop3A_795 : vector<16xf32>
      %parallel_loop3A_797 = arith.constant 16 : i32
      %parallel_loop3A_798 = arith.muli %parallel_loop3A_650, %parallel_loop3A_797 : i32
      %parallel_loop3A_799 = arith.constant 8064 : i32
      %parallel_loop3A_800 = arith.addi %parallel_loop3A_799, %parallel_loop3A_798 : i32
      %parallel_loop3A_801 = arith.index_cast %parallel_loop3A_800 : i32 to index
      %parallel_loop3A_802 = tpu.vector_load %arg6[%parallel_loop3A_801] {strides = array<i32>} : memref<12288xf32, #tpu.memory_space<vmem>>, vector<16xf32>,
      %parallel_loop3A_803 = arith.addf %parallel_loop3A_796, %parallel_loop3A_802 : vector<16xf32>
      %parallel_loop3A_804 = arith.constant 16 : i32
      %parallel_loop3A_805 = arith.muli %parallel_loop3A_650, %parallel_loop3A_804 : i32
      %parallel_loop3A_806 = arith.constant 8448 : i32
      %parallel_loop3A_807 = arith.addi %parallel_loop3A_806, %parallel_loop3A_805 : i32
      %parallel_loop3A_808 = arith.index_cast %parallel_loop3A_807 : i32 to index
      %parallel_loop3A_809 = tpu.vector_load %arg6[%parallel_loop3A_808] {strides = array<i32>} : memref<12288xf32, #tpu.memory_space<vmem>>, vector<16xf32>,
      %parallel_loop3A_810 = arith.addf %parallel_loop3A_803, %parallel_loop3A_809 : vector<16xf32>
      %parallel_loop3A_811 = arith.constant 16 : i32
      %parallel_loop3A_812 = arith.muli %parallel_loop3A_650, %parallel_loop3A_811 : i32
      %parallel_loop3A_813 = arith.constant 8832 : i32
      %parallel_loop3A_814 = arith.addi %parallel_loop3A_813, %parallel_loop3A_812 : i32
      %parallel_loop3A_815 = arith.index_cast %parallel_loop3A_814 : i32 to index
      %parallel_loop3A_816 = tpu.vector_load %arg6[%parallel_loop3A_815] {strides = array<i32>} : memref<12288xf32, #tpu.memory_space<vmem>>, vector<16xf32>,
      %parallel_loop3A_817 = arith.addf %parallel_loop3A_810, %parallel_loop3A_816 : vector<16xf32>
      %parallel_loop3A_818 = arith.constant 16 : i32
      %parallel_loop3A_819 = arith.muli %parallel_loop3A_650, %parallel_loop3A_818 : i32
      %parallel_loop3A_820 = arith.constant 9216 : i32
      %parallel_loop3A_821 = arith.addi %parallel_loop3A_820, %parallel_loop3A_819 : i32
      %parallel_loop3A_822 = arith.index_cast %parallel_loop3A_821 : i32 to index
      %parallel_loop3A_823 = tpu.vector_load %arg6[%parallel_loop3A_822] {strides = array<i32>} : memref<12288xf32, #tpu.memory_space<vmem>>, vector<16xf32>,
      %parallel_loop3A_824 = arith.addf %parallel_loop3A_817, %parallel_loop3A_823 : vector<16xf32>
      %parallel_loop3A_825 = arith.constant 16 : i32
      %parallel_loop3A_826 = arith.muli %parallel_loop3A_650, %parallel_loop3A_825 : i32
      %parallel_loop3A_827 = arith.constant 9600 : i32
      %parallel_loop3A_828 = arith.addi %parallel_loop3A_827, %parallel_loop3A_826 : i32
      %parallel_loop3A_829 = arith.index_cast %parallel_loop3A_828 : i32 to index
      %parallel_loop3A_830 = tpu.vector_load %arg6[%parallel_loop3A_829] {strides = array<i32>} : memref<12288xf32, #tpu.memory_space<vmem>>, vector<16xf32>,
      %parallel_loop3A_831 = arith.addf %parallel_loop3A_824, %parallel_loop3A_830 : vector<16xf32>
      %parallel_loop3A_832 = arith.constant 16 : i32
      %parallel_loop3A_833 = arith.muli %parallel_loop3A_650, %parallel_loop3A_832 : i32
      %parallel_loop3A_834 = arith.constant 9984 : i32
      %parallel_loop3A_835 = arith.addi %parallel_loop3A_834, %parallel_loop3A_833 : i32
      %parallel_loop3A_836 = arith.index_cast %parallel_loop3A_835 : i32 to index
      %parallel_loop3A_837 = tpu.vector_load %arg6[%parallel_loop3A_836] {strides = array<i32>} : memref<12288xf32, #tpu.memory_space<vmem>>, vector<16xf32>,
      %parallel_loop3A_838 = arith.addf %parallel_loop3A_831, %parallel_loop3A_837 : vector<16xf32>
      %parallel_loop3A_839 = arith.constant 16 : i32
      %parallel_loop3A_840 = arith.muli %parallel_loop3A_650, %parallel_loop3A_839 : i32
      %parallel_loop3A_841 = arith.constant 10368 : i32
      %parallel_loop3A_842 = arith.addi %parallel_loop3A_841, %parallel_loop3A_840 : i32
      %parallel_loop3A_843 = arith.index_cast %parallel_loop3A_842 : i32 to index
      %parallel_loop3A_844 = tpu.vector_load %arg6[%parallel_loop3A_843] {strides = array<i32>} : memref<12288xf32, #tpu.memory_space<vmem>>, vector<16xf32>,
      %parallel_loop3A_845 = arith.addf %parallel_loop3A_838, %parallel_loop3A_844 : vector<16xf32>
      %parallel_loop3A_846 = arith.constant 16 : i32
      %parallel_loop3A_847 = arith.muli %parallel_loop3A_650, %parallel_loop3A_846 : i32
      %parallel_loop3A_848 = arith.constant 10752 : i32
      %parallel_loop3A_849 = arith.addi %parallel_loop3A_848, %parallel_loop3A_847 : i32
      %parallel_loop3A_850 = arith.index_cast %parallel_loop3A_849 : i32 to index
      %parallel_loop3A_851 = tpu.vector_load %arg6[%parallel_loop3A_850] {strides = array<i32>} : memref<12288xf32, #tpu.memory_space<vmem>>, vector<16xf32>,
      %parallel_loop3A_852 = arith.addf %parallel_loop3A_845, %parallel_loop3A_851 : vector<16xf32>
      %parallel_loop3A_853 = arith.constant 16 : i32
      %parallel_loop3A_854 = arith.muli %parallel_loop3A_650, %parallel_loop3A_853 : i32
      %parallel_loop3A_855 = arith.constant 11136 : i32
      %parallel_loop3A_856 = arith.addi %parallel_loop3A_855, %parallel_loop3A_854 : i32
      %parallel_loop3A_857 = arith.index_cast %parallel_loop3A_856 : i32 to index
      %parallel_loop3A_858 = tpu.vector_load %arg6[%parallel_loop3A_857] {strides = array<i32>} : memref<12288xf32, #tpu.memory_space<vmem>>, vector<16xf32>,
      %parallel_loop3A_859 = arith.addf %parallel_loop3A_852, %parallel_loop3A_858 : vector<16xf32>
      %parallel_loop3A_860 = arith.constant 16 : i32
      %parallel_loop3A_861 = arith.muli %parallel_loop3A_650, %parallel_loop3A_860 : i32
      %parallel_loop3A_862 = arith.constant 11520 : i32
      %parallel_loop3A_863 = arith.addi %parallel_loop3A_862, %parallel_loop3A_861 : i32
      %parallel_loop3A_864 = arith.index_cast %parallel_loop3A_863 : i32 to index
      %parallel_loop3A_865 = tpu.vector_load %arg6[%parallel_loop3A_864] {strides = array<i32>} : memref<12288xf32, #tpu.memory_space<vmem>>, vector<16xf32>,
      %parallel_loop3A_866 = arith.addf %parallel_loop3A_859, %parallel_loop3A_865 : vector<16xf32>
      %parallel_loop3A_867 = arith.constant 16 : i32
      %parallel_loop3A_868 = arith.muli %parallel_loop3A_650, %parallel_loop3A_867 : i32
      %parallel_loop3A_869 = arith.constant 11904 : i32
      %parallel_loop3A_870 = arith.addi %parallel_loop3A_869, %parallel_loop3A_868 : i32
      %parallel_loop3A_871 = arith.index_cast %parallel_loop3A_870 : i32 to index
      %parallel_loop3A_872 = tpu.vector_load %arg6[%parallel_loop3A_871] {strides = array<i32>} : memref<12288xf32, #tpu.memory_space<vmem>>, vector<16xf32>,
      %parallel_loop3A_873 = arith.addf %parallel_loop3A_866, %parallel_loop3A_872 : vector<16xf32>
      %parallel_loop3A_874 = arith.index_cast %parallel_loop3A_652 : i32 to index
      %parallel_loop3A_875 = tpu.vector_load %arg7[%parallel_loop3A_874] {strides = array<i32>} : memref<384xf32, #tpu.memory_space<vmem>>, vector<16xf32>,
      tpu.vector_store %arg7[%parallel_loop3A_874], %parallel_loop3A_873 {strides = array<i32>} : memref<384xf32, #tpu.memory_space<vmem>>, vector<16xf32>,
    } {sc.loop_unroll_factor = 4 : i64, sc.parallel_access}
    %dma_wait3A_580 = arith.constant 0 : i32
    %dma_wait3A_581 = arith.constant 0 : i32
    %dma_wait3A_582 = arith.constant 0 : i32
    %dma_wait3A_583 = tpu.memref_slice %arg9[%dma_wait3A_581, %dma_wait3A_582] : memref<384x128xf32, #tpu.memory_space<vmem>> -> memref<128x128xf32, #tpu.memory_space<vmem>>
    %dma_wait3A_584 = arith.constant 0 : i32
    %dma_wait3A_585 = tpu.memref_slice %arg8[%dma_wait3A_584] : memref<384xi32, #tpu.memory_space<vmem>> -> memref<128xi32, #tpu.memory_space<vmem>>
    %dma_wait3A_586 = arith.constant 0 : i32
    %dma_wait3A_587 = arith.constant 0 : i32
    %dma_wait3A_588 = tpu.memref_slice %arg4[%dma_wait3A_586, %dma_wait3A_587] : memref<100000x128xf32, #tpu.memory_space<hbm>> -> memref<100000x128xf32, #tpu.memory_space<hbm>>
    %dma_wait3A_589 = tpu.memref_slice %arg11[%dma_wait3A_580] : memref<3x!tpu.dma_semaphore, #tpu.memory_space<semaphore_mem>> -> memref<1x!tpu.dma_semaphore, #tpu.memory_space<semaphore_mem>>
    %dma_wait3A_590 = tpu.memref_squeeze %dma_wait3A_589 : memref<1x!tpu.dma_semaphore, #tpu.memory_space<semaphore_mem>> -> memref<!tpu.dma_semaphore, #tpu.memory_space<semaphore_mem>>
    tpu.wait_indirect_dma semaphore(%dma_wait3A_590 : memref<!tpu.dma_semaphore, #tpu.memory_space<semaphore_mem>>) src(%dma_wait3A_588 : memref<100000x128xf32, #tpu.memory_space<hbm>>) dst(%dma_wait3A_583 : memref<128x128xf32, #tpu.memory_space<vmem>>)
    %dma_wait3A_591 = arith.constant 1 : i32
    %dma_wait3A_592 = arith.constant 128 : i32
    %dma_wait3A_593 = arith.constant 0 : i32
    %dma_wait3A_594 = tpu.memref_slice %arg9[%dma_wait3A_592, %dma_wait3A_593] : memref<384x128xf32, #tpu.memory_space<vmem>> -> memref<128x128xf32, #tpu.memory_space<vmem>>
    %dma_wait3A_595 = arith.constant 128 : i32
    %dma_wait3A_596 = tpu.memref_slice %arg8[%dma_wait3A_595] : memref<384xi32, #tpu.memory_space<vmem>> -> memref<128xi32, #tpu.memory_space<vmem>>
    %dma_wait3A_597 = arith.constant 0 : i32
    %dma_wait3A_598 = arith.constant 0 : i32
    %dma_wait3A_599 = tpu.memref_slice %arg4[%dma_wait3A_597, %dma_wait3A_598] : memref<100000x128xf32, #tpu.memory_space<hbm>> -> memref<100000x128xf32, #tpu.memory_space<hbm>>
    %dma_wait3A_600 = tpu.memref_slice %arg11[%dma_wait3A_591] : memref<3x!tpu.dma_semaphore, #tpu.memory_space<semaphore_mem>> -> memref<1x!tpu.dma_semaphore, #tpu.memory_space<semaphore_mem>>
    %dma_wait3A_601 = tpu.memref_squeeze %dma_wait3A_600 : memref<1x!tpu.dma_semaphore, #tpu.memory_space<semaphore_mem>> -> memref<!tpu.dma_semaphore, #tpu.memory_space<semaphore_mem>>
    tpu.wait_indirect_dma semaphore(%dma_wait3A_601 : memref<!tpu.dma_semaphore, #tpu.memory_space<semaphore_mem>>) src(%dma_wait3A_599 : memref<100000x128xf32, #tpu.memory_space<hbm>>) dst(%dma_wait3A_594 : memref<128x128xf32, #tpu.memory_space<vmem>>)
    %dma_wait3A_602 = arith.constant 2 : i32
    %dma_wait3A_603 = arith.constant 256 : i32
    %dma_wait3A_604 = arith.constant 0 : i32
    %dma_wait3A_605 = tpu.memref_slice %arg9[%dma_wait3A_603, %dma_wait3A_604] : memref<384x128xf32, #tpu.memory_space<vmem>> -> memref<128x128xf32, #tpu.memory_space<vmem>>
    %dma_wait3A_606 = arith.constant 256 : i32
    %dma_wait3A_607 = tpu.memref_slice %arg8[%dma_wait3A_606] : memref<384xi32, #tpu.memory_space<vmem>> -> memref<128xi32, #tpu.memory_space<vmem>>
    %dma_wait3A_608 = arith.constant 0 : i32
    %dma_wait3A_609 = arith.constant 0 : i32
    %dma_wait3A_610 = tpu.memref_slice %arg4[%dma_wait3A_608, %dma_wait3A_609] : memref<100000x128xf32, #tpu.memory_space<hbm>> -> memref<100000x128xf32, #tpu.memory_space<hbm>>
    %dma_wait3A_611 = tpu.memref_slice %arg11[%dma_wait3A_602] : memref<3x!tpu.dma_semaphore, #tpu.memory_space<semaphore_mem>> -> memref<1x!tpu.dma_semaphore, #tpu.memory_space<semaphore_mem>>
    %dma_wait3A_612 = tpu.memref_squeeze %dma_wait3A_611 : memref<1x!tpu.dma_semaphore, #tpu.memory_space<semaphore_mem>> -> memref<!tpu.dma_semaphore, #tpu.memory_space<semaphore_mem>>
    tpu.wait_indirect_dma semaphore(%dma_wait3A_612 : memref<!tpu.dma_semaphore, #tpu.memory_space<semaphore_mem>>) src(%dma_wait3A_610 : memref<100000x128xf32, #tpu.memory_space<hbm>>) dst(%dma_wait3A_605 : memref<128x128xf32, #tpu.memory_space<vmem>>)
    %broadcast_in_dim3A = arith.constant 0.000000e+00 : f32
    %broadcast_in_dim3A_613 = vector.broadcast %broadcast_in_dim3A : f32 to vector<16xf32>
    %broadcast_in_dim3A_614 = arith.constant 0.000000e+00 : f32
    %broadcast_in_dim3A_615 = vector.broadcast %broadcast_in_dim3A_614 : f32 to vector<16xf32>
    %broadcast_in_dim3A_616 = arith.constant 0.000000e+00 : f32
    %broadcast_in_dim3A_617 = vector.broadcast %broadcast_in_dim3A_616 : f32 to vector<16xf32>
    %broadcast_in_dim3A_618 = arith.constant 0.000000e+00 : f32
    %broadcast_in_dim3A_619 = vector.broadcast %broadcast_in_dim3A_618 : f32 to vector<16xf32>
    %broadcast_in_dim3A_620 = arith.constant 0.000000e+00 : f32
    %broadcast_in_dim3A_621 = vector.broadcast %broadcast_in_dim3A_620 : f32 to vector<16xf32>
    %broadcast_in_dim3A_622 = arith.constant 0.000000e+00 : f32
    %broadcast_in_dim3A_623 = vector.broadcast %broadcast_in_dim3A_622 : f32 to vector<16xf32>
    %broadcast_in_dim3A_624 = arith.constant 0.000000e+00 : f32
    %broadcast_in_dim3A_625 = vector.broadcast %broadcast_in_dim3A_624 : f32 to vector<16xf32>
    %broadcast_in_dim3A_626 = arith.constant 0.000000e+00 : f32
    %broadcast_in_dim3A_627 = vector.broadcast %broadcast_in_dim3A_626 : f32 to vector<16xf32>
    %parallel_loop3A_628 = arith.constant 0 : i32
    %parallel_loop3A_629 = arith.constant 384 : i32
    %parallel_loop3A_630 = arith.constant 1 : i32
    %parallel_loop3A_631:8 = scf.for %parallel_loop3A_650 = %parallel_loop3A_628 to %parallel_loop3A_629 step %parallel_loop3A_630 iter_args(%parallel_loop3A_651 = %broadcast_in_dim3A_613, %parallel_loop3A_652 = %broadcast_in_dim3A_615, %parallel_loop3A_653 = %broadcast_in_dim3A_617, %parallel_loop3A_654 = %broadcast_in_dim3A_619, %parallel_loop3A_655 = %broadcast_in_dim3A_621, %parallel_loop3A_656 = %broadcast_in_dim3A_623, %parallel_loop3A_657 = %broadcast_in_dim3A_625, %parallel_loop3A_658 = %broadcast_in_dim3A_627) -> (vector<16xf32>, vector<16xf32>, vector<16xf32>, vector<16xf32>, vector<16xf32>, vector<16xf32>, vector<16xf32>, vector<16xf32>)  : i32 {
      %parallel_loop3A_659 = vector.broadcast %parallel_loop3A_650 : i32 to vector<16xi32>
      %parallel_loop3A_660 = tpu.vector_load_idx %arg7[%parallel_loop3A_659] : memref<384xf32, #tpu.memory_space<vmem>>[vector<16xi32>], vector<16xf32>,
      %parallel_loop3A_661 = arith.index_cast %parallel_loop3A_650 : i32 to index
      %parallel_loop3A_662 = arith.constant 0 : index
      %parallel_loop3A_663 = tpu.vector_load %arg9[%parallel_loop3A_661, %parallel_loop3A_662] {strides = array<i32>} : memref<384x128xf32, #tpu.memory_space<vmem>>, vector<16xf32>,
      %parallel_loop3A_664 = arith.mulf %parallel_loop3A_660, %parallel_loop3A_663 : vector<16xf32>
      %parallel_loop3A_665 = arith.addf %parallel_loop3A_651, %parallel_loop3A_664 : vector<16xf32>
      %parallel_loop3A_666 = arith.index_cast %parallel_loop3A_650 : i32 to index
      %parallel_loop3A_667 = arith.constant 16 : index
      %parallel_loop3A_668 = tpu.vector_load %arg9[%parallel_loop3A_666, %parallel_loop3A_667] {strides = array<i32>} : memref<384x128xf32, #tpu.memory_space<vmem>>, vector<16xf32>,
      %parallel_loop3A_669 = arith.mulf %parallel_loop3A_660, %parallel_loop3A_668 : vector<16xf32>
      %parallel_loop3A_670 = arith.addf %parallel_loop3A_652, %parallel_loop3A_669 : vector<16xf32>
      %parallel_loop3A_671 = arith.index_cast %parallel_loop3A_650 : i32 to index
      %parallel_loop3A_672 = arith.constant 32 : index
      %parallel_loop3A_673 = tpu.vector_load %arg9[%parallel_loop3A_671, %parallel_loop3A_672] {strides = array<i32>} : memref<384x128xf32, #tpu.memory_space<vmem>>, vector<16xf32>,
      %parallel_loop3A_674 = arith.mulf %parallel_loop3A_660, %parallel_loop3A_673 : vector<16xf32>
      %parallel_loop3A_675 = arith.addf %parallel_loop3A_653, %parallel_loop3A_674 : vector<16xf32>
      %parallel_loop3A_676 = arith.index_cast %parallel_loop3A_650 : i32 to index
      %parallel_loop3A_677 = arith.constant 48 : index
      %parallel_loop3A_678 = tpu.vector_load %arg9[%parallel_loop3A_676, %parallel_loop3A_677] {strides = array<i32>} : memref<384x128xf32, #tpu.memory_space<vmem>>, vector<16xf32>,
      %parallel_loop3A_679 = arith.mulf %parallel_loop3A_660, %parallel_loop3A_678 : vector<16xf32>
      %parallel_loop3A_680 = arith.addf %parallel_loop3A_654, %parallel_loop3A_679 : vector<16xf32>
      %parallel_loop3A_681 = arith.index_cast %parallel_loop3A_650 : i32 to index
      %parallel_loop3A_682 = arith.constant 64 : index
      %parallel_loop3A_683 = tpu.vector_load %arg9[%parallel_loop3A_681, %parallel_loop3A_682] {strides = array<i32>} : memref<384x128xf32, #tpu.memory_space<vmem>>, vector<16xf32>,
      %parallel_loop3A_684 = arith.mulf %parallel_loop3A_660, %parallel_loop3A_683 : vector<16xf32>
      %parallel_loop3A_685 = arith.addf %parallel_loop3A_655, %parallel_loop3A_684 : vector<16xf32>
      %parallel_loop3A_686 = arith.index_cast %parallel_loop3A_650 : i32 to index
      %parallel_loop3A_687 = arith.constant 80 : index
      %parallel_loop3A_688 = tpu.vector_load %arg9[%parallel_loop3A_686, %parallel_loop3A_687] {strides = array<i32>} : memref<384x128xf32, #tpu.memory_space<vmem>>, vector<16xf32>,
      %parallel_loop3A_689 = arith.mulf %parallel_loop3A_660, %parallel_loop3A_688 : vector<16xf32>
      %parallel_loop3A_690 = arith.addf %parallel_loop3A_656, %parallel_loop3A_689 : vector<16xf32>
      %parallel_loop3A_691 = arith.index_cast %parallel_loop3A_650 : i32 to index
      %parallel_loop3A_692 = arith.constant 96 : index
      %parallel_loop3A_693 = tpu.vector_load %arg9[%parallel_loop3A_691, %parallel_loop3A_692] {strides = array<i32>} : memref<384x128xf32, #tpu.memory_space<vmem>>, vector<16xf32>,
      %parallel_loop3A_694 = arith.mulf %parallel_loop3A_660, %parallel_loop3A_693 : vector<16xf32>
      %parallel_loop3A_695 = arith.addf %parallel_loop3A_657, %parallel_loop3A_694 : vector<16xf32>
      %parallel_loop3A_696 = arith.index_cast %parallel_loop3A_650 : i32 to index
      %parallel_loop3A_697 = arith.constant 112 : index
      %parallel_loop3A_698 = tpu.vector_load %arg9[%parallel_loop3A_696, %parallel_loop3A_697] {strides = array<i32>} : memref<384x128xf32, #tpu.memory_space<vmem>>, vector<16xf32>,
      %parallel_loop3A_699 = arith.mulf %parallel_loop3A_660, %parallel_loop3A_698 : vector<16xf32>
      %parallel_loop3A_700 = arith.addf %parallel_loop3A_658, %parallel_loop3A_699 : vector<16xf32>
      scf.yield %parallel_loop3A_665, %parallel_loop3A_670, %parallel_loop3A_675, %parallel_loop3A_680, %parallel_loop3A_685, %parallel_loop3A_690, %parallel_loop3A_695, %parallel_loop3A_700 : vector<16xf32>, vector<16xf32>, vector<16xf32>, vector<16xf32>, vector<16xf32>, vector<16xf32>, vector<16xf32>, vector<16xf32>
    } {sc.loop_unroll_factor = 4 : i64, sc.parallel_access}
    %swap3A = arith.constant 0 : index
    %swap3A_632 = tpu.vector_load %arg10[%swap3A] {strides = array<i32>} : memref<128xf32, #tpu.memory_space<vmem>>, vector<16xf32>,
    tpu.vector_store %arg10[%swap3A], %parallel_loop3A_631#0 {strides = array<i32>} : memref<128xf32, #tpu.memory_space<vmem>>, vector<16xf32>,
    %swap3A_633 = arith.constant 16 : index
    %swap3A_634 = tpu.vector_load %arg10[%swap3A_633] {strides = array<i32>} : memref<128xf32, #tpu.memory_space<vmem>>, vector<16xf32>,
    tpu.vector_store %arg10[%swap3A_633], %parallel_loop3A_631#1 {strides = array<i32>} : memref<128xf32, #tpu.memory_space<vmem>>, vector<16xf32>,
    %swap3A_635 = arith.constant 32 : index
    %swap3A_636 = tpu.vector_load %arg10[%swap3A_635] {strides = array<i32>} : memref<128xf32, #tpu.memory_space<vmem>>, vector<16xf32>,
    tpu.vector_store %arg10[%swap3A_635], %parallel_loop3A_631#2 {strides = array<i32>} : memref<128xf32, #tpu.memory_space<vmem>>, vector<16xf32>,
    %swap3A_637 = arith.constant 48 : index
    %swap3A_638 = tpu.vector_load %arg10[%swap3A_637] {strides = array<i32>} : memref<128xf32, #tpu.memory_space<vmem>>, vector<16xf32>,
    tpu.vector_store %arg10[%swap3A_637], %parallel_loop3A_631#3 {strides = array<i32>} : memref<128xf32, #tpu.memory_space<vmem>>, vector<16xf32>,
    %swap3A_639 = arith.constant 64 : index
    %swap3A_640 = tpu.vector_load %arg10[%swap3A_639] {strides = array<i32>} : memref<128xf32, #tpu.memory_space<vmem>>, vector<16xf32>,
    tpu.vector_store %arg10[%swap3A_639], %parallel_loop3A_631#4 {strides = array<i32>} : memref<128xf32, #tpu.memory_space<vmem>>, vector<16xf32>,
    %swap3A_641 = arith.constant 80 : index
    %swap3A_642 = tpu.vector_load %arg10[%swap3A_641] {strides = array<i32>} : memref<128xf32, #tpu.memory_space<vmem>>, vector<16xf32>,
    tpu.vector_store %arg10[%swap3A_641], %parallel_loop3A_631#5 {strides = array<i32>} : memref<128xf32, #tpu.memory_space<vmem>>, vector<16xf32>,
    %swap3A_643 = arith.constant 96 : index
    %swap3A_644 = tpu.vector_load %arg10[%swap3A_643] {strides = array<i32>} : memref<128xf32, #tpu.memory_space<vmem>>, vector<16xf32>,
    tpu.vector_store %arg10[%swap3A_643], %parallel_loop3A_631#6 {strides = array<i32>} : memref<128xf32, #tpu.memory_space<vmem>>, vector<16xf32>,
    %swap3A_645 = arith.constant 112 : index
    %swap3A_646 = tpu.vector_load %arg10[%swap3A_645] {strides = array<i32>} : memref<128xf32, #tpu.memory_space<vmem>>, vector<16xf32>,
    tpu.vector_store %arg10[%swap3A_645], %parallel_loop3A_631#7 {strides = array<i32>} : memref<128xf32, #tpu.memory_space<vmem>>, vector<16xf32>,
    %mul3A_647 = arith.constant 128 : i32
    %mul3A_648 = arith.muli %add3A, %mul3A_647 : i32
    %multiple_of3A_649 = tpu.assume_multiple %mul3A_648, 128 : i32
    "tpu.region"() ({
      %run_scoped3A = tpu.sem_alloc : memref<!tpu.dma_semaphore, #tpu.memory_space<semaphore_mem>>
      %dma_start3A_650 = tpu.memref_slice %arg5[%multiple_of3A_649] : memref<4096xf32, #tpu.memory_space<hbm>> -> memref<128xf32, #tpu.memory_space<hbm>>
      %dma_start3A_651 = tpu.memref_slice %arg5[%multiple_of3A_649] : memref<4096xf32, #tpu.memory_space<hbm>> -> memref<128xf32, #tpu.memory_space<hbm>>
      tpu.enqueue_dma source(%arg10 : memref<128xf32, #tpu.memory_space<vmem>>) target(%dma_start3A_651 : memref<128xf32, #tpu.memory_space<hbm>>) target_semaphore(%run_scoped3A : memref<!tpu.dma_semaphore, #tpu.memory_space<semaphore_mem>>)
      %dma_wait3A_652 = tpu.memref_slice %arg5[%multiple_of3A_649] : memref<4096xf32, #tpu.memory_space<hbm>> -> memref<128xf32, #tpu.memory_space<hbm>>
      %dma_wait3A_653 = tpu.memref_slice %arg5[%multiple_of3A_649] : memref<4096xf32, #tpu.memory_space<hbm>> -> memref<128xf32, #tpu.memory_space<hbm>>
      tpu.wait_dma2 semaphore(%run_scoped3A : memref<!tpu.dma_semaphore, #tpu.memory_space<semaphore_mem>>) src(%arg10 : memref<128xf32, #tpu.memory_space<vmem>>) dst(%dma_wait3A_653 : memref<128xf32, #tpu.memory_space<hbm>>)
      tpu.yield
    }) : () -> ()
    return
  }
}

#map = affine_map<(d0, d1) -> (0)>
module attributes {stable_mosaic.version = 14 : i64} {
  func.func @_bin_body(%arg0: i32, %arg1: i32, %arg2: memref<320000xi32, #tpu.memory_space<hbm>>, %arg3: memref<320000xi32, #tpu.memory_space<hbm>>, %arg4: memref<320000xf32, #tpu.memory_space<hbm>>, %arg5: memref<393216xf32, #tpu.memory_space<hbm>>, %arg6: memref<10240xi32, #tpu.memory_space<vmem>>, %arg7: memref<10240xi32, #tpu.memory_space<vmem>>, %arg8: memref<10240xf32, #tpu.memory_space<vmem>>, %arg9: memref<12288xf32, #tpu.memory_space<vmem>>, %arg10: memref<!tpu.dma_semaphore, #tpu.memory_space<semaphore_mem>>) attributes {dimension_semantics = [#tpu.dimension_semantics<core_parallel>, #tpu.dimension_semantics<subcore_parallel>], iteration_bounds = array<i64: 2, 16>, scalar_prefetch = 0 : i64, scratch_operands = 5 : i64, tpu.core_type = #tpu.core_type<sc_vector_subcore>, window_params = [{transform_indices = #map}, {transform_indices = #map}, {transform_indices = #map}, {transform_indices = #map}]} {
    %mul3A = arith.constant 2 : i32
    %mul3A_0 = arith.muli %arg1, %mul3A : i32
    %add3A = arith.addi %mul3A_0, %arg0 : i32
    %mul3A_1 = arith.constant 10000 : i32
    %mul3A_2 = arith.muli %add3A, %mul3A_1 : i32
    %jit3A = arith.constant 128 : i32
    %div3A = arith.divsi %mul3A_2, %jit3A : i32
    %sign3A = arith.constant 0 : i32
    %sign3A_3 = arith.cmpi sgt, %mul3A_2, %sign3A : i32
    %sign3A_4 = arith.extui %sign3A_3 : i1 to i32
    %sign3A_5 = arith.constant 0 : i32
    %sign3A_6 = arith.cmpi slt, %mul3A_2, %sign3A_5 : i32
    %sign3A_7 = arith.extui %sign3A_6 : i1 to i32
    %sign3A_8 = arith.subi %sign3A_4, %sign3A_7 : i32
    %sign3A_9 = arith.constant 0 : i32
    %sign3A_10 = arith.cmpi sgt, %jit3A, %sign3A_9 : i32
    %sign3A_11 = arith.extui %sign3A_10 : i1 to i32
    %sign3A_12 = arith.constant 0 : i32
    %sign3A_13 = arith.cmpi slt, %jit3A, %sign3A_12 : i32
    %sign3A_14 = arith.extui %sign3A_13 : i1 to i32
    %sign3A_15 = arith.subi %sign3A_11, %sign3A_14 : i32
    %ne3A = arith.cmpi ne, %sign3A_8, %sign3A_15 : i32
    %rem3A = arith.remsi %mul3A_2, %jit3A : i32
    %ne3A_16 = arith.constant 0 : i32
    %ne3A_17 = arith.cmpi ne, %rem3A, %ne3A_16 : i32
    %and3A = arith.andi %ne3A, %ne3A_17 : i1
    %sub3A = arith.constant 1 : i32
    %sub3A_18 = arith.subi %div3A, %sub3A : i32
    %select_n3A = arith.select %and3A, %sub3A_18, %div3A : i32
    %mul3A_19 = arith.constant 128 : i32
    %mul3A_20 = arith.muli %select_n3A, %mul3A_19 : i32
    %min3A = arith.constant 309760 : i32
    %min3A_21 = arith.minsi %mul3A_20, %min3A : i32
    %multiple_of3A = tpu.assume_multiple %min3A_21, 128 : i32
    %dma_start3A = tpu.memref_slice %arg2[%multiple_of3A] : memref<320000xi32, #tpu.memory_space<hbm>> -> memref<10240xi32, #tpu.memory_space<hbm>>
    %dma_start3A_22 = tpu.memref_slice %arg2[%multiple_of3A] : memref<320000xi32, #tpu.memory_space<hbm>> -> memref<10240xi32, #tpu.memory_space<hbm>>
    tpu.enqueue_dma source(%dma_start3A_22 : memref<10240xi32, #tpu.memory_space<hbm>>) target(%arg6 : memref<10240xi32, #tpu.memory_space<vmem>>) target_semaphore(%arg10 : memref<!tpu.dma_semaphore, #tpu.memory_space<semaphore_mem>>)
    %dma_start3A_23 = tpu.memref_slice %arg3[%multiple_of3A] : memref<320000xi32, #tpu.memory_space<hbm>> -> memref<10240xi32, #tpu.memory_space<hbm>>
    %dma_start3A_24 = tpu.memref_slice %arg3[%multiple_of3A] : memref<320000xi32, #tpu.memory_space<hbm>> -> memref<10240xi32, #tpu.memory_space<hbm>>
    tpu.enqueue_dma source(%dma_start3A_24 : memref<10240xi32, #tpu.memory_space<hbm>>) target(%arg7 : memref<10240xi32, #tpu.memory_space<vmem>>) target_semaphore(%arg10 : memref<!tpu.dma_semaphore, #tpu.memory_space<semaphore_mem>>)
    %dma_start3A_25 = tpu.memref_slice %arg4[%multiple_of3A] : memref<320000xf32, #tpu.memory_space<hbm>> -> memref<10240xf32, #tpu.memory_space<hbm>>
    %dma_start3A_26 = tpu.memref_slice %arg4[%multiple_of3A] : memref<320000xf32, #tpu.memory_space<hbm>> -> memref<10240xf32, #tpu.memory_space<hbm>>
    tpu.enqueue_dma source(%dma_start3A_26 : memref<10240xf32, #tpu.memory_space<hbm>>) target(%arg8 : memref<10240xf32, #tpu.memory_space<vmem>>) target_semaphore(%arg10 : memref<!tpu.dma_semaphore, #tpu.memory_space<semaphore_mem>>)
    %parallel_loop3A = arith.constant 0 : i32
    %parallel_loop3A_27 = arith.constant 768 : i32
    %parallel_loop3A_28 = arith.constant 1 : i32
    scf.for %parallel_loop3A_57 = %parallel_loop3A to %parallel_loop3A_27 step %parallel_loop3A_28  : i32 {
      %parallel_loop3A_58 = arith.constant 0.000000e+00 : f32
      %parallel_loop3A_59 = vector.broadcast %parallel_loop3A_58 : f32 to vector<16xf32>
      %parallel_loop3A_60 = arith.constant 16 : i32
      %parallel_loop3A_61 = arith.muli %parallel_loop3A_57, %parallel_loop3A_60 : i32
      %parallel_loop3A_62 = arith.index_cast %parallel_loop3A_61 : i32 to index
      %parallel_loop3A_63 = tpu.vector_load %arg9[%parallel_loop3A_62] {strides = array<i32>} : memref<12288xf32, #tpu.memory_space<vmem>>, vector<16xf32>,
      tpu.vector_store %arg9[%parallel_loop3A_62], %parallel_loop3A_59 {strides = array<i32>} : memref<12288xf32, #tpu.memory_space<vmem>>, vector<16xf32>,
    } {sc.loop_unroll_factor = 8 : i64, sc.parallel_access}
    %dma_wait3A = tpu.memref_slice %arg2[%multiple_of3A] : memref<320000xi32, #tpu.memory_space<hbm>> -> memref<10240xi32, #tpu.memory_space<hbm>>
    %dma_wait3A_29 = tpu.memref_slice %arg2[%multiple_of3A] : memref<320000xi32, #tpu.memory_space<hbm>> -> memref<10240xi32, #tpu.memory_space<hbm>>
    tpu.wait_dma2 semaphore(%arg10 : memref<!tpu.dma_semaphore, #tpu.memory_space<semaphore_mem>>) src(%dma_wait3A_29 : memref<10240xi32, #tpu.memory_space<hbm>>) dst(%arg6 : memref<10240xi32, #tpu.memory_space<vmem>>)
    %dma_wait3A_30 = tpu.memref_slice %arg3[%multiple_of3A] : memref<320000xi32, #tpu.memory_space<hbm>> -> memref<10240xi32, #tpu.memory_space<hbm>>
    %dma_wait3A_31 = tpu.memref_slice %arg3[%multiple_of3A] : memref<320000xi32, #tpu.memory_space<hbm>> -> memref<10240xi32, #tpu.memory_space<hbm>>
    tpu.wait_dma2 semaphore(%arg10 : memref<!tpu.dma_semaphore, #tpu.memory_space<semaphore_mem>>) src(%dma_wait3A_31 : memref<10240xi32, #tpu.memory_space<hbm>>) dst(%arg7 : memref<10240xi32, #tpu.memory_space<vmem>>)
    %dma_wait3A_32 = tpu.memref_slice %arg4[%multiple_of3A] : memref<320000xf32, #tpu.memory_space<hbm>> -> memref<10240xf32, #tpu.memory_space<hbm>>
    %dma_wait3A_33 = tpu.memref_slice %arg4[%multiple_of3A] : memref<320000xf32, #tpu.memory_space<hbm>> -> memref<10240xf32, #tpu.memory_space<hbm>>
    tpu.wait_dma2 semaphore(%arg10 : memref<!tpu.dma_semaphore, #tpu.memory_space<semaphore_mem>>) src(%dma_wait3A_33 : memref<10240xf32, #tpu.memory_space<hbm>>) dst(%arg8 : memref<10240xf32, #tpu.memory_space<vmem>>)
    %broadcast_in_dim3A = arith.constant 512 : i32
    %broadcast_in_dim3A_34 = vector.broadcast %broadcast_in_dim3A : i32 to vector<16xi32>
    %iota3A = tpu.iota {dimensions = array<i32: 0>} : vector<16xi32>
    %sub3A_35 = arith.subi %mul3A_2, %multiple_of3A : i32
    %scan3A = arith.constant 0 : i32
    %scan3A_36 = arith.constant 0 : i32
    %scan3A_37 = arith.constant 16 : i32
    %scan3A_38 = arith.addi %scan3A_36, %scan3A_37 : i32
    %scan3A_39 = arith.constant 1 : i32
    %scan3A_40 = scf.for %scan3A_57 = %scan3A_36 to %scan3A_38 step %scan3A_39 iter_args(%scan3A_58 = %scan3A) -> (i32)  : i32 {
      %mul3A_59 = arith.constant 16 : i32
      %mul3A_60 = arith.muli %scan3A_57, %mul3A_59 : i32
      %mul3A_61 = arith.constant 16 : i32
      %mul3A_62 = arith.muli %scan3A_57, %mul3A_61 : i32
      %add3A_63 = vector.broadcast %mul3A_62 : i32 to vector<16xi32>
      %add3A_64 = arith.addi %add3A_63, %iota3A : vector<16xi32>
      %lt3A = vector.broadcast %sub3A_35 : i32 to vector<16xi32>
      %lt3A_65 = arith.cmpi slt, %add3A_64, %lt3A : vector<16xi32>
      %get3A = arith.index_cast %mul3A_60 : i32 to index
      %get3A_66 = tpu.vector_load %arg8[%get3A] {strides = array<i32>} : memref<10240xf32, #tpu.memory_space<vmem>>, vector<16xf32>,
      %jit3A_67 = arith.constant 0.000000e+00 : f32
      %broadcast_in_dim3A_68 = vector.broadcast %jit3A_67 : f32 to vector<16xf32>
      %select_n3A_69 = arith.select %lt3A_65, %broadcast_in_dim3A_68, %get3A_66 : vector<16xi1>, vector<16xf32>
      %swap3A = arith.index_cast %mul3A_60 : i32 to index
      %swap3A_70 = tpu.vector_load %arg8[%swap3A] {strides = array<i32>} : memref<10240xf32, #tpu.memory_space<vmem>>, vector<16xf32>,
      tpu.vector_store %arg8[%swap3A], %select_n3A_69 {strides = array<i32>} : memref<10240xf32, #tpu.memory_space<vmem>>, vector<16xf32>,
      %scan3A_71 = arith.constant 0 : i32
      scf.yield %scan3A_71 : i32
    }
    %scan3A_41 = arith.constant 16 : i32
    %add3A_42 = arith.constant 10000 : i32
    %add3A_43 = arith.addi %sub3A_35, %add3A_42 : i32
    %scan3A_44 = arith.constant 0 : i32
    %scan3A_45 = arith.constant 0 : i32
    %scan3A_46 = arith.constant 16 : i32
    %scan3A_47 = arith.addi %scan3A_45, %scan3A_46 : i32
    %scan3A_48 = arith.constant 1 : i32
    %scan3A_49 = scf.for %scan3A_57 = %scan3A_45 to %scan3A_47 step %scan3A_48 iter_args(%scan3A_58 = %scan3A_44) -> (i32)  : i32 {
      %mul3A_59 = arith.constant 16 : i32
      %mul3A_60 = arith.muli %scan3A_57, %mul3A_59 : i32
      %add3A_61 = arith.constant 9984 : i32
      %add3A_62 = arith.addi %add3A_61, %mul3A_60 : i32
      %add3A_63 = vector.broadcast %add3A_62 : i32 to vector<16xi32>
      %add3A_64 = arith.addi %add3A_63, %iota3A : vector<16xi32>
      %ge3A = vector.broadcast %add3A_43 : i32 to vector<16xi32>
      %ge3A_65 = arith.cmpi sge, %add3A_64, %ge3A : vector<16xi32>
      %get3A = arith.index_cast %add3A_62 : i32 to index
      %get3A_66 = tpu.vector_load %arg8[%get3A] {strides = array<i32>} : memref<10240xf32, #tpu.memory_space<vmem>>, vector<16xf32>,
      %jit3A_67 = arith.constant 0.000000e+00 : f32
      %broadcast_in_dim3A_68 = vector.broadcast %jit3A_67 : f32 to vector<16xf32>
      %select_n3A_69 = arith.select %ge3A_65, %broadcast_in_dim3A_68, %get3A_66 : vector<16xi1>, vector<16xf32>
      %swap3A = arith.index_cast %add3A_62 : i32 to index
      %swap3A_70 = tpu.vector_load %arg8[%swap3A] {strides = array<i32>} : memref<10240xf32, #tpu.memory_space<vmem>>, vector<16xf32>,
      tpu.vector_store %arg8[%swap3A], %select_n3A_69 {strides = array<i32>} : memref<10240xf32, #tpu.memory_space<vmem>>, vector<16xf32>,
      %scan3A_71 = arith.constant 0 : i32
      scf.yield %scan3A_71 : i32
    }
    %scan3A_50 = arith.constant 16 : i32
    %parallel_loop3A_51 = arith.constant 0 : i32
    %parallel_loop3A_52 = arith.constant 640 : i32
    %parallel_loop3A_53 = arith.constant 1 : i32
    scf.for %parallel_loop3A_57 = %parallel_loop3A_51 to %parallel_loop3A_52 step %parallel_loop3A_53  : i32 {
      %parallel_loop3A_58 = arith.constant 16 : i32
      %parallel_loop3A_59 = arith.muli %parallel_loop3A_57, %parallel_loop3A_58 : i32
      %parallel_loop3A_60 = arith.index_cast %parallel_loop3A_59 : i32 to index
      %parallel_loop3A_61 = tpu.vector_load %arg6[%parallel_loop3A_60] {strides = array<i32>} : memref<10240xi32, #tpu.memory_space<vmem>>, vector<16xi32>,
      %parallel_loop3A_62 = arith.index_cast %parallel_loop3A_59 : i32 to index
      %parallel_loop3A_63 = tpu.vector_load %arg7[%parallel_loop3A_62] {strides = array<i32>} : memref<10240xi32, #tpu.memory_space<vmem>>, vector<16xi32>,
      %parallel_loop3A_64 = arith.index_cast %parallel_loop3A_59 : i32 to index
      %parallel_loop3A_65 = tpu.vector_load %arg8[%parallel_loop3A_64] {strides = array<i32>} : memref<10240xf32, #tpu.memory_space<vmem>>, vector<16xf32>,
      %parallel_loop3A_66 = arith.cmpi slt, %parallel_loop3A_61, %broadcast_in_dim3A_34 : vector<16xi32>
      tpu.vector_store_idx %arg9[%parallel_loop3A_63], %parallel_loop3A_65 masked %parallel_loop3A_66 {add = true} : memref<12288xf32, #tpu.memory_space<vmem>>[vector<16xi32>], vector<16xf32>, vector<16xi1>
    } {sc.loop_unroll_factor = 8 : i64, sc.parallel_access}
    %mul3A_54 = arith.constant 12288 : i32
    %mul3A_55 = arith.muli %add3A, %mul3A_54 : i32
    %multiple_of3A_56 = tpu.assume_multiple %mul3A_55, 128 : i32
    "tpu.region"() ({
      %run_scoped3A = tpu.sem_alloc : memref<!tpu.dma_semaphore, #tpu.memory_space<semaphore_mem>>
      %dma_start3A_57 = tpu.memref_slice %arg5[%multiple_of3A_56] : memref<393216xf32, #tpu.memory_space<hbm>> -> memref<12288xf32, #tpu.memory_space<hbm>>
      %dma_start3A_58 = tpu.memref_slice %arg5[%multiple_of3A_56] : memref<393216xf32, #tpu.memory_space<hbm>> -> memref<12288xf32, #tpu.memory_space<hbm>>
      tpu.enqueue_dma source(%arg9 : memref<12288xf32, #tpu.memory_space<vmem>>) target(%dma_start3A_58 : memref<12288xf32, #tpu.memory_space<hbm>>) target_semaphore(%run_scoped3A : memref<!tpu.dma_semaphore, #tpu.memory_space<semaphore_mem>>)
      %dma_wait3A_59 = tpu.memref_slice %arg5[%multiple_of3A_56] : memref<393216xf32, #tpu.memory_space<hbm>> -> memref<12288xf32, #tpu.memory_space<hbm>>
      %dma_wait3A_60 = tpu.memref_slice %arg5[%multiple_of3A_56] : memref<393216xf32, #tpu.memory_space<hbm>> -> memref<12288xf32, #tpu.memory_space<hbm>>
      tpu.wait_dma2 semaphore(%run_scoped3A : memref<!tpu.dma_semaphore, #tpu.memory_space<semaphore_mem>>) src(%arg9 : memref<12288xf32, #tpu.memory_space<vmem>>) dst(%dma_wait3A_60 : memref<12288xf32, #tpu.memory_space<hbm>>)
      tpu.yield
    }) : () -> ()
    return
  }
}

module attributes {stable_mosaic.version = 14 : i64} {
  func.func @_ep_body(%arg0: memref<32x128xf32, #tpu.memory_space<vmem>>, %arg1: memref<128x128xf32, #tpu.memory_space<vmem>>, %arg2: memref<1x128xf32, #tpu.memory_space<vmem>>, %arg3: memref<128x128xf32, #tpu.memory_space<vmem>>, %arg4: memref<1x128xf32, #tpu.memory_space<vmem>>, %arg5: memref<1x128xf32, #tpu.memory_space<vmem>>) attributes {dimension_semantics = [], scalar_prefetch = 0 : i64, scratch_operands = 0 : i64, tpu.core_type = #tpu.core_type<tc>} {
    %get3A = arith.constant 0 : index
    %get3A_0 = arith.constant 0 : index
    %get3A_1 = vector.load %arg0[%get3A, %get3A_0] : memref<32x128xf32, #tpu.memory_space<vmem>>, vector<32x128xf32>
    %reduce_sum3A = arith.constant dense<0.000000e+00> : vector<128xf32>
    %reduce_sum3A_2 = vector.multi_reduction <add>, %get3A_1, %reduce_sum3A [0] : vector<32x128xf32> to vector<128xf32>
    %broadcast_in_dim3A = vector.shape_cast %reduce_sum3A_2 : vector<128xf32> to vector<1x128xf32>
    %get3A_3 = arith.constant 0 : index
    %get3A_4 = arith.constant 0 : index
    %get3A_5 = vector.load %arg1[%get3A_3, %get3A_4] : memref<128x128xf32, #tpu.memory_space<vmem>>, vector<128x128xf32>
    %dot_general3A = arith.constant dense<0.000000e+00> : vector<1x128xf32>
    %dot_general3A_6 = tpu.matmul %broadcast_in_dim3A, %get3A_5, %dot_general3A {dimension_numbers = #tpu.dot_dimension_numbers<[1], [0], [0], [1], [0, 0, 1, 1], [], []>, transpose_lhs_hint = false} : vector<1x128xf32>, vector<128x128xf32>, vector<1x128xf32> -> vector<1x128xf32>
    %get3A_7 = arith.constant 0 : index
    %get3A_8 = arith.constant 0 : index
    %get3A_9 = vector.load %arg2[%get3A_7, %get3A_8] : memref<1x128xf32, #tpu.memory_space<vmem>>, vector<1x128xf32>
    %add3A = arith.addf %dot_general3A_6, %get3A_9 : vector<1x128xf32>
    %get3A_10 = arith.constant 0 : index
    %get3A_11 = arith.constant 0 : index
    %get3A_12 = vector.load %arg3[%get3A_10, %get3A_11] : memref<128x128xf32, #tpu.memory_space<vmem>>, vector<128x128xf32>
    %dot_general3A_13 = arith.constant dense<0.000000e+00> : vector<1x128xf32>
    %dot_general3A_14 = tpu.matmul %add3A, %get3A_12, %dot_general3A_13 {dimension_numbers = #tpu.dot_dimension_numbers<[1], [0], [0], [1], [0, 0, 1, 1], [], []>, transpose_lhs_hint = false} : vector<1x128xf32>, vector<128x128xf32>, vector<1x128xf32> -> vector<1x128xf32>
    %get3A_15 = arith.constant 0 : index
    %get3A_16 = arith.constant 0 : index
    %get3A_17 = vector.load %arg4[%get3A_15, %get3A_16] : memref<1x128xf32, #tpu.memory_space<vmem>>, vector<1x128xf32>
    %add3A_18 = arith.addf %dot_general3A_14, %get3A_17 : vector<1x128xf32>
    %max3A = arith.constant 0.000000e+00 : f32
    %max3A_19 = vector.broadcast %max3A : f32 to vector<1x128xf32>
    %max3A_20 = arith.maximumf %add3A_18, %max3A_19 : vector<1x128xf32>
    %swap3A = arith.constant 0 : index
    %swap3A_21 = arith.constant 0 : index
    %swap3A_22 = vector.load %arg5[%swap3A, %swap3A_21] : memref<1x128xf32, #tpu.memory_space<vmem>>, vector<1x128xf32>
    tpu.vector_store %arg5[%swap3A, %swap3A_21], %max3A_20 {strides = array<i32>} : memref<1x128xf32, #tpu.memory_space<vmem>>, vector<1x128xf32>,
    return
  }
}

</mosaic_0001>

<sc_bundles>
// kernel: kernel.5.cloned.1.call-start
scs
__scs_entry_jumppad:
0x0: {  	(pc) =	sbr.rel $0x88, $3  }
0x1: {  	(tag) =	ssettag $0x0;
	lr =	simm.s32 $0x1  }
0x2: {  	[smem:$0x3F97] =	sst lr;
	_ =	strace $0xD0000000  }
0x3: {  	_ = 	snop  }
0x4: {  	_ = 	snop  }
0x5: {  	_ = 	snop  }
0x6: {  	_ = 	snop  }
0x7: {  	_ = 	snop  }
__scs_overlays_trampoline_lowered:
0x8: {  	[smem:$0x3FA6] =	sst s0  }
0x9: {  	[smem:$0x3FA7] =	sst s1  }
0xa: {  	[smem:$0x3FA8] =	sst s2  }
0xb: {  	[smem:$0x3FA9] =	sst s3  }
0xc: {  	[smem:$0x3FAA] =	sst s4  }
0xd: {  	[smem:$0x3FAB] =	sst s5  }
0xe: {  	[smem:$0x3FAC] =	sst s6  }
0xf: {  	[smem:$0x3FAD] =	sst s7  }
0x10: {  	[smem:$0x3FAE] =	sst s8  }
0x11: {  	[smem:$0x3FAF] =	sst s9;
	s0 =	simm.s32 @!p0 $0x0  }
0x12: {  	s1 =	sld [smem:$0x3F95];
	s0 =	simm.s32 @p0 $0x1  }
0x13: {  	[smem:$0x3FB0] =	sst s0;
	s0 =	simm.s32 @!p1 $0x0  }
0x14: {  	s2 =	sld [smem:$0x3F94];
	s0 =	simm.s32 @p1 $0x1  }
0x15: {  	[smem:$0x3FB1] =	sst s0;
	s0 =	simm.s32 @!p2 $0x0  }
0x16: {  	s3 =	sld [smem:$0x3FDB];
	s0 =	simm.s32 @p2 $0x1  }
0x17: {  	s4 =	simm.s32 $0x1BF5;
	[smem:$0x3FB3] =	sst s0  }
0x18: {  	s0 =	sld [smem:$0x3F96];
	_ =	swait.ge [sflag:s4], $0x0  }
0x19: {  	s7 =	sld [smem:$0x3F97]  }
0x1a: {  	s8 =	sadd.s32 $0xFFFFE003, lr  }
0x1b: {  	s9 =	sadd.s32 $0xFFFFFEF7, lr;
	s5 =	simm.s32 $0xFFFFFFFF;
	p2 =	slt.u32 s8, $0xFFFFF086  }
0x1c: {  	p1 =	slt.u32 s9, $0xF7A;
	s5 =	simm.s32 @!p2 $0x0  }
0x1d: {  	s5 =	simm.s32 @p1 $0x1;
	p0 =	seq.s32 s7, s2  }
0x1e: {  	s7 =	smul.u32 @!p0 $0xF7A, s2;
	p2 =	seq.s32 @!p0 s5, $0x0  }
0x1f: {  	s9 =	smul.u32 $0xF7A, s1;
	s8 =	simm.s32 @!p0 $0x1BF5;
	p2 =	por !p2, p0  }
0x20: {  	[sflag:s8] =	ssyncset.s32 @!p0 $0xFFFFF086;
	s6 =	sadd.s32 @!p0 s3, s7;
	s7 =	simm.s32 @!p0 $0x108  }
0x21: {  	s3 =	sadd.s32 s3, s9;
	s6 =	sadd.s32 @!p0 $0x88, s6;
	s7 =	simm.s32 @p2 $0x1082  }
0x22: {  	[simem:s7], [sflag:s8] =	dma.local @!p0 [hbm:s6], $0xF7A  }
0x23: {  	s9 =	sor.u32 $0xD0000000, s2;
	s6 =	simm.s32 $0x108;
	_ =	swait.ge @!p0 [sflag:s8], $0x0  }
0x24: {  	s3 =	sadd.s32 $0x88, s3;
	s6 =	simm.s32 @!p1 $0x1082;
	[sflag:s4] =	ssyncset.s32 $0xFFFFF086  }
0x25: {  	[simem:s6], [sflag:s4] =	dma.local [hbm:s3], $0xF7A  }
0x26: {  	[smem:$0x3F97] =	sst s1;
	(tag) =	ssettag s2;
	_ =	strace s9  }
0x27: {  	s1 =	sld [smem:$0x3FA7]  }
0x28: {  	s2 =	sld [smem:$0x3FA8]  }
0x29: {  	s4 =	sld [smem:$0x3FAA]  }
0x2a: {  	p0 =	seq.s32 s5, $0x0;
	s5 =	sld [smem:$0x3FAB]  }
0x2b: {  	s6 =	sld [smem:$0x3FAC]  }
0x2c: {  	s7 =	sld [smem:$0x3FAD]  }
0x2d: {  	s3 =	simm.s32 $0x108;
	s8 =	sld [smem:$0x3FAE]  }
0x2e: {  	s3 =	simm.s32 @!p0 $0x1082;
	s9 =	sld [smem:$0x3FAF]  }
0x2f: {  	lr =	sadd.s32 s0, s3;
	s0 =	sld [smem:$0x3FA6]  }
0x30: {  	s3 =	sld [smem:$0x3FA9]  }
0x31: {  	[smem:$0x3FB2] =	sst s10  }
0x32: {  	s10 =	sld [smem:$0x3FB0];
	_ =	sdelay $0x3  }
0x33: {  	p0 =	seq.s32 s10, $0x1;
	s10 =	sld [smem:$0x3FB2];
	_ =	sdelay $0x3  }
0x34: {  	[smem:$0x3FB2] =	sst s10  }
0x35: {  	s10 =	sld [smem:$0x3FB1];
	_ =	sdelay $0x3  }
0x36: {  	p1 =	seq.s32 s10, $0x1;
	s10 =	sld [smem:$0x3FB2];
	_ =	sdelay $0x3  }
0x37: {  	[smem:$0x3FB2] =	sst s10  }
0x38: {  	s10 =	sld [smem:$0x3FB3]  }
0x39: {  	_ = 	snop;
	(pc) =	sbr.ind lr, $3  }
0x3a: {  	_ = 	snop  }
0x3b: {  	_ = 	snop  }
0x3c: {  	p2 =	seq.s32 s10, $0x1;
	s10 =	sld [smem:$0x3FB2]  }
0x3d: {  	_ =	shalt  }
0x3e: {  	_ =	shalt  }
0x3f: {  	_ =	shalt  }
0x40: {  	_ =	shalt  }
0x41: {  	_ =	shalt  }
0x42: {  	_ =	shalt  }
0x43: {  	_ =	shalt  }
0x44: {  	_ =	shalt  }
0x45: {  	_ =	shalt  }
0x46: {  	_ =	shalt  }
0x47: {  	_ =	shalt  }
0x48: {  	_ =	shalt  }
0x49: {  	_ =	shalt  }
0x4a: {  	_ =	shalt  }
0x4b: {  	_ =	shalt  }
0x4c: {  	_ =	shalt  }
0x4d: {  	_ =	shalt  }
0x4e: {  	_ =	shalt  }
0x4f: {  	_ =	shalt  }
0x50: {  	_ =	shalt  }
0x51: {  	_ =	shalt  }
0x52: {  	_ =	shalt  }
0x53: {  	_ =	shalt  }
0x54: {  	_ =	shalt  }
0x55: {  	_ =	shalt  }
0x56: {  	_ =	shalt  }
0x57: {  	_ =	shalt  }
0x58: {  	_ =	shalt  }
0x59: {  	_ =	shalt  }
0x5a: {  	_ =	shalt  }
0x5b: {  	_ =	shalt  }
0x5c: {  	_ =	shalt  }
0x5d: {  	_ =	shalt  }
0x5e: {  	_ =	shalt  }
0x5f: {  	_ =	shalt  }
0x60: {  	_ =	shalt  }
0x61: {  	_ =	shalt  }
0x62: {  	_ =	shalt  }
0x63: {  	_ =	shalt  }
0x64: {  	_ =	shalt  }
0x65: {  	_ =	shalt  }
0x66: {  	_ =	shalt  }
0x67: {  	_ =	shalt  }
0x68: {  	_ =	shalt  }
0x69: {  	_ =	shalt  }
0x6a: {  	_ =	shalt  }
0x6b: {  	_ =	shalt  }
0x6c: {  	_ =	shalt  }
0x6d: {  	_ =	shalt  }
0x6e: {  	_ =	shalt  }
0x6f: {  	_ =	shalt  }
0x70: {  	_ =	shalt  }
0x71: {  	_ =	shalt  }
0x72: {  	_ =	shalt  }
0x73: {  	_ =	shalt  }
0x74: {  	_ =	shalt  }
0x75: {  	_ =	shalt  }
0x76: {  	_ =	shalt  }
0x77: {  	_ =	shalt  }
0x78: {  	_ =	shalt  }
0x79: {  	_ =	shalt  }
0x7a: {  	_ =	shalt  }
0x7b: {  	_ =	shalt  }
0x7c: {  	_ =	shalt  }
0x7d: {  	_ =	shalt  }
0x7e: {  	_ =	shalt  }
0x7f: {  	_ =	shalt  }
0x80: {  	_ =	shalt  }
0x81: {  	_ =	shalt  }
0x82: {  	_ =	shalt  }
0x83: {  	_ =	shalt  }
0x84: {  	_ =	shalt  }
0x85: {  	_ =	shalt  }
0x86: {  	_ =	shalt  }
0x87: {  	_ =	shalt  }
.Lfunc_end0:
.L_simem_size_0:
called_computation_lowered:
.L_overlay_start_0:
0x88: {  	s2 =	sld [smem:$0x3FD9]  }
0x89: {  	s3 =	sld [smem:$0x3FFE];
	_ =	sdelay $0x1  }
0x8a: {  	s1 =	srdreg.scid  }
0x8b: {  	s0 =	sand.u32 $0x1, s1  }
0x8c: {  	s17 =	sshll.u32 s0, $0xA;
	s2 =	sadd.s32 s3, s2  }
0x8d: {  	s2 =	sadd.s32 s2, s17  }
0x8e: {  	[smem:$0x3FBE] =	sst s2  }
0x8f: {  	_ = 	snop  }
0x90: {  	s2 =	sld [smem:$0x3FC8]  }
0x91: {  	s18 =	sld [smem:$0x3FC7]  }
0x92: {  	s4 =	sld [smem:$0x3FC6];
	(tm) =	ssettm $0x1  }
0x93: {  	s5 =	sld [smem:$0x3FFB];
	_ =	sdelay $0x3  }
0x94: {  	_ =	strace s5  }
0x95: {  	s5 =	sld [smem:$0x3FFC];
	_ =	sdelay $0x3  }
0x96: {  	_ =	strace s5  }
0x97: {  	s5 =	sld [smem:$0x3FFD];
	_ =	sdelay $0x3  }
0x98: {  	_ =	strace s5  }
0x99: {  	_ =	strace $0x8FFFFFFF  }
0x9a: {  	s19 =	sld [smem:$0x3FDB];
	_ =	sdelay $0x1  }
0x9b: {  	s6 =	simm.s32 $_scs_section_size  }
0x9c: {  	s7 =	simm.s32 $_size__tile_overlayer_lowered;
	s8 =	simm.s32 $_tile_overlayer_lowered  }
0x9d: {  	s22 =	simm.s32 $0x1BFF;
	s21 =	sshll.u32 s8, $0x1;
	s5 =	sadd.s32 s6, s19  }
0x9e: {  	s9 =	simm.s32 $0x0;
	s20 =	sshll.u32 s7, $0x1;
	s7 =	sadd.s32 s21, s5  }
0x9f: {  	[timem:s9], [sflag:s22] =	dma.local [hbm:s7], s20  }
0xa0: {  	_ =	swait.ge [sflag:s22], s20  }
0xa1: {  	s6 =	ssub.s32 $0x0, s20;
	[sflag:s22] =	ssyncset.done $0x0  }
0xa2: {  	[sflag:s22] =	ssyncadd.s32 s6;
	_ =	sdelay $0x1  }
0xa3: {  	s23 =	simm.s32 $0x1B8B  }
0xa4: {  	_ =	swait.ge [sflag:s23], $0x1  }
0xa5: {  	[sflag:s23] =	ssyncset.done $0x0  }
0xa6: {  	s25 =	simm.s32 $0x1B8E;
	s24 =	sld [smem:$0x3FFE];
	[sflag:s23] =	ssyncadd.s32 $0xFFFFFFFF  }
0xa7: {  	s26 =	simm.s32 $execute0_lowered;
	[smem:$0x3FD2] =	sst s25  }
0xa8: {  	s7 =	sshll.u32 s26, $0x1;
	_ =	strace $0x80000046;
	[dreg:$0x1] =	wrdreg $0xFFFFFFFF  }
0xa9: {  	s28 =	simm.s32 $_size_execute0_lowered;
	s5 =	sadd.s32 s5, s7;
	[dreg:$0x0] =	wrdreg $0x0  }
0xaa: {  	s7 =	sshll.u32 s28, $0x1;
	[dreg:$0x2] =	wrdreg s5  }
0xab: {  	[dreg:$0x3] =	wrdreg s7  }
0xac: {  	[dreg:$0x4] =	wrdreg $0xC0  }
0xad: {  	_ =	task [dreg:s9], $0x5FFFF  }
0xae: {  	[dreg:$0x1] =	wrdreg $0xFFFFFFFF  }
0xaf: {  	[dreg:$0x0] =	wrdreg $0x60  }
0xb0: {  	[dreg:$0x2] =	wrdreg s2  }
0xb1: {  	[dreg:$0x3] =	wrdreg s18  }
0xb2: {  	[dreg:$0x4] =	wrdreg s4  }
0xb3: {  	[dreg:$0x5] =	wrdreg s24  }
0xb4: {  	[dreg:$0x6] =	wrdreg $0x9  }
0xb5: {  	_ =	task.clear_ibuf [dreg:s9], $0x7FFFF;
	_ =	strace $0x90000046  }
0xb6: {  	s29 =	simm.s32 $0x9;
	_ =	strace $0x80000048  }
0xb7: {  	_ =	swait.ge [sflag:s29], $0x1  }
0xb8: {  	[sflag:s29] =	ssyncadd.s32 $0xFFFFFFFF  }
0xb9: {  	_ =	strace $0x90000048  }
0xba: {  	_ =	sfence  }
0xbb: {  	s30 =	sld [smem:$0x0];
	_ =	sdelay $0x2  }
0xbc: {  	s31 =	sshll.u32 s1, $0xD;
	s1 =	sshrl.u32 s1, $0x2  }
0xbd: {  	s3 =	sand.u32 $0x4000, s31;
	s1 =	sadd.s32 s1, s30  }
0xbe: {  	s0 =	sor.u32 s3, s0;
	s1 =	sshll.u32 s1, $0x11  }
0xbf: {  	s0 =	sor.u32 s1, s0  }
0xc0: {  	s0 =	sadd.s32 $0x8F2B, s0  }
0xc1: {  	[sflag:s0] =	ssyncadd.remote.s32 $0x1  }
0xc2: {  	_ =	sfence.sel $0xFFFF  }
0xc3: {  	[dreg:$0x0] =	wrdreg $0xFFFFFFFF;
	(pc) =	sbr.abs _section_cstart, $3  }
0xc4: {  	[dreg:$0x1] =	wrdreg $0xFFFFFFFF  }
0xc5: {  	_ =	task.clear_ibuf [dreg:s9], $0x2FFFF;
	_ =	strace $0x9FFFFFFF  }
0xc6: {  	(tm) =	ssettm $0x7FFFFFFF  }
0xc7: {  	_ =	shalt  }
tec
execute0_lowered:
.L_overlay_start_1:
0x0: {  	(tag) =	ssettag $0x1  }
0x1: {  	s3 =	rddreg [dreg:$0x0]  }
0x2: {  	s1 =	srdreg.scid;
	s4 =	rddreg [dreg:$0x1]  }
0x3: {  	s0 =	stileid.u32;
	s6 =	rddreg [dreg:$0x2]  }
0x4: {  	s8 =	rddreg [dreg:$0x3];
	s5 =	sand.u32 $0x1, s1;
	s29 =	sshll.u32 s0, $0x1  }
0x5: {  	s2 =	simm.s32 $0x0;
	s13 =	simm.s32 $0x0;
	s7 =	sor.u32 s5, s29  }
0x6: {  	s1 =	rddreg [dreg:$0x4];
	s5 =	ssub.s32 $0x2, s5;
	s9 =	smul.u32 $0x2710, s7  }
0x7: {  	[smem:$0x7FF] =	sst s2;
	s7 =	smul.u32 $0x600, s7;
	s11 =	sshrl.u32 s5, $0x1  }
0x8: {  	_ =	strace $0x80000047;
	s30 =	ssub.s32 s5, s11;
	s10 =	sand.u32 $0x7FF80, s9  }
0x9: {  	s11 =	simm.s32 $0x7800;
	s7 =	sadd.s32 s7, s8;
	s10 =	smin.u32 s10, $0x4BA00  }
0xa: {  	s8 =	simm.s32 $0x2800;
	s12 =	sshrl.u32 s10, $0x3;
	s9 =	ssub.s32 s9, s10  }
0xb: {  	s10 =	simm.s32 $0x1;
	s3 =	sadd.s32 s3, s12;
	s4 =	sadd.s32 s4, s12  }
0xc: {  	v2 =	vimm.f32 $0.0e+00;
	s5 =	sadd.s32 s6, s12;
	s31 =	sadd.s32 $0x2710, s9;
	s6 =	sadd.s32 $0x1400, s7  }
0xd: {  	v3 =	vlaneseq.u32;
	s7 =	smax.u32 s30, $0x1;
	v0 =	vmov s9;
	s9 =	simm.s32 $0x5000;
	s12 =	simm.s32 $0x2;
	v1 =	vmov s31  }
.LBB2_1:
0xe: {  	[tilespmem:s2], [sflag:$0x1] =	stream.linear.gather [hbm4b:s3+s2], $0x2800, $0x38;
	[tilespmem:$0xA800] =	vst v63  }
0xf: {  	_ = 	snop  }
0x10: {  	[tilespmem:s8], [sflag:$0x1] =	stream.linear.gather [hbm4b:s4+s2], $0x2800, $0x38;
	[tilespmem:$0xA800] =	vst v63  }
0x11: {  	s14 =	simm.s32 $0x7840  }
0x12: {  	[tilespmem:s9], [sflag:$0x1] =	stream.linear.gather [hbm4b:s5+s2], $0x2800, $0x38;
	[tilespmem:$0xA800] =	vst v63  }
0x13: {  	[tilespmem:s14+$0xFFFFFFC0] =	vst v2  }
0x14: {  	[tilespmem:s14+$0x30] =	vst v2  }
0x15: {  	[tilespmem:s14+$0x20] =	vst v2  }
0x16: {  	[tilespmem:s14+$0x10] =	vst v2  }
0x17: {  	[tilespmem:s14+$0x0] =	vst v2  }
0x18: {  	[tilespmem:s14+$0xFFFFFFF0] =	vst v2  }
0x19: {  	s15 =	simm.s32 $0x0;
	[tilespmem:s14+$0xFFFFFFE0] =	vst v2  }
.LBB2_2:
0x1a: {  	s15 =	sadd.s32 $0x8, s15;
	[tilespmem:s14+$0xFFFFFFD0] =	vst v2;
	s14 =	sadd.s32 $0x80, s14  }
0x1b: {  	[tilespmem:s14+$0xFFFFFFC0] =	vst v2;
	p0 =	slt.u32 s15, $0x2F8  }
0x1c: {  	[tilespmem:s14+$0x30] =	vst v2  }
.Ltmp0:
0x1d: {  	[tilespmem:s14+$0x20] =	vst v2;
	(pc) =	sbr.rel @p0 .LBB2_2-.Ltmp0, $4  }
0x1e: {  	[tilespmem:s14+$0x10] =	vst v2  }
0x1f: {  	[tilespmem:s14+$0x0] =	vst v2  }
0x20: {  	[tilespmem:s14+$0xFFFFFFF0] =	vst v2  }
0x21: {  	[tilespmem:s14+$0xFFFFFFE0] =	vst v2  }
0x22: {  	[tilespmem:s14+$0xFFFFFFD0] =	vst v2  }
0x23: {  	_ =	swait.ge [sflag:s10], $0x2800  }
0x24: {  	[sflag:s10] =	ssyncset.done $0x0  }
0x25: {  	[sflag:s10] =	ssyncadd.s32 $0xFFFFD800  }
0x26: {  	_ =	swait.ge [sflag:s10], $0x2800  }
0x27: {  	[sflag:s10] =	ssyncset.done $0x0  }
0x28: {  	[sflag:s10] =	ssyncadd.s32 $0xFFFFD800  }
0x29: {  	_ =	swait.ge [sflag:s10], $0x2800  }
0x2a: {  	[sflag:s10] =	ssyncset.done $0x0  }
0x2b: {  	s14 =	simm.s32 $0x5000;
	[sflag:s10] =	ssyncadd.s32 $0xFFFFD800  }
0x2c: {  	s15 =	simm.s32 $0x0;
	s16 =	simm.s32 $0x10;
	s17 =	simm.s32 $0x0;
	v4 =	vld [tilespmem:s14+$0x0]  }
.LBB2_4:
0x2d: {  	p0 =	sne.s32 s16, $0xF0;
	_ =	sdelay $0x1  }
.Ltmp1:
0x2e: {  	v5 =	vor.u32 s17, v3;
	s17 =	smov.u32 s16;
	(pc) =	sbr.rel @p0 .LBB2_4-.Ltmp1, $4  }
0x2f: {  	vm0 =	vlt.s32 v5, v0  }
0x30: {  	v4 =	vsel vm0, $0x0, v4  }
0x31: {  	[tilespmem:s14+$0x0] =	vst v4;
	s14 =	sadd.s32 $0x10, s14  }
0x32: {  	s16 =	sadd.s32 $0x10, s16;
	v4 =	vld [tilespmem:s14+$0x0]  }
0x33: {  	_ =	sdelay $0x1  }
0x34: {  	v5 =	vor.u32 s17, v3  }
0x35: {  	s16 =	simm.s32 $0x2700;
	vm0 =	vlt.s32 v5, v0  }
0x36: {  	s15 =	sand.u32 $0x70, s15;
	s31 =	sand.u32 $0x2780, s16;
	v4 =	vsel vm0, $0x0, v4  }
0x37: {  	[tilespmem:s14+$0x0] =	vst v4;
	s14 =	sor.u32 s15, s31  }
0x38: {  	v4 =	vld [tilespmem:s14+$0x5000];
	_ =	sdelay $0x2  }
0x39: {  	v5 =	vor.u32 s16, v3  }
0x3a: {  	s17 =	simm.s32 $0x20;
	s16 =	simm.s32 $0x10;
	vm0 =	vlt.s32 v5, v1;
	s15 =	simm.s32 $0x2710  }
.LBB2_6:
0x3b: {  	p0 =	sne.s32 s17, $0xF0;
	s18 =	sand.u32 $0x2780, s15;
	s16 =	sand.u32 $0x70, s16;
	v4 =	vnsel vm0, $0x0, v4  }
0x3c: {  	[tilespmem:s14+$0x5000] =	vst v4;
	s14 =	sor.u32 s16, s18;
	s16 =	smov.u32 s17  }
.Ltmp2:
0x3d: {  	v4 =	vld [tilespmem:s14+$0x5000];
	(pc) =	sbr.rel @p0 .LBB2_6-.Ltmp2, $3  }
0x3e: {  	_ =	sdelay $0x1  }
0x3f: {  	v5 =	vor.u32 s15, v3  }
0x40: {  	s17 =	sadd.s32 $0x10, s17;
	vm0 =	vlt.s32 v5, v1;
	s15 =	sadd.s32 $0x2700, s16  }
0x41: {  	s17 =	sand.u32 $0x2780, s15;
	s16 =	sand.u32 $0x70, s16;
	v4 =	vnsel vm0, $0x0, v4  }
0x42: {  	s16 =	sor.u32 s16, s17;
	[tilespmem:s14+$0x5000] =	vst v4  }
0x43: {  	v4 =	vld [tilespmem:s16+$0x5000];
	_ =	sdelay $0x2  }
0x44: {  	v5 =	vor.u32 s15, v3  }
0x45: {  	vm13 =	vlt.s32 v5, v1  }
0x46: {  	v4 =	vnsel vm13, $0x0, v4  }
0x47: {  	s31 =	simm.s32 $0x40;
	[tilespmem:s16+$0x5000] =	vst v4  }
0x48: {  	v4 =	vld [tilespmem:s31+$0x30]  }
0x49: {  	v5 =	vld [tilespmem:s31+$0xFFFFFFD0]  }
0x4a: {  	s14 =	simm.s32 $0x2840;
	v6 =	vld [tilespmem:s31+$0xFFFFFFE0]  }
0x4b: {  	v7 =	vld [tilespmem:s14+$0x30]  }
0x4c: {  	v8 =	vld [tilespmem:s31+$0xFFFFFFF0]  }
0x4d: {  	v9 =	vld [tilespmem:s31+$0x0]  }
0x4e: {  	v10 =	vld [tilespmem:s31+$0x10]  }
0x4f: {  	v11 =	vld [tilespmem:s31+$0x20]  }
0x50: {  	v12 =	vld [tilespmem:s31+$0xFFFFFFC0]  }
0x51: {  	v13 =	vld [tilespmem:s14+$0xFFFFFFC0]  }
0x52: {  	v58 =	vld [tilespmem:s14+$0xFFFFFFE0]  }
0x53: {  	v14 =	vld [tilespmem:s14+$0xFFFFFFF0]  }
0x54: {  	v15 =	vld [tilespmem:s14+$0x0]  }
0x55: {  	v16 =	vld [tilespmem:s14+$0x10]  }
0x56: {  	s15 =	simm.s32 $0x5040;
	v17 =	vld [tilespmem:s14+$0x20]  }
0x57: {  	v18 =	vld [tilespmem:s15+$0xFFFFFFC0]  }
0x58: {  	v59 =	vld [tilespmem:s15+$0xFFFFFFD0];
	vm14 =	vlt.s32 v4, $0x200  }
0x59: {  	v4 =	vld [tilespmem:s15+$0x30]  }
0x5a: {  	v60 =	vld [tilespmem:s15+$0xFFFFFFF0]  }
0x5b: {  	v61 =	vld [tilespmem:s15+$0x0];
	vm15 =	vlt.s32 v12, $0x200  }
0x5c: {  	v62 =	vld [tilespmem:s15+$0x10];
	vm2 =	vlt.s32 v6, $0x200  }
0x5d: {  	vm1 =	vlt.s32 v5, $0x200;
	v5 =	vld [tilespmem:s15+$0xFFFFFFE0];
	vm3 =	vlt.s32 v8, $0x200  }
0x5e: {  	vm4 =	vlt.s32 v9, $0x200;
	[tilespmem:v7+s11+$0x0] =	vst.idx.add.f32.msk vm14, v4  }
0x5f: {  	vm5 =	vlt.s32 v10, $0x200;
	v4 =	vld [tilespmem:s14+$0xFFFFFFD0]  }
0x60: {  	v63 =	vld [tilespmem:s15+$0x20];
	vm6 =	vlt.s32 v11, $0x200  }
0x61: {  	[tilespmem:v13+s11+$0x0] =	vst.idx.add.f32.msk vm15, v18  }
0x62: {  	[tilespmem:v58+s11+$0x0] =	vst.idx.add.f32.msk vm2, v5  }
0x63: {  	[tilespmem:v14+s11+$0x0] =	vst.idx.add.f32.msk vm3, v60  }
0x64: {  	[tilespmem:v15+s11+$0x0] =	vst.idx.add.f32.msk vm4, v61  }
0x65: {  	[tilespmem:v16+s11+$0x0] =	vst.idx.add.f32.msk vm5, v62  }
0x66: {  	[tilespmem:v17+s11+$0x0] =	vst.idx.add.f32.msk vm6, v63  }
0x67: {  	s17 =	simm.s32 $0xC0;
	s16 =	simm.s32 $0x0;
	[tilespmem:v4+s11+$0x0] =	vst.idx.add.f32.msk vm1, v59  }
.LBB2_8:
0x68: {  	v4 =	vld [tilespmem:s17+$0x30];
	s16 =	sadd.s32 $0x8, s16  }
0x69: {  	v5 =	vld [tilespmem:s17+$0xFFFFFFD0];
	p0 =	slt.u32 s16, $0x278  }
0x6a: {  	s14 =	sadd.s32 $0x80, s14;
	v6 =	vld [tilespmem:s17+$0xFFFFFFE0]  }
0x6b: {  	v7 =	vld [tilespmem:s14+$0x30]  }
0x6c: {  	v8 =	vld [tilespmem:s17+$0xFFFFFFF0]  }
0x6d: {  	s15 =	sadd.s32 $0x80, s15;
	v9 =	vld [tilespmem:s17+$0x0];
	vm4 =	vlt.s32 v4, $0x200  }
0x6e: {  	vm0 =	vlt.s32 v5, $0x200;
	v4 =	vld [tilespmem:s15+$0x30]  }
0x6f: {  	vm1 =	vlt.s32 v6, $0x200;
	v5 =	vld [tilespmem:s17+$0x10]  }
0x70: {  	v6 =	vld [tilespmem:s17+$0x20]  }
0x71: {  	v10 =	vld [tilespmem:s17+$0xFFFFFFC0];
	vm2 =	vlt.s32 v8, $0x200  }
0x72: {  	v8 =	vld [tilespmem:s14+$0xFFFFFFC0];
	vm3 =	vlt.s32 v9, $0x200  }
0x73: {  	[tilespmem:v7+s11+$0x0] =	vst.idx.add.f32.msk vm4, v4  }
0x74: {  	v4 =	vld [tilespmem:s14+$0xFFFFFFD0];
	vm4 =	vlt.s32 v5, $0x200  }
0x75: {  	v5 =	vld [tilespmem:s14+$0xFFFFFFE0];
	vm5 =	vlt.s32 v6, $0x200  }
0x76: {  	vm6 =	vlt.s32 v10, $0x200;
	v6 =	vld [tilespmem:s14+$0xFFFFFFF0]  }
0x77: {  	v7 =	vld [tilespmem:s14+$0x0]  }
0x78: {  	v9 =	vld [tilespmem:s14+$0x10]  }
0x79: {  	v10 =	vld [tilespmem:s14+$0x20]  }
0x7a: {  	v11 =	vld [tilespmem:s15+$0xFFFFFFC0]  }
0x7b: {  	v12 =	vld [tilespmem:s15+$0xFFFFFFD0]  }
0x7c: {  	v13 =	vld [tilespmem:s15+$0xFFFFFFE0]  }
0x7d: {  	v14 =	vld [tilespmem:s15+$0xFFFFFFF0]  }
0x7e: {  	v15 =	vld [tilespmem:s15+$0x0]  }
0x7f: {  	v16 =	vld [tilespmem:s15+$0x10]  }
0x80: {  	v17 =	vld [tilespmem:s15+$0x20]  }
0x81: {  	[tilespmem:v8+s11+$0x0] =	vst.idx.add.f32.msk vm6, v11  }
0x82: {  	[tilespmem:v4+s11+$0x0] =	vst.idx.add.f32.msk vm0, v12  }
.Ltmp3:
0x83: {  	[tilespmem:v5+s11+$0x0] =	vst.idx.add.f32.msk vm1, v13;
	(pc) =	sbr.rel @p0 .LBB2_8-.Ltmp3, $4  }
0x84: {  	[tilespmem:v6+s11+$0x0] =	vst.idx.add.f32.msk vm2, v14  }
0x85: {  	[tilespmem:v7+s11+$0x0] =	vst.idx.add.f32.msk vm3, v15  }
0x86: {  	[tilespmem:v9+s11+$0x0] =	vst.idx.add.f32.msk vm4, v16  }
0x87: {  	s17 =	sadd.s32 $0x80, s17;
	[tilespmem:v10+s11+$0x0] =	vst.idx.add.f32.msk vm5, v17  }
0x88: {  	s13 =	sadd.s32 $0x1, s13  }
0x89: {  	p0 =	sne.s32 s13, s7  }
.Ltmp4:
0x8a: {  	_ = 	snop;
	(pc) =	sbr.rel @p0 .LBB2_1-.Ltmp4, $4  }
0x8b: {  	[hbm4b:s6+s2] =	stream.linear.scatter [tilespmem:s11], [sflag:$0x2], $0x3000, $0x38;
	[tilespmem:$0xA800] =	vst v63  }
0x8c: {  	_ =	swait.ge [sflag:s12], $0x3000  }
0x8d: {  	[sflag:s12] =	ssyncset.done $0x0  }
0x8e: {  	[sflag:s12] =	ssyncadd.s32 $0xFFFFD000  }
0x8f: {  	_ =	sfence.sel $0x180000  }
0x90: {  	[bflag:$0x0] =	sbarrier.arrive $0xFFFF  }
0x91: {  	p0 =	sne.s32 s0, $0x0;
	_ =	strace $0x90000047  }
0x92: {  	s0 =	sadd.s32 @!p0 $0x100000, s1;
	[bflag:$0x2] =	sbarrier.arrive $0xFFFF  }
0x93: {  	[sflag:s0] =	ssyncadd.tile.s32 @!p0 $0x1;
	_ =	shalt  }
.Lfunc_end2:
_tile_overlayer_lowered:
.L_overlay_start_2:
0x94: {  	(tag) =	ssettag $0x2  }
0x95: {  	s0 =	rddreg [dreg:$0x0];
	s2 =	stileid.u32  }
0x96: {  	s1 =	rddreg [dreg:$0x1];
	p0 =	sne.s32 s2, $0x0  }
0x97: {  	s3 =	rddreg [dreg:$0x2];
	[bflag:$0x3] =	sbarrier.arrive $0xFFFF;
	s2 =	simm.s32 @!p0 $0x1C02  }
0x98: {  	[timem:s3], [sflag:s2] =	dma.local @!p0 [hbm:s0], s1  }
0x99: {  	s0 =	simm.s32 @!p0 $0x2  }
0x9a: {  	_ =	swait.ge @!p0 [sflag:s0], s1  }
0x9b: {  	s1 =	ssub.s32 @!p0 $0x0, s1;
	[sflag:s0] =	ssyncset.done @!p0 $0x0  }
0x9c: {  	[sflag:s0] =	ssyncadd.s32 @!p0 s1  }
0x9d: {  	[bflag:$0x3] =	sbarrier.arrive $0xFFFF  }
0x9e: {  	_ =	shalt  }

// kernel: kernel.8.cloned.1.call-start
scs
__scs_entry_jumppad:
0x0: {  	(pc) =	sbr.rel $0x88, $3  }
0x1: {  	(tag) =	ssettag $0x0;
	lr =	simm.s32 $0x1  }
0x2: {  	[smem:$0x3F97] =	sst lr;
	_ =	strace $0xD0000000  }
0x3: {  	_ = 	snop  }
0x4: {  	_ = 	snop  }
0x5: {  	_ = 	snop  }
0x6: {  	_ = 	snop  }
0x7: {  	_ = 	snop  }
__scs_overlays_trampoline_lowered:
0x8: {  	[smem:$0x3FA6] =	sst s0  }
0x9: {  	[smem:$0x3FA7] =	sst s1  }
0xa: {  	[smem:$0x3FA8] =	sst s2  }
0xb: {  	[smem:$0x3FA9] =	sst s3  }
0xc: {  	[smem:$0x3FAA] =	sst s4  }
0xd: {  	[smem:$0x3FAB] =	sst s5  }
0xe: {  	[smem:$0x3FAC] =	sst s6  }
0xf: {  	[smem:$0x3FAD] =	sst s7  }
0x10: {  	[smem:$0x3FAE] =	sst s8  }
0x11: {  	[smem:$0x3FAF] =	sst s9;
	s0 =	simm.s32 @!p0 $0x0  }
0x12: {  	s1 =	sld [smem:$0x3F95];
	s0 =	simm.s32 @p0 $0x1  }
0x13: {  	[smem:$0x3FB0] =	sst s0;
	s0 =	simm.s32 @!p1 $0x0  }
0x14: {  	s2 =	sld [smem:$0x3F94];
	s0 =	simm.s32 @p1 $0x1  }
0x15: {  	[smem:$0x3FB1] =	sst s0;
	s0 =	simm.s32 @!p2 $0x0  }
0x16: {  	s3 =	sld [smem:$0x3FDB];
	s0 =	simm.s32 @p2 $0x1  }
0x17: {  	s4 =	simm.s32 $0x1BF5;
	[smem:$0x3FB3] =	sst s0  }
0x18: {  	s0 =	sld [smem:$0x3F96];
	_ =	swait.ge [sflag:s4], $0x0  }
0x19: {  	s7 =	sld [smem:$0x3F97]  }
0x1a: {  	s8 =	sadd.s32 $0xFFFFE003, lr  }
0x1b: {  	s9 =	sadd.s32 $0xFFFFFEF7, lr;
	s5 =	simm.s32 $0xFFFFFFFF;
	p2 =	slt.u32 s8, $0xFFFFF086  }
0x1c: {  	p1 =	slt.u32 s9, $0xF7A;
	s5 =	simm.s32 @!p2 $0x0  }
0x1d: {  	s5 =	simm.s32 @p1 $0x1;
	p0 =	seq.s32 s7, s2  }
0x1e: {  	s7 =	smul.u32 @!p0 $0xF7A, s2;
	p2 =	seq.s32 @!p0 s5, $0x0  }
0x1f: {  	s9 =	smul.u32 $0xF7A, s1;
	s8 =	simm.s32 @!p0 $0x1BF5;
	p2 =	por !p2, p0  }
0x20: {  	[sflag:s8] =	ssyncset.s32 @!p0 $0xFFFFF086;
	s6 =	sadd.s32 @!p0 s3, s7;
	s7 =	simm.s32 @!p0 $0x108  }
0x21: {  	s3 =	sadd.s32 s3, s9;
	s6 =	sadd.s32 @!p0 $0x88, s6;
	s7 =	simm.s32 @p2 $0x1082  }
0x22: {  	[simem:s7], [sflag:s8] =	dma.local @!p0 [hbm:s6], $0xF7A  }
0x23: {  	s9 =	sor.u32 $0xD0000000, s2;
	s6 =	simm.s32 $0x108;
	_ =	swait.ge @!p0 [sflag:s8], $0x0  }
0x24: {  	s3 =	sadd.s32 $0x88, s3;
	s6 =	simm.s32 @!p1 $0x1082;
	[sflag:s4] =	ssyncset.s32 $0xFFFFF086  }
0x25: {  	[simem:s6], [sflag:s4] =	dma.local [hbm:s3], $0xF7A  }
0x26: {  	[smem:$0x3F97] =	sst s1;
	(tag) =	ssettag s2;
	_ =	strace s9  }
0x27: {  	s1 =	sld [smem:$0x3FA7]  }
0x28: {  	s2 =	sld [smem:$0x3FA8]  }
0x29: {  	s4 =	sld [smem:$0x3FAA]  }
0x2a: {  	p0 =	seq.s32 s5, $0x0;
	s5 =	sld [smem:$0x3FAB]  }
0x2b: {  	s6 =	sld [smem:$0x3FAC]  }
0x2c: {  	s7 =	sld [smem:$0x3FAD]  }
0x2d: {  	s3 =	simm.s32 $0x108;
	s8 =	sld [smem:$0x3FAE]  }
0x2e: {  	s3 =	simm.s32 @!p0 $0x1082;
	s9 =	sld [smem:$0x3FAF]  }
0x2f: {  	lr =	sadd.s32 s0, s3;
	s0 =	sld [smem:$0x3FA6]  }
0x30: {  	s3 =	sld [smem:$0x3FA9]  }
0x31: {  	[smem:$0x3FB2] =	sst s10  }
0x32: {  	s10 =	sld [smem:$0x3FB0];
	_ =	sdelay $0x3  }
0x33: {  	p0 =	seq.s32 s10, $0x1;
	s10 =	sld [smem:$0x3FB2];
	_ =	sdelay $0x3  }
0x34: {  	[smem:$0x3FB2] =	sst s10  }
0x35: {  	s10 =	sld [smem:$0x3FB1];
	_ =	sdelay $0x3  }
0x36: {  	p1 =	seq.s32 s10, $0x1;
	s10 =	sld [smem:$0x3FB2];
	_ =	sdelay $0x3  }
0x37: {  	[smem:$0x3FB2] =	sst s10  }
0x38: {  	s10 =	sld [smem:$0x3FB3]  }
0x39: {  	_ = 	snop;
	(pc) =	sbr.ind lr, $3  }
0x3a: {  	_ = 	snop  }
0x3b: {  	_ = 	snop  }
0x3c: {  	p2 =	seq.s32 s10, $0x1;
	s10 =	sld [smem:$0x3FB2]  }
0x3d: {  	_ =	shalt  }
0x3e: {  	_ =	shalt  }
0x3f: {  	_ =	shalt  }
0x40: {  	_ =	shalt  }
0x41: {  	_ =	shalt  }
0x42: {  	_ =	shalt  }
0x43: {  	_ =	shalt  }
0x44: {  	_ =	shalt  }
0x45: {  	_ =	shalt  }
0x46: {  	_ =	shalt  }
0x47: {  	_ =	shalt  }
0x48: {  	_ =	shalt  }
0x49: {  	_ =	shalt  }
0x4a: {  	_ =	shalt  }
0x4b: {  	_ =	shalt  }
0x4c: {  	_ =	shalt  }
0x4d: {  	_ =	shalt  }
0x4e: {  	_ =	shalt  }
0x4f: {  	_ =	shalt  }
0x50: {  	_ =	shalt  }
0x51: {  	_ =	shalt  }
0x52: {  	_ =	shalt  }
0x53: {  	_ =	shalt  }
0x54: {  	_ =	shalt  }
0x55: {  	_ =	shalt  }
0x56: {  	_ =	shalt  }
0x57: {  	_ =	shalt  }
0x58: {  	_ =	shalt  }
0x59: {  	_ =	shalt  }
0x5a: {  	_ =	shalt  }
0x5b: {  	_ =	shalt  }
0x5c: {  	_ =	shalt  }
0x5d: {  	_ =	shalt  }
0x5e: {  	_ =	shalt  }
0x5f: {  	_ =	shalt  }
0x60: {  	_ =	shalt  }
0x61: {  	_ =	shalt  }
0x62: {  	_ =	shalt  }
0x63: {  	_ =	shalt  }
0x64: {  	_ =	shalt  }
0x65: {  	_ =	shalt  }
0x66: {  	_ =	shalt  }
0x67: {  	_ =	shalt  }
0x68: {  	_ =	shalt  }
0x69: {  	_ =	shalt  }
0x6a: {  	_ =	shalt  }
0x6b: {  	_ =	shalt  }
0x6c: {  	_ =	shalt  }
0x6d: {  	_ =	shalt  }
0x6e: {  	_ =	shalt  }
0x6f: {  	_ =	shalt  }
0x70: {  	_ =	shalt  }
0x71: {  	_ =	shalt  }
0x72: {  	_ =	shalt  }
0x73: {  	_ =	shalt  }
0x74: {  	_ =	shalt  }
0x75: {  	_ =	shalt  }
0x76: {  	_ =	shalt  }
0x77: {  	_ =	shalt  }
0x78: {  	_ =	shalt  }
0x79: {  	_ =	shalt  }
0x7a: {  	_ =	shalt  }
0x7b: {  	_ =	shalt  }
0x7c: {  	_ =	shalt  }
0x7d: {  	_ =	shalt  }
0x7e: {  	_ =	shalt  }
0x7f: {  	_ =	shalt  }
0x80: {  	_ =	shalt  }
0x81: {  	_ =	shalt  }
0x82: {  	_ =	shalt  }
0x83: {  	_ =	shalt  }
0x84: {  	_ =	shalt  }
0x85: {  	_ =	shalt  }
0x86: {  	_ =	shalt  }
0x87: {  	_ =	shalt  }
.Lfunc_end0:
.L_simem_size_0:
called_computation.1_lowered:
.L_overlay_start_0:
0x88: {  	s2 =	sld [smem:$0x3FD9]  }
0x89: {  	s3 =	sld [smem:$0x3FFE];
	_ =	sdelay $0x1  }
0x8a: {  	s1 =	srdreg.scid  }
0x8b: {  	s0 =	sand.u32 $0x1, s1  }
0x8c: {  	s17 =	sshll.u32 s0, $0xA;
	s2 =	sadd.s32 s3, s2  }
0x8d: {  	s2 =	sadd.s32 s2, s17  }
0x8e: {  	[smem:$0x3FBE] =	sst s2  }
0x8f: {  	_ = 	snop  }
0x90: {  	s2 =	sld [smem:$0x3FC5];
	(tm) =	ssettm $0x1  }
0x91: {  	s18 =	sld [smem:$0x3FFB];
	_ =	sdelay $0x3  }
0x92: {  	_ =	strace s18  }
0x93: {  	s3 =	sld [smem:$0x3FFC];
	_ =	sdelay $0x3  }
0x94: {  	_ =	strace s3  }
0x95: {  	s3 =	sld [smem:$0x3FFD];
	_ =	sdelay $0x3  }
0x96: {  	_ =	strace s3  }
0x97: {  	_ =	strace $0x8FFFFFFF  }
0x98: {  	s19 =	sld [smem:$0x3FDB];
	_ =	sdelay $0x1  }
0x99: {  	s4 =	simm.s32 $_scs_section_size  }
0x9a: {  	s5 =	simm.s32 $_size__tile_overlayer_lowered;
	s6 =	simm.s32 $_tile_overlayer_lowered  }
0x9b: {  	s22 =	simm.s32 $0x1BFF;
	s21 =	sshll.u32 s6, $0x1;
	s3 =	sadd.s32 s4, s19  }
0x9c: {  	s7 =	simm.s32 $0x0;
	s20 =	sshll.u32 s5, $0x1;
	s5 =	sadd.s32 s21, s3  }
0x9d: {  	[timem:s7], [sflag:s22] =	dma.local [hbm:s5], s20  }
0x9e: {  	_ =	swait.ge [sflag:s22], s20  }
0x9f: {  	s4 =	ssub.s32 $0x0, s20;
	[sflag:s22] =	ssyncset.done $0x0  }
0xa0: {  	[sflag:s22] =	ssyncadd.s32 s4;
	_ =	sdelay $0x1  }
0xa1: {  	s23 =	simm.s32 $0x1B8B  }
0xa2: {  	_ =	swait.ge [sflag:s23], $0x1  }
0xa3: {  	[sflag:s23] =	ssyncset.done $0x0  }
0xa4: {  	s25 =	simm.s32 $0x1B8E;
	s24 =	sld [smem:$0x3FFE];
	[sflag:s23] =	ssyncadd.s32 $0xFFFFFFFF  }
0xa5: {  	s26 =	simm.s32 $execute0_lowered;
	[smem:$0x3FD2] =	sst s25  }
0xa6: {  	s5 =	sshll.u32 s26, $0x1;
	_ =	strace $0x80000049;
	[dreg:$0x1] =	wrdreg $0xFFFFFFFF  }
0xa7: {  	s28 =	simm.s32 $_size_execute0_lowered;
	s3 =	sadd.s32 s3, s5;
	[dreg:$0x0] =	wrdreg $0x0  }
0xa8: {  	s5 =	sshll.u32 s28, $0x1;
	[dreg:$0x2] =	wrdreg s3  }
0xa9: {  	[dreg:$0x3] =	wrdreg s5  }
0xaa: {  	[dreg:$0x4] =	wrdreg $0xC0  }
0xab: {  	_ =	task [dreg:s7], $0x5FFFF  }
0xac: {  	[dreg:$0x1] =	wrdreg $0xFFFFFFFF  }
0xad: {  	[dreg:$0x0] =	wrdreg $0x60  }
0xae: {  	[dreg:$0x2] =	wrdreg s24  }
0xaf: {  	[dreg:$0x3] =	wrdreg s2  }
0xb0: {  	[dreg:$0x4] =	wrdreg $0x9  }
0xb1: {  	_ =	task.clear_ibuf [dreg:s7], $0x5FFFF;
	_ =	strace $0x90000049  }
0xb2: {  	s29 =	simm.s32 $0x9;
	_ =	strace $0x8000004B  }
0xb3: {  	_ =	swait.ge [sflag:s29], $0x1  }
0xb4: {  	[sflag:s29] =	ssyncadd.s32 $0xFFFFFFFF  }
0xb5: {  	_ =	strace $0x9000004B  }
0xb6: {  	_ =	sfence  }
0xb7: {  	s30 =	sld [smem:$0x0];
	_ =	sdelay $0x2  }
0xb8: {  	s31 =	sshll.u32 s1, $0xD;
	s1 =	sshrl.u32 s1, $0x2  }
0xb9: {  	s3 =	sand.u32 $0x4000, s31;
	s1 =	sadd.s32 s1, s30  }
0xba: {  	s0 =	sor.u32 s3, s0;
	s1 =	sshll.u32 s1, $0x11  }
0xbb: {  	s0 =	sor.u32 s1, s0  }
0xbc: {  	s0 =	sadd.s32 $0x8F2B, s0  }
0xbd: {  	[sflag:s0] =	ssyncadd.remote.s32 $0x1  }
0xbe: {  	_ =	sfence.sel $0xFFFF  }
0xbf: {  	[dreg:$0x0] =	wrdreg $0xFFFFFFFF;
	(pc) =	sbr.abs _section_cstart, $3  }
0xc0: {  	[dreg:$0x1] =	wrdreg $0xFFFFFFFF  }
0xc1: {  	_ =	task.clear_ibuf [dreg:s7], $0x2FFFF;
	_ =	strace $0x9FFFFFFF  }
0xc2: {  	(tm) =	ssettm $0x7FFFFFFF  }
0xc3: {  	_ =	shalt  }
tec
execute0_lowered:
.L_overlay_start_1:
0x0: {  	(tag) =	ssettag $0x1  }
0x1: {  	s1 =	srdreg.scid;
	s3 =	stileid.u32  }
0x2: {  	s1 =	sand.u32 $0x1, s1;
	s4 =	sshll.u32 s3, $0x1  }
0x3: {  	s4 =	sor.u32 s1, s4  }
0x4: {  	s5 =	smul.u32 $0x180, s4  }
0x5: {  	s0 =	rddreg [dreg:$0x0]  }
0x6: {  	s2 =	rddreg [dreg:$0x1];
	s3 =	simm.s32 $0x0;
	s5 =	sshrl.u32 s5, $0x3  }
0x7: {  	[smem:$0x7FF] =	sst s3;
	s1 =	ssub.s32 $0x2, s1;
	s7 =	sadd.s32 s5, s0  }
0x8: {  	_ =	strace $0x8000004A;
	s6 =	sshrl.u32 s1, $0x1;
	s5 =	sadd.s32 $0xD400, s7  }
0x9: {  	s9 =	ssub.s32 s1, s6;
	s6 =	sadd.s32 $0x1400, s7;
	[dreg:$0x3] =	wrdreg s5  }
0xa: {  	s10 =	sadd.s32 $0x1A00, s7;
	[dreg:$0x4] =	wrdreg s6  }
0xb: {  	s11 =	sadd.s32 $0x2000, s7;
	[dreg:$0x5] =	wrdreg s10  }
0xc: {  	s12 =	sadd.s32 $0x2600, s7;
	[dreg:$0x6] =	wrdreg s11  }
0xd: {  	s13 =	sadd.s32 $0x2C00, s7;
	[dreg:$0x7] =	wrdreg s12  }
0xe: {  	s14 =	sadd.s32 $0x3200, s7;
	[dreg:$0x8] =	wrdreg s13  }
0xf: {  	s15 =	sadd.s32 $0x3800, s7;
	[dreg:$0x9] =	wrdreg s14  }
0x10: {  	s16 =	sadd.s32 $0x3E00, s7;
	[dreg:$0xa] =	wrdreg s15  }
0x11: {  	s17 =	sadd.s32 $0x4400, s7;
	[dreg:$0xb] =	wrdreg s16  }
0x12: {  	s4 =	sshll.u32 s4, $0x4;
	s18 =	sadd.s32 $0x4A00, s7;
	[dreg:$0xc] =	wrdreg s17  }
0x13: {  	s8 =	sadd.s32 s4, s0;
	s19 =	sadd.s32 $0x5000, s7;
	[dreg:$0xd] =	wrdreg s18  }
0x14: {  	s8 =	sadd.s32 $0xDA00, s8;
	s20 =	sadd.s32 $0x5600, s7;
	[dreg:$0xe] =	wrdreg s19  }
0x15: {  	s9 =	smax.u32 s9, $0x1;
	s21 =	sadd.s32 $0x5C00, s7;
	[dreg:$0xf] =	wrdreg s20  }
0x16: {  	s22 =	sadd.s32 $0x6200, s7;
	s23 =	sadd.s32 $0x6800, s7;
	[dreg:$0x10] =	wrdreg s21  }
0x17: {  	s24 =	sadd.s32 $0x6E00, s7;
	s25 =	sadd.s32 $0x7400, s7;
	[dreg:$0x11] =	wrdreg s22  }
0x18: {  	s26 =	sadd.s32 $0x7A00, s7;
	s28 =	sadd.s32 $0x9800, s7;
	[dreg:$0x12] =	wrdreg s23  }
0x19: {  	s29 =	sadd.s32 $0x9E00, s7;
	s30 =	sadd.s32 $0xA400, s7;
	[dreg:$0x13] =	wrdreg s24  }
0x1a: {  	s31 =	sadd.s32 $0xAA00, s7;
	s1 =	sadd.s32 $0xB000, s7;
	[dreg:$0x14] =	wrdreg s25  }
0x1b: {  	s0 =	sadd.s32 $0xB600, s7;
	s4 =	sadd.s32 $0xBC00, s7;
	[dreg:$0x15] =	wrdreg s26  }
0x1c: {  	s23 =	sadd.s32 $0x8000, s7;
	s24 =	sadd.s32 $0x8600, s7;
	s25 =	sadd.s32 $0x8C00, s7  }
0x1d: {  	s26 =	sadd.s32 $0x9200, s7;
	s5 =	sadd.s32 $0xC200, s7;
	s6 =	sadd.s32 $0xC800, s7  }
0x1e: {  	s7 =	sadd.s32 $0xCE00, s7;
	s11 =	simm.s32 $0x5;
	s12 =	simm.s32 $0x80  }
0x1f: {  	s13 =	simm.s32 $0x4;
	s14 =	simm.s32 $0x1;
	s15 =	simm.s32 $0x2  }
0x20: {  	s16 =	simm.s32 $0x3;
	s17 =	simm.s32 $0x3000;
	s18 =	simm.s32 $0x0  }
.LBB2_1:
0x21: {  	s10 =	rddreg [dreg:$0x3];
	s19 =	simm.s32 $0x3180  }
0x22: {  	[tilespmem:s19], [sflag:$0x5] =	stream.linear.gather [hbm4b:s10+s3], $0x180, $0x38;
	[tilespmem:$0xF380] =	vst v63  }
0x23: {  	_ =	swait.ge [sflag:s11], $0x180  }
0x24: {  	[sflag:s11] =	ssyncset.done $0x0  }
0x25: {  	s22 =	simm.s32 $0x3300;
	[sflag:s11] =	ssyncadd.s32 $0xFFFFFE80  }
0x26: {  	[tilespmem:s22], [sflag:$0x1] =	stream.indirect.gather [hbm4b:s2+s12], $0x80, s19, s12, $0xb8;
	[tilespmem:$0xF380] =	vst v63  }
0x27: {  	s20 =	simm.s32 $0x7300;
	s19 =	simm.s32 $0x3200  }
0x28: {  	[tilespmem:s20], [sflag:$0x2] =	stream.indirect.gather [hbm4b:s2+s12], $0x80, s19, s12, $0xb8;
	[tilespmem:$0xF380] =	vst v63  }
0x29: {  	s21 =	simm.s32 $0x3280;
	s22 =	simm.s32 $0xB300  }
0x2a: {  	[tilespmem:s22], [sflag:$0x3] =	stream.indirect.gather [hbm4b:s2+s12], $0x80, s21, s12, $0xb8;
	[tilespmem:$0xF380] =	vst v63  }
0x2b: {  	s20 =	rddreg [dreg:$0x4]  }
0x2c: {  	[tilespmem:s3], [sflag:$0x4] =	stream.linear.gather [hbm4b:s20+s3], $0x180, $0x38;
	[tilespmem:$0xF380] =	vst v63  }
0x2d: {  	s21 =	rddreg [dreg:$0x5];
	s22 =	simm.s32 $0x180  }
0x2e: {  	[tilespmem:s22], [sflag:$0x4] =	stream.linear.gather [hbm4b:s21+s3], $0x180, $0x38;
	[tilespmem:$0xF380] =	vst v63  }
0x2f: {  	s19 =	rddreg [dreg:$0x6];
	s20 =	simm.s32 $0x300  }
0x30: {  	[tilespmem:s20], [sflag:$0x4] =	stream.linear.gather [hbm4b:s19+s3], $0x180, $0x38;
	[tilespmem:$0xF380] =	vst v63  }
0x31: {  	s21 =	rddreg [dreg:$0x7];
	s22 =	simm.s32 $0x480  }
0x32: {  	[tilespmem:s22], [sflag:$0x4] =	stream.linear.gather [hbm4b:s21+s3], $0x180, $0x38;
	[tilespmem:$0xF380] =	vst v63  }
0x33: {  	s19 =	rddreg [dreg:$0x8];
	s20 =	simm.s32 $0x600  }
0x34: {  	[tilespmem:s20], [sflag:$0x4] =	stream.linear.gather [hbm4b:s19+s3], $0x180, $0x38;
	[tilespmem:$0xF380] =	vst v63  }
0x35: {  	s21 =	rddreg [dreg:$0x9];
	s22 =	simm.s32 $0x780  }
0x36: {  	[tilespmem:s22], [sflag:$0x4] =	stream.linear.gather [hbm4b:s21+s3], $0x180, $0x38;
	[tilespmem:$0xF380] =	vst v63  }
0x37: {  	s19 =	rddreg [dreg:$0xa];
	s20 =	simm.s32 $0x900  }
0x38: {  	[tilespmem:s20], [sflag:$0x4] =	stream.linear.gather [hbm4b:s19+s3], $0x180, $0x38;
	[tilespmem:$0xF380] =	vst v63  }
0x39: {  	s21 =	rddreg [dreg:$0xb];
	s22 =	simm.s32 $0xA80  }
0x3a: {  	[tilespmem:s22], [sflag:$0x4] =	stream.linear.gather [hbm4b:s21+s3], $0x180, $0x38;
	[tilespmem:$0xF380] =	vst v63  }
0x3b: {  	s19 =	rddreg [dreg:$0xc];
	s20 =	simm.s32 $0xC00  }
0x3c: {  	[tilespmem:s20], [sflag:$0x4] =	stream.linear.gather [hbm4b:s19+s3], $0x180, $0x38;
	[tilespmem:$0xF380] =	vst v63  }
0x3d: {  	s21 =	rddreg [dreg:$0xd];
	s22 =	simm.s32 $0xD80  }
0x3e: {  	[tilespmem:s22], [sflag:$0x4] =	stream.linear.gather [hbm4b:s21+s3], $0x180, $0x38;
	[tilespmem:$0xF380] =	vst v63  }
0x3f: {  	s19 =	rddreg [dreg:$0xe];
	s20 =	simm.s32 $0xF00  }
0x40: {  	[tilespmem:s20], [sflag:$0x4] =	stream.linear.gather [hbm4b:s19+s3], $0x180, $0x38;
	[tilespmem:$0xF380] =	vst v63  }
0x41: {  	s21 =	rddreg [dreg:$0xf];
	s22 =	simm.s32 $0x1080  }
0x42: {  	[tilespmem:s22], [sflag:$0x4] =	stream.linear.gather [hbm4b:s21+s3], $0x180, $0x38;
	[tilespmem:$0xF380] =	vst v63  }
0x43: {  	s19 =	rddreg [dreg:$0x10];
	s20 =	simm.s32 $0x1200  }
0x44: {  	[tilespmem:s20], [sflag:$0x4] =	stream.linear.gather [hbm4b:s19+s3], $0x180, $0x38;
	[tilespmem:$0xF380] =	vst v63  }
0x45: {  	s21 =	rddreg [dreg:$0x11];
	s22 =	simm.s32 $0x1380  }
0x46: {  	[tilespmem:s22], [sflag:$0x4] =	stream.linear.gather [hbm4b:s21+s3], $0x180, $0x38;
	[tilespmem:$0xF380] =	vst v63  }
0x47: {  	s19 =	rddreg [dreg:$0x12];
	s20 =	simm.s32 $0x1500  }
0x48: {  	[tilespmem:s20], [sflag:$0x4] =	stream.linear.gather [hbm4b:s19+s3], $0x180, $0x38;
	[tilespmem:$0xF380] =	vst v63  }
0x49: {  	s21 =	rddreg [dreg:$0x13];
	s22 =	simm.s32 $0x1680  }
0x4a: {  	[tilespmem:s22], [sflag:$0x4] =	stream.linear.gather [hbm4b:s21+s3], $0x180, $0x38;
	[tilespmem:$0xF380] =	vst v63  }
0x4b: {  	s19 =	rddreg [dreg:$0x14];
	s20 =	simm.s32 $0x1800  }
0x4c: {  	[tilespmem:s20], [sflag:$0x4] =	stream.linear.gather [hbm4b:s19+s3], $0x180, $0x38;
	[tilespmem:$0xF380] =	vst v63  }
0x4d: {  	s21 =	rddreg [dreg:$0x15];
	s22 =	simm.s32 $0x1980  }
0x4e: {  	[tilespmem:s22], [sflag:$0x4] =	stream.linear.gather [hbm4b:s21+s3], $0x180, $0x38;
	[tilespmem:$0xF380] =	vst v63  }
0x4f: {  	s19 =	simm.s32 $0x1B00  }
0x50: {  	[tilespmem:s19], [sflag:$0x4] =	stream.linear.gather [hbm4b:s23+s3], $0x180, $0x38;
	[tilespmem:$0xF380] =	vst v63  }
0x51: {  	s20 =	simm.s32 $0x1C80  }
0x52: {  	[tilespmem:s20], [sflag:$0x4] =	stream.linear.gather [hbm4b:s24+s3], $0x180, $0x38;
	[tilespmem:$0xF380] =	vst v63  }
0x53: {  	s21 =	simm.s32 $0x1E00  }
0x54: {  	[tilespmem:s21], [sflag:$0x4] =	stream.linear.gather [hbm4b:s25+s3], $0x180, $0x38;
	[tilespmem:$0xF380] =	vst v63  }
0x55: {  	s22 =	simm.s32 $0x1F80  }
0x56: {  	[tilespmem:s22], [sflag:$0x4] =	stream.linear.gather [hbm4b:s26+s3], $0x180, $0x38;
	[tilespmem:$0xF380] =	vst v63  }
0x57: {  	s19 =	simm.s32 $0x2100  }
0x58: {  	[tilespmem:s19], [sflag:$0x4] =	stream.linear.gather [hbm4b:s28+s3], $0x180, $0x38;
	[tilespmem:$0xF380] =	vst v63  }
0x59: {  	s20 =	simm.s32 $0x2280  }
0x5a: {  	[tilespmem:s20], [sflag:$0x4] =	stream.linear.gather [hbm4b:s29+s3], $0x180, $0x38;
	[tilespmem:$0xF380] =	vst v63  }
0x5b: {  	s21 =	simm.s32 $0x2400  }
0x5c: {  	[tilespmem:s21], [sflag:$0x4] =	stream.linear.gather [hbm4b:s30+s3], $0x180, $0x38;
	[tilespmem:$0xF380] =	vst v63  }
0x5d: {  	s22 =	simm.s32 $0x2580  }
0x5e: {  	[tilespmem:s22], [sflag:$0x4] =	stream.linear.gather [hbm4b:s31+s3], $0x180, $0x38;
	[tilespmem:$0xF380] =	vst v63  }
0x5f: {  	s19 =	simm.s32 $0x2700  }
0x60: {  	[tilespmem:s19], [sflag:$0x4] =	stream.linear.gather [hbm4b:s1+s3], $0x180, $0x38;
	[tilespmem:$0xF380] =	vst v63  }
0x61: {  	s20 =	simm.s32 $0x2880  }
0x62: {  	[tilespmem:s20], [sflag:$0x4] =	stream.linear.gather [hbm4b:s0+s3], $0x180, $0x38;
	[tilespmem:$0xF380] =	vst v63  }
0x63: {  	s21 =	simm.s32 $0x2A00  }
0x64: {  	[tilespmem:s21], [sflag:$0x4] =	stream.linear.gather [hbm4b:s4+s3], $0x180, $0x38;
	[tilespmem:$0xF380] =	vst v63  }
0x65: {  	s22 =	simm.s32 $0x2B80  }
0x66: {  	[tilespmem:s22], [sflag:$0x4] =	stream.linear.gather [hbm4b:s5+s3], $0x180, $0x38;
	[tilespmem:$0xF380] =	vst v63  }
0x67: {  	s19 =	simm.s32 $0x2D00  }
0x68: {  	[tilespmem:s19], [sflag:$0x4] =	stream.linear.gather [hbm4b:s6+s3], $0x180, $0x38;
	[tilespmem:$0xF380] =	vst v63  }
0x69: {  	s20 =	simm.s32 $0x2E80  }
0x6a: {  	[tilespmem:s20], [sflag:$0x4] =	stream.linear.gather [hbm4b:s7+s3], $0x180, $0x38;
	[tilespmem:$0xF380] =	vst v63  }
0x6b: {  	_ =	swait.ge [sflag:s13], $0x180  }
0x6c: {  	[sflag:s13] =	ssyncset.done $0x0  }
0x6d: {  	[sflag:s13] =	ssyncadd.s32 $0xFFFFFE80  }
0x6e: {  	_ =	swait.ge [sflag:s13], $0x180  }
0x6f: {  	[sflag:s13] =	ssyncset.done $0x0  }
0x70: {  	[sflag:s13] =	ssyncadd.s32 $0xFFFFFE80  }
0x71: {  	_ =	swait.ge [sflag:s13], $0x180  }
0x72: {  	[sflag:s13] =	ssyncset.done $0x0  }
0x73: {  	[sflag:s13] =	ssyncadd.s32 $0xFFFFFE80  }
0x74: {  	_ =	swait.ge [sflag:s13], $0x180  }
0x75: {  	[sflag:s13] =	ssyncset.done $0x0  }
0x76: {  	[sflag:s13] =	ssyncadd.s32 $0xFFFFFE80  }
0x77: {  	_ =	swait.ge [sflag:s13], $0x180  }
0x78: {  	[sflag:s13] =	ssyncset.done $0x0  }
0x79: {  	[sflag:s13] =	ssyncadd.s32 $0xFFFFFE80  }
0x7a: {  	_ =	swait.ge [sflag:s13], $0x180  }
0x7b: {  	[sflag:s13] =	ssyncset.done $0x0  }
0x7c: {  	[sflag:s13] =	ssyncadd.s32 $0xFFFFFE80  }
0x7d: {  	_ =	swait.ge [sflag:s13], $0x180  }
0x7e: {  	[sflag:s13] =	ssyncset.done $0x0  }
0x7f: {  	[sflag:s13] =	ssyncadd.s32 $0xFFFFFE80  }
0x80: {  	_ =	swait.ge [sflag:s13], $0x180  }
0x81: {  	[sflag:s13] =	ssyncset.done $0x0  }
0x82: {  	[sflag:s13] =	ssyncadd.s32 $0xFFFFFE80  }
0x83: {  	_ =	swait.ge [sflag:s13], $0x180  }
0x84: {  	[sflag:s13] =	ssyncset.done $0x0  }
0x85: {  	[sflag:s13] =	ssyncadd.s32 $0xFFFFFE80  }
0x86: {  	_ =	swait.ge [sflag:s13], $0x180  }
0x87: {  	[sflag:s13] =	ssyncset.done $0x0  }
0x88: {  	[sflag:s13] =	ssyncadd.s32 $0xFFFFFE80  }
0x89: {  	_ =	swait.ge [sflag:s13], $0x180  }
0x8a: {  	[sflag:s13] =	ssyncset.done $0x0  }
0x8b: {  	[sflag:s13] =	ssyncadd.s32 $0xFFFFFE80  }
0x8c: {  	_ =	swait.ge [sflag:s13], $0x180  }
0x8d: {  	[sflag:s13] =	ssyncset.done $0x0  }
0x8e: {  	[sflag:s13] =	ssyncadd.s32 $0xFFFFFE80  }
0x8f: {  	_ =	swait.ge [sflag:s13], $0x180  }
0x90: {  	[sflag:s13] =	ssyncset.done $0x0  }
0x91: {  	[sflag:s13] =	ssyncadd.s32 $0xFFFFFE80  }
0x92: {  	_ =	swait.ge [sflag:s13], $0x180  }
0x93: {  	[sflag:s13] =	ssyncset.done $0x0  }
0x94: {  	[sflag:s13] =	ssyncadd.s32 $0xFFFFFE80  }
0x95: {  	_ =	swait.ge [sflag:s13], $0x180  }
0x96: {  	[sflag:s13] =	ssyncset.done $0x0  }
0x97: {  	[sflag:s13] =	ssyncadd.s32 $0xFFFFFE80  }
0x98: {  	_ =	swait.ge [sflag:s13], $0x180  }
0x99: {  	[sflag:s13] =	ssyncset.done $0x0  }
0x9a: {  	[sflag:s13] =	ssyncadd.s32 $0xFFFFFE80  }
0x9b: {  	_ =	swait.ge [sflag:s13], $0x180  }
0x9c: {  	[sflag:s13] =	ssyncset.done $0x0  }
0x9d: {  	[sflag:s13] =	ssyncadd.s32 $0xFFFFFE80  }
0x9e: {  	_ =	swait.ge [sflag:s13], $0x180  }
0x9f: {  	[sflag:s13] =	ssyncset.done $0x0  }
0xa0: {  	[sflag:s13] =	ssyncadd.s32 $0xFFFFFE80  }
0xa1: {  	_ =	swait.ge [sflag:s13], $0x180  }
0xa2: {  	[sflag:s13] =	ssyncset.done $0x0  }
0xa3: {  	[sflag:s13] =	ssyncadd.s32 $0xFFFFFE80  }
0xa4: {  	_ =	swait.ge [sflag:s13], $0x180  }
0xa5: {  	[sflag:s13] =	ssyncset.done $0x0  }
0xa6: {  	[sflag:s13] =	ssyncadd.s32 $0xFFFFFE80  }
0xa7: {  	_ =	swait.ge [sflag:s13], $0x180  }
0xa8: {  	[sflag:s13] =	ssyncset.done $0x0  }
0xa9: {  	[sflag:s13] =	ssyncadd.s32 $0xFFFFFE80  }
0xaa: {  	_ =	swait.ge [sflag:s13], $0x180  }
0xab: {  	[sflag:s13] =	ssyncset.done $0x0  }
0xac: {  	[sflag:s13] =	ssyncadd.s32 $0xFFFFFE80  }
0xad: {  	_ =	swait.ge [sflag:s13], $0x180  }
0xae: {  	[sflag:s13] =	ssyncset.done $0x0  }
0xaf: {  	[sflag:s13] =	ssyncadd.s32 $0xFFFFFE80  }
0xb0: {  	_ =	swait.ge [sflag:s13], $0x180  }
0xb1: {  	[sflag:s13] =	ssyncset.done $0x0  }
0xb2: {  	[sflag:s13] =	ssyncadd.s32 $0xFFFFFE80  }
0xb3: {  	_ =	swait.ge [sflag:s13], $0x180  }
0xb4: {  	[sflag:s13] =	ssyncset.done $0x0  }
0xb5: {  	[sflag:s13] =	ssyncadd.s32 $0xFFFFFE80  }
0xb6: {  	_ =	swait.ge [sflag:s13], $0x180  }
0xb7: {  	[sflag:s13] =	ssyncset.done $0x0  }
0xb8: {  	[sflag:s13] =	ssyncadd.s32 $0xFFFFFE80  }
0xb9: {  	_ =	swait.ge [sflag:s13], $0x180  }
0xba: {  	[sflag:s13] =	ssyncset.done $0x0  }
0xbb: {  	[sflag:s13] =	ssyncadd.s32 $0xFFFFFE80  }
0xbc: {  	_ =	swait.ge [sflag:s13], $0x180  }
0xbd: {  	[sflag:s13] =	ssyncset.done $0x0  }
0xbe: {  	[sflag:s13] =	ssyncadd.s32 $0xFFFFFE80  }
0xbf: {  	_ =	swait.ge [sflag:s13], $0x180  }
0xc0: {  	[sflag:s13] =	ssyncset.done $0x0  }
0xc1: {  	[sflag:s13] =	ssyncadd.s32 $0xFFFFFE80  }
0xc2: {  	_ =	swait.ge [sflag:s13], $0x180  }
0xc3: {  	[sflag:s13] =	ssyncset.done $0x0  }
0xc4: {  	[sflag:s13] =	ssyncadd.s32 $0xFFFFFE80  }
0xc5: {  	_ =	swait.ge [sflag:s13], $0x180  }
0xc6: {  	[sflag:s13] =	ssyncset.done $0x0  }
0xc7: {  	[sflag:s13] =	ssyncadd.s32 $0xFFFFFE80  }
0xc8: {  	_ =	swait.ge [sflag:s13], $0x180  }
0xc9: {  	[sflag:s13] =	ssyncset.done $0x0  }
0xca: {  	s21 =	simm.s32 $0x1810;
	[sflag:s13] =	ssyncadd.s32 $0xFFFFFE80  }
0xcb: {  	s22 =	sand.u32 $0x1C0, s3;
	v12 =	vld [tilespmem:s21+$0xFFFFE7F0]  }
0xcc: {  	v13 =	vld [tilespmem:s22+$0x180]  }
0xcd: {  	v14 =	vld [tilespmem:s21+$0xFFFFE800]  }
0xce: {  	v15 =	vld [tilespmem:s22+$0x300]  }
0xcf: {  	v16 =	vld [tilespmem:s21+$0xFFFFE980]  }
0xd0: {  	v17 =	vld [tilespmem:s22+$0x480]  }
0xd1: {  	v18 =	vld [tilespmem:s21+$0xFFFFE810]  }
0xd2: {  	v19 =	vld [tilespmem:s22+$0x600]  }
0xd3: {  	v20 =	vld [tilespmem:s21+$0xFFFFE990]  }
0xd4: {  	v21 =	vld [tilespmem:s22+$0x780]  }
0xd5: {  	v22 =	vld [tilespmem:s21+$0xFFFFE820]  }
0xd6: {  	v23 =	vld [tilespmem:s22+$0x900]  }
0xd7: {  	v24 =	vld [tilespmem:s21+$0xFFFFE9A0]  }
0xd8: {  	v25 =	vld [tilespmem:s22+$0xA80]  }
0xd9: {  	v26 =	vld [tilespmem:s21+$0xFFFFEB00]  }
0xda: {  	v27 =	vld [tilespmem:s22+$0xC00]  }
0xdb: {  	v28 =	vld [tilespmem:s21+$0xFFFFEB10]  }
0xdc: {  	v29 =	vld [tilespmem:s22+$0xD80]  }
0xdd: {  	v30 =	vld [tilespmem:s21+$0xFFFFEB20]  }
0xde: {  	v31 =	vld [tilespmem:s22+$0xF00]  }
0xdf: {  	v32 =	vld [tilespmem:s21+$0xFFFFEC80]  }
0xe0: {  	v33 =	vld [tilespmem:s22+$0x1080]  }
0xe1: {  	v34 =	vld [tilespmem:s21+$0xFFFFEC90]  }
0xe2: {  	v35 =	vld [tilespmem:s22+$0x1200]  }
0xe3: {  	v36 =	vld [tilespmem:s21+$0xFFFFECA0]  }
0xe4: {  	v37 =	vld [tilespmem:s22+$0x1380]  }
0xe5: {  	v38 =	vld [tilespmem:s21+$0xFFFFEE00]  }
0xe6: {  	v39 =	vld [tilespmem:s22+$0x1500]  }
0xe7: {  	v40 =	vld [tilespmem:s21+$0xFFFFEE10]  }
0xe8: {  	v41 =	vld [tilespmem:s22+$0x1680]  }
0xe9: {  	v42 =	vld [tilespmem:s21+$0xFFFFEE20]  }
0xea: {  	v43 =	vld [tilespmem:s22+$0x1800]  }
0xeb: {  	v44 =	vld [tilespmem:s21+$0xFFFFEF80]  }
0xec: {  	v45 =	vld [tilespmem:s22+$0x1980]  }
0xed: {  	v46 =	vld [tilespmem:s21+$0xFFFFEF90]  }
0xee: {  	v47 =	vld [tilespmem:s22+$0x1B00]  }
0xef: {  	v48 =	vld [tilespmem:s21+$0xFFFFEFA0]  }
0xf0: {  	v49 =	vld [tilespmem:s22+$0x1C80]  }
0xf1: {  	v50 =	vld [tilespmem:s21+$0xFFFFF100]  }
0xf2: {  	v11 =	vld [tilespmem:s22+$0x1E00]  }
0xf3: {  	v51 =	vld [tilespmem:s21+$0xFFFFF110]  }
0xf4: {  	v10 =	vld [tilespmem:s22+$0x1F80]  }
0xf5: {  	v52 =	vld [tilespmem:s21+$0xFFFFF120]  }
0xf6: {  	v9 =	vld [tilespmem:s22+$0x2100]  }
0xf7: {  	v53 =	vld [tilespmem:s21+$0xFFFFF280]  }
0xf8: {  	v8 =	vld [tilespmem:s22+$0x2280]  }
0xf9: {  	v54 =	vld [tilespmem:s21+$0xFFFFF290]  }
0xfa: {  	v7 =	vld [tilespmem:s22+$0x2400]  }
0xfb: {  	v55 =	vld [tilespmem:s21+$0xFFFFF2A0]  }
0xfc: {  	v6 =	vld [tilespmem:s22+$0x2580]  }
0xfd: {  	v56 =	vld [tilespmem:s21+$0xFFFFF400]  }
0xfe: {  	v5 =	vld [tilespmem:s22+$0x2700]  }
0xff: {  	v57 =	vld [tilespmem:s21+$0xFFFFF410]  }
0x100: {  	v4 =	vld [tilespmem:s22+$0x2880]  }
0x101: {  	v0 =	vld [tilespmem:s22+$0x2D00]  }
0x102: {  	v58 =	vld [tilespmem:s21+$0xFFFFF420]  }
0x103: {  	v3 =	vld [tilespmem:s22+$0x2A00]  }
0x104: {  	v59 =	vld [tilespmem:s21+$0xFFFFF580]  }
0x105: {  	v2 =	vld [tilespmem:s22+$0x2B80]  }
0x106: {  	v60 =	vld [tilespmem:s21+$0xFFFFF590];
	[tilespmem:$0x1FFE0] =	vst v0  }
0x107: {  	v0 =	vld [tilespmem:s22+$0x2E80];
	_ =	sdelay $0x4  }
0x108: {  	v61 =	vld [tilespmem:s21+$0xFFFFF5A0];
	[tilespmem:$0x1FFF0] =	vst v0  }
0x109: {  	v62 =	vld [tilespmem:s21+$0xFFFFF700]  }
0x10a: {  	v63 =	vld [tilespmem:s21+$0xFFFFF710]  }
0x10b: {  	v12 =	vadd.f32 v13, v12;
	v13 =	vld [tilespmem:s21+$0xFFFFF720]  }
0x10c: {  	v0 =	vld [tilespmem:s21+$0xFFFFF880]  }
0x10d: {  	v12 =	vadd.f32 v15, v12;
	v15 =	vld [tilespmem:s21+$0xFFFFF890]  }
0x10e: {  	v14 =	vadd.f32 v16, v14;
	v1 =	vld [tilespmem:s21+$0xFFFFF8A0]  }
0x10f: {  	v12 =	vadd.f32 v17, v12;
	v17 =	vld [tilespmem:s21+$0xFFFFFA00]  }
0x110: {  	v18 =	vadd.f32 v20, v18;
	v14 =	vadd.f32 v26, v14;
	v16 =	vld [tilespmem:s21+$0xFFFFFA10]  }
0x111: {  	v24 =	vadd.f32 v24, v22;
	v12 =	vadd.f32 v19, v12;
	v19 =	vld [tilespmem:s21+$0xFFFFFA20]  }
0x112: {  	v18 =	vadd.f32 v28, v18;
	v14 =	vadd.f32 v32, v14;
	v22 =	vld [tilespmem:s21+$0xFFFFFB80]  }
0x113: {  	v20 =	vadd.f32 v30, v24;
	v24 =	vld [tilespmem:s21+$0xFFFFFBA0];
	v12 =	vadd.f32 v21, v12  }
0x114: {  	v18 =	vadd.f32 v34, v18;
	v14 =	vadd.f32 v38, v14;
	v26 =	vld [tilespmem:s21+$0xFFFFFD10]  }
0x115: {  	v20 =	vadd.f32 v36, v20;
	v28 =	vld [tilespmem:s21+$0xFFFFFE80];
	v12 =	vadd.f32 v23, v12  }
0x116: {  	v18 =	vadd.f32 v40, v18;
	v40 =	vld [tilespmem:s21+$0xFFFFFEA0];
	v14 =	vadd.f32 v44, v14  }
0x117: {  	v20 =	vadd.f32 v42, v20;
	v42 =	vld [tilespmem:s21+$0x0];
	v12 =	vadd.f32 v25, v12  }
0x118: {  	v21 =	vld [tilespmem:s21+$0xFFFFFB90];
	v14 =	vadd.f32 v50, v14  }
0x119: {  	v18 =	vadd.f32 v46, v18;
	v44 =	vld [tilespmem:s21+$0x10];
	v12 =	vadd.f32 v27, v12  }
0x11a: {  	v20 =	vadd.f32 v48, v20;
	v46 =	vld [tilespmem:s21+$0x20];
	v14 =	vadd.f32 v53, v14  }
0x11b: {  	v48 =	vld [tilespmem:s21+$0x180];
	v18 =	vadd.f32 v51, v18;
	v12 =	vadd.f32 v29, v12  }
0x11c: {  	v23 =	vld [tilespmem:s21+$0xFFFFFD00];
	v20 =	vadd.f32 v52, v20;
	v14 =	vadd.f32 v56, v14  }
0x11d: {  	v50 =	vld [tilespmem:s21+$0x190];
	v18 =	vadd.f32 v54, v18;
	v12 =	vadd.f32 v31, v12  }
0x11e: {  	v51 =	vld [tilespmem:s21+$0x1A0];
	v20 =	vadd.f32 v55, v20;
	v14 =	vadd.f32 v59, v14  }
0x11f: {  	v52 =	vld [tilespmem:s21+$0x300];
	v18 =	vadd.f32 v57, v18;
	v12 =	vadd.f32 v33, v12  }
0x120: {  	v25 =	vld [tilespmem:s21+$0xFFFFFD20];
	v20 =	vadd.f32 v58, v20;
	v14 =	vadd.f32 v62, v14  }
0x121: {  	v53 =	vld [tilespmem:s21+$0x310];
	v18 =	vadd.f32 v60, v18;
	v12 =	vadd.f32 v35, v12  }
0x122: {  	v54 =	vld [tilespmem:s21+$0x320];
	v20 =	vadd.f32 v61, v20;
	v0 =	vadd.f32 v0, v14  }
0x123: {  	v55 =	vld [tilespmem:s21+$0x480];
	v18 =	vadd.f32 v63, v18;
	v12 =	vadd.f32 v37, v12  }
0x124: {  	v27 =	vld [tilespmem:s21+$0xFFFFFE90];
	v13 =	vadd.f32 v13, v20;
	v0 =	vadd.f32 v17, v0  }
0x125: {  	v56 =	vld [tilespmem:s21+$0x490];
	v15 =	vadd.f32 v15, v18;
	v12 =	vadd.f32 v39, v12  }
0x126: {  	v57 =	vld [tilespmem:s21+$0x4A0];
	v1 =	vadd.f32 v1, v13;
	v0 =	vadd.f32 v22, v0  }
0x127: {  	v58 =	vld [tilespmem:s21+$0x600];
	v15 =	vadd.f32 v16, v15;
	v12 =	vadd.f32 v41, v12  }
0x128: {  	v59 =	vld [tilespmem:s21+$0x610];
	v1 =	vadd.f32 v19, v1;
	v0 =	vadd.f32 v23, v0  }
0x129: {  	v60 =	vld [tilespmem:s21+$0x620];
	v15 =	vadd.f32 v21, v15;
	v12 =	vadd.f32 v43, v12  }
0x12a: {  	v61 =	vld [tilespmem:s21+$0x780];
	v1 =	vadd.f32 v24, v1;
	v0 =	vadd.f32 v28, v0  }
0x12b: {  	v62 =	vld [tilespmem:s21+$0x790];
	v15 =	vadd.f32 v26, v15;
	v12 =	vadd.f32 v45, v12  }
0x12c: {  	v63 =	vld [tilespmem:s21+$0x7A0];
	v1 =	vadd.f32 v25, v1;
	v0 =	vadd.f32 v42, v0  }
0x12d: {  	v39 =	vld [tilespmem:s21+$0x900];
	v15 =	vadd.f32 v27, v15;
	v12 =	vadd.f32 v47, v12  }
0x12e: {  	v1 =	vadd.f32 v40, v1;
	v40 =	vld [tilespmem:s21+$0x910];
	v0 =	vadd.f32 v48, v0  }
0x12f: {  	v41 =	vld [tilespmem:s21+$0x920];
	v15 =	vadd.f32 v44, v15;
	v12 =	vadd.f32 v49, v12  }
0x130: {  	v42 =	vld [tilespmem:s21+$0xA80];
	v0 =	vadd.f32 v52, v0  }
0x131: {  	v44 =	vld [tilespmem:s21+$0xA90];
	v43 =	vadd.f32 v50, v15;
	v11 =	vadd.f32 v11, v12  }
0x132: {  	v1 =	vadd.f32 v46, v1;
	v45 =	vld [tilespmem:s21+$0xAA0];
	v0 =	vadd.f32 v55, v0  }
0x133: {  	v48 =	vld [tilespmem:s21+$0xC10];
	v46 =	vadd.f32 v53, v43;
	v10 =	vadd.f32 v10, v11  }
0x134: {  	v1 =	vadd.f32 v51, v1;
	v50 =	vld [tilespmem:s21+$0xC20];
	v0 =	vadd.f32 v58, v0  }
0x135: {  	v51 =	vld [tilespmem:s21+$0xD80];
	v49 =	vadd.f32 v56, v46;
	v9 =	vadd.f32 v9, v10  }
0x136: {  	v47 =	vld [tilespmem:s21+$0xC00];
	v1 =	vadd.f32 v54, v1;
	v0 =	vadd.f32 v61, v0  }
0x137: {  	v53 =	vld [tilespmem:s21+$0xD90];
	v52 =	vadd.f32 v59, v49;
	v8 =	vadd.f32 v8, v9  }
0x138: {  	v54 =	vld [tilespmem:s21+$0xDA0];
	v1 =	vadd.f32 v57, v1;
	v0 =	vadd.f32 v39, v0  }
0x139: {  	v55 =	vld [tilespmem:s21+$0xF00];
	v7 =	vadd.f32 v7, v8;
	v8 =	vadd.f32 v62, v52  }
0x13a: {  	v56 =	vld [tilespmem:s21+$0xF10];
	v1 =	vadd.f32 v60, v1;
	v0 =	vadd.f32 v42, v0  }
0x13b: {  	v57 =	vld [tilespmem:s21+$0x1080];
	v6 =	vadd.f32 v6, v7;
	v7 =	vadd.f32 v40, v8  }
0x13c: {  	v58 =	vld [tilespmem:s21+$0x10A0];
	v1 =	vadd.f32 v63, v1;
	v0 =	vadd.f32 v47, v0  }
0x13d: {  	v59 =	vld [tilespmem:s21+$0x1210];
	v5 =	vadd.f32 v5, v6;
	v6 =	vadd.f32 v44, v7  }
0x13e: {  	v60 =	vld [tilespmem:s21+$0x1380];
	v1 =	vadd.f32 v41, v1;
	v0 =	vadd.f32 v51, v0  }
0x13f: {  	v4 =	vadd.f32 v4, v5;
	v5 =	vadd.f32 v48, v6;
	v6 =	vld [tilespmem:s21+$0x1200]  }
0x140: {  	v61 =	vld [tilespmem:$0x1FFE0];
	v1 =	vadd.f32 v45, v1;
	v0 =	vadd.f32 v55, v0  }
0x141: {  	v8 =	vld [tilespmem:s21+$0xF20]  }
0x142: {  	v1 =	vadd.f32 v50, v1;
	v7 =	vld [tilespmem:s21+$0x1090];
	v0 =	vadd.f32 v57, v0  }
0x143: {  	v62 =	vld [tilespmem:s21+$0x1500];
	v3 =	vadd.f32 v3, v4;
	v4 =	vadd.f32 v53, v5  }
0x144: {  	v1 =	vadd.f32 v54, v1;
	v6 =	vadd.f32 v6, v0;
	v0 =	vld [tilespmem:$0x1FFF0]  }
0x145: {  	v5 =	vld [tilespmem:s21+$0x1220];
	v2 =	vadd.f32 v2, v3;
	v3 =	vadd.f32 v56, v4  }
0x146: {  	v1 =	vadd.f32 v8, v1;
	v4 =	vld [tilespmem:s21+$0x1390]  }
0x147: {  	v8 =	vld [tilespmem:s21+$0x13A0];
	v2 =	vadd.f32 v61, v2;
	v3 =	vadd.f32 v7, v3  }
0x148: {  	v7 =	vadd.f32 v58, v1;
	v1 =	vld [tilespmem:s21+$0x1510]  }
0x149: {  	v3 =	vadd.f32 v59, v3;
	v63 =	vadd.f32 v0, v2;
	v0 =	vld [tilespmem:s21+$0x1520]  }
0x14a: {  	v6 =	vadd.f32 v60, v6;
	v7 =	vadd.f32 v5, v7;
	v2 =	vld [tilespmem:s21+$0x1680]  }
0x14b: {  	s19 =	simm.s32 $0x3020;
	v5 =	vadd.f32 v4, v3;
	v3 =	vld [tilespmem:s21+$0x1690]  }
0x14c: {  	s10 =	simm.s32 $0x40;
	s20 =	simm.s32 $0x0;
	v6 =	vadd.f32 v62, v6;
	v7 =	vadd.f32 v8, v7;
	v4 =	vld [tilespmem:s21+$0x16A0];
	s21 =	simm.s32 $0x1850;
	[tilespmem:s19+$0xFFFFFFE0] =	vst v63  }
.LBB2_2:
0x14d: {  	v8 =	vld [tilespmem:s21+$0xFFFFE7F0];
	s22 =	sand.u32 $0x1C0, s10;
	s20 =	sadd.s32 $0x4, s20;
	v1 =	vadd.f32 v1, v5  }
0x14e: {  	v5 =	vld [tilespmem:s22+$0x180];
	p0 =	slt.u32 s20, $0x14;
	v0 =	vadd.f32 v0, v7  }
0x14f: {  	v7 =	vld [tilespmem:s21+$0xFFFFE800];
	v2 =	vadd.f32 v2, v6  }
0x150: {  	v6 =	vld [tilespmem:s22+$0x300];
	v1 =	vadd.f32 v3, v1  }
0x151: {  	v3 =	vld [tilespmem:s21+$0xFFFFE980];
	[tilespmem:s19+$0xFFFFFFF0] =	vst v2;
	v0 =	vadd.f32 v4, v0  }
0x152: {  	v2 =	vld [tilespmem:s22+$0x480];
	[tilespmem:s19+$0x0] =	vst v1  }
0x153: {  	v1 =	vadd.f32 v5, v8;
	v4 =	vld [tilespmem:s21+$0xFFFFE810];
	[tilespmem:s19+$0x10] =	vst v0  }
0x154: {  	v0 =	vld [tilespmem:s22+$0x600]  }
0x155: {  	v1 =	vadd.f32 v6, v1;
	v5 =	vld [tilespmem:s21+$0xFFFFE990]  }
0x156: {  	v6 =	vld [tilespmem:s22+$0x780];
	v3 =	vadd.f32 v3, v7  }
0x157: {  	v1 =	vadd.f32 v2, v1;
	v2 =	vld [tilespmem:s21+$0xFFFFE820]  }
0x158: {  	v7 =	vld [tilespmem:s22+$0x900]  }
0x159: {  	v0 =	vadd.f32 v0, v1;
	v1 =	vld [tilespmem:s21+$0xFFFFE9A0]  }
0x15a: {  	v8 =	vld [tilespmem:s22+$0xA80];
	v4 =	vadd.f32 v5, v4  }
0x15b: {  	v0 =	vadd.f32 v6, v0;
	v5 =	vld [tilespmem:s21+$0xFFFFEB00]  }
0x15c: {  	v6 =	vld [tilespmem:s22+$0xC00]  }
0x15d: {  	v0 =	vadd.f32 v7, v0;
	v7 =	vld [tilespmem:s21+$0xFFFFEB10]  }
0x15e: {  	v9 =	vld [tilespmem:s22+$0xD80];
	v1 =	vadd.f32 v1, v2  }
0x15f: {  	v0 =	vadd.f32 v8, v0;
	v2 =	vld [tilespmem:s21+$0xFFFFEB20]  }
0x160: {  	v8 =	vld [tilespmem:s22+$0xF00];
	v3 =	vadd.f32 v5, v3  }
0x161: {  	v0 =	vadd.f32 v6, v0;
	v5 =	vld [tilespmem:s21+$0xFFFFEC80]  }
0x162: {  	v6 =	vld [tilespmem:s22+$0x1080];
	v4 =	vadd.f32 v7, v4  }
0x163: {  	v0 =	vadd.f32 v9, v0;
	v7 =	vld [tilespmem:s21+$0xFFFFEC90]  }
0x164: {  	v9 =	vld [tilespmem:s22+$0x1200];
	v1 =	vadd.f32 v2, v1  }
0x165: {  	v0 =	vadd.f32 v8, v0;
	v2 =	vld [tilespmem:s21+$0xFFFFECA0]  }
0x166: {  	v8 =	vld [tilespmem:s22+$0x1380];
	v3 =	vadd.f32 v5, v3  }
0x167: {  	v0 =	vadd.f32 v6, v0;
	v5 =	vld [tilespmem:s21+$0xFFFFEE00]  }
0x168: {  	v6 =	vld [tilespmem:s22+$0x1500];
	v4 =	vadd.f32 v7, v4  }
0x169: {  	v0 =	vadd.f32 v9, v0;
	v7 =	vld [tilespmem:s21+$0xFFFFEE10]  }
0x16a: {  	v9 =	vld [tilespmem:s22+$0x1680];
	v1 =	vadd.f32 v2, v1  }
0x16b: {  	v0 =	vadd.f32 v8, v0;
	v2 =	vld [tilespmem:s21+$0xFFFFEE20]  }
0x16c: {  	v8 =	vld [tilespmem:s22+$0x1800];
	v3 =	vadd.f32 v5, v3  }
0x16d: {  	v0 =	vadd.f32 v6, v0;
	v5 =	vld [tilespmem:s21+$0xFFFFEF80]  }
0x16e: {  	v6 =	vld [tilespmem:s22+$0x1980];
	v4 =	vadd.f32 v7, v4  }
0x16f: {  	v0 =	vadd.f32 v9, v0;
	v7 =	vld [tilespmem:s21+$0xFFFFEF90]  }
0x170: {  	v9 =	vld [tilespmem:s22+$0x1B00];
	v1 =	vadd.f32 v2, v1  }
0x171: {  	v0 =	vadd.f32 v8, v0;
	v2 =	vld [tilespmem:s21+$0xFFFFEFA0]  }
0x172: {  	v8 =	vld [tilespmem:s22+$0x1C80];
	v3 =	vadd.f32 v5, v3  }
0x173: {  	v0 =	vadd.f32 v6, v0;
	v5 =	vld [tilespmem:s21+$0xFFFFF100]  }
0x174: {  	v6 =	vld [tilespmem:s22+$0x1E00];
	v4 =	vadd.f32 v7, v4  }
0x175: {  	v0 =	vadd.f32 v9, v0;
	v7 =	vld [tilespmem:s21+$0xFFFFF110]  }
0x176: {  	v9 =	vld [tilespmem:s22+$0x1F80];
	v1 =	vadd.f32 v2, v1  }
0x177: {  	v0 =	vadd.f32 v8, v0;
	v2 =	vld [tilespmem:s21+$0xFFFFF120]  }
0x178: {  	v8 =	vld [tilespmem:s22+$0x2100];
	v3 =	vadd.f32 v5, v3  }
0x179: {  	v0 =	vadd.f32 v6, v0;
	v5 =	vld [tilespmem:s21+$0xFFFFF280]  }
0x17a: {  	v6 =	vld [tilespmem:s22+$0x2280];
	v4 =	vadd.f32 v7, v4  }
0x17b: {  	v0 =	vadd.f32 v9, v0;
	v7 =	vld [tilespmem:s21+$0xFFFFF290]  }
0x17c: {  	v9 =	vld [tilespmem:s22+$0x2400];
	v1 =	vadd.f32 v2, v1  }
0x17d: {  	v0 =	vadd.f32 v8, v0;
	v2 =	vld [tilespmem:s21+$0xFFFFF2A0]  }
0x17e: {  	v8 =	vld [tilespmem:s22+$0x2580];
	v3 =	vadd.f32 v5, v3  }
0x17f: {  	v0 =	vadd.f32 v6, v0;
	v5 =	vld [tilespmem:s21+$0xFFFFF400]  }
0x180: {  	v6 =	vld [tilespmem:s22+$0x2700];
	v4 =	vadd.f32 v7, v4  }
0x181: {  	v0 =	vadd.f32 v9, v0;
	v7 =	vld [tilespmem:s21+$0xFFFFF410]  }
0x182: {  	v9 =	vld [tilespmem:s22+$0x2880];
	v1 =	vadd.f32 v2, v1  }
0x183: {  	v0 =	vadd.f32 v8, v0;
	v2 =	vld [tilespmem:s21+$0xFFFFF420]  }
0x184: {  	v8 =	vld [tilespmem:s22+$0x2A00];
	v3 =	vadd.f32 v5, v3  }
0x185: {  	v0 =	vadd.f32 v6, v0;
	v5 =	vld [tilespmem:s21+$0xFFFFF580]  }
0x186: {  	v6 =	vld [tilespmem:s22+$0x2B80];
	v4 =	vadd.f32 v7, v4  }
0x187: {  	v0 =	vadd.f32 v9, v0;
	v7 =	vld [tilespmem:s21+$0xFFFFF590]  }
0x188: {  	v9 =	vld [tilespmem:s22+$0x2D00];
	v1 =	vadd.f32 v2, v1  }
0x189: {  	v0 =	vadd.f32 v8, v0;
	v2 =	vld [tilespmem:s21+$0xFFFFF5A0]  }
0x18a: {  	v8 =	vld [tilespmem:s22+$0x2E80];
	v3 =	vadd.f32 v5, v3  }
0x18b: {  	v0 =	vadd.f32 v6, v0;
	v5 =	vld [tilespmem:s21+$0xFFFFF700]  }
0x18c: {  	v4 =	vadd.f32 v7, v4;
	v6 =	vld [tilespmem:s21+$0xFFFFF710]  }
0x18d: {  	v0 =	vadd.f32 v9, v0;
	v7 =	vld [tilespmem:s21+$0xFFFFF720]  }
0x18e: {  	v9 =	vld [tilespmem:s21+$0xFFFFF880];
	v1 =	vadd.f32 v2, v1  }
0x18f: {  	v0 =	vadd.f32 v8, v0;
	v2 =	vld [tilespmem:s21+$0xFFFFF890]  }
0x190: {  	s19 =	sadd.s32 $0x40, s19;
	v3 =	vadd.f32 v5, v3;
	v5 =	vld [tilespmem:s21+$0xFFFFF8A0]  }
0x191: {  	[tilespmem:s19+$0xFFFFFFE0] =	vst v0;
	v0 =	vld [tilespmem:s21+$0xFFFFFA00];
	v4 =	vadd.f32 v6, v4  }
0x192: {  	v6 =	vld [tilespmem:s21+$0xFFFFFA10];
	v1 =	vadd.f32 v7, v1  }
0x193: {  	v3 =	vadd.f32 v9, v3;
	v7 =	vld [tilespmem:s21+$0xFFFFFA20]  }
0x194: {  	v8 =	vld [tilespmem:s21+$0xFFFFFB80];
	v2 =	vadd.f32 v2, v4  }
0x195: {  	v4 =	vld [tilespmem:s21+$0xFFFFFB90];
	v1 =	vadd.f32 v5, v1  }
0x196: {  	v0 =	vadd.f32 v0, v3;
	v3 =	vld [tilespmem:s21+$0xFFFFFBA0]  }
0x197: {  	v5 =	vld [tilespmem:s21+$0xFFFFFD00];
	v2 =	vadd.f32 v6, v2  }
0x198: {  	v6 =	vld [tilespmem:s21+$0xFFFFFD10];
	v1 =	vadd.f32 v7, v1  }
0x199: {  	v0 =	vadd.f32 v8, v0;
	v7 =	vld [tilespmem:s21+$0xFFFFFD20]  }
0x19a: {  	v8 =	vld [tilespmem:s21+$0xFFFFFE80];
	v2 =	vadd.f32 v4, v2  }
0x19b: {  	v4 =	vld [tilespmem:s21+$0xFFFFFE90];
	v1 =	vadd.f32 v3, v1  }
0x19c: {  	v0 =	vadd.f32 v5, v0;
	v3 =	vld [tilespmem:s21+$0xFFFFFEA0]  }
0x19d: {  	v5 =	vld [tilespmem:s21+$0x0];
	v2 =	vadd.f32 v6, v2  }
0x19e: {  	v6 =	vld [tilespmem:s21+$0x10];
	v1 =	vadd.f32 v7, v1  }
0x19f: {  	v0 =	vadd.f32 v8, v0;
	v7 =	vld [tilespmem:s21+$0x20]  }
0x1a0: {  	v8 =	vld [tilespmem:s21+$0x180];
	v2 =	vadd.f32 v4, v2  }
0x1a1: {  	v4 =	vld [tilespmem:s21+$0x190];
	v1 =	vadd.f32 v3, v1  }
0x1a2: {  	v0 =	vadd.f32 v5, v0;
	v3 =	vld [tilespmem:s21+$0x1A0]  }
0x1a3: {  	v5 =	vld [tilespmem:s21+$0x300];
	v2 =	vadd.f32 v6, v2  }
0x1a4: {  	v6 =	vld [tilespmem:s21+$0x310];
	v1 =	vadd.f32 v7, v1  }
0x1a5: {  	v0 =	vadd.f32 v8, v0;
	v7 =	vld [tilespmem:s21+$0x320]  }
0x1a6: {  	v8 =	vld [tilespmem:s21+$0x480];
	v2 =	vadd.f32 v4, v2  }
0x1a7: {  	v4 =	vld [tilespmem:s21+$0x490];
	v1 =	vadd.f32 v3, v1  }
0x1a8: {  	v0 =	vadd.f32 v5, v0;
	v3 =	vld [tilespmem:s21+$0x4A0]  }
0x1a9: {  	v5 =	vld [tilespmem:s21+$0x600];
	v2 =	vadd.f32 v6, v2  }
0x1aa: {  	v6 =	vld [tilespmem:s21+$0x610];
	v1 =	vadd.f32 v7, v1  }
0x1ab: {  	v0 =	vadd.f32 v8, v0;
	v7 =	vld [tilespmem:s21+$0x620]  }
0x1ac: {  	v8 =	vld [tilespmem:s21+$0x780];
	v2 =	vadd.f32 v4, v2  }
0x1ad: {  	v4 =	vld [tilespmem:s21+$0x790];
	v1 =	vadd.f32 v3, v1  }
0x1ae: {  	v0 =	vadd.f32 v5, v0;
	v3 =	vld [tilespmem:s21+$0x7A0]  }
0x1af: {  	v5 =	vld [tilespmem:s21+$0x900];
	v2 =	vadd.f32 v6, v2  }
0x1b0: {  	v6 =	vld [tilespmem:s21+$0x910];
	v1 =	vadd.f32 v7, v1  }
0x1b1: {  	v0 =	vadd.f32 v8, v0;
	v7 =	vld [tilespmem:s21+$0x920]  }
0x1b2: {  	v8 =	vld [tilespmem:s21+$0xA80];
	v2 =	vadd.f32 v4, v2  }
0x1b3: {  	v4 =	vld [tilespmem:s21+$0xA90];
	v1 =	vadd.f32 v3, v1  }
0x1b4: {  	v0 =	vadd.f32 v5, v0;
	v3 =	vld [tilespmem:s21+$0xAA0]  }
0x1b5: {  	v5 =	vld [tilespmem:s21+$0xC00];
	v2 =	vadd.f32 v6, v2  }
0x1b6: {  	v6 =	vld [tilespmem:s21+$0xC10];
	v1 =	vadd.f32 v7, v1  }
0x1b7: {  	v0 =	vadd.f32 v8, v0;
	v7 =	vld [tilespmem:s21+$0xC20]  }
0x1b8: {  	v8 =	vld [tilespmem:s21+$0xD80];
	v2 =	vadd.f32 v4, v2  }
0x1b9: {  	v4 =	vld [tilespmem:s21+$0xD90];
	v1 =	vadd.f32 v3, v1  }
0x1ba: {  	v0 =	vadd.f32 v5, v0;
	v3 =	vld [tilespmem:s21+$0xDA0]  }
0x1bb: {  	v5 =	vld [tilespmem:s21+$0xF00];
	v2 =	vadd.f32 v6, v2  }
0x1bc: {  	v6 =	vld [tilespmem:s21+$0xF10];
	v1 =	vadd.f32 v7, v1  }
0x1bd: {  	v0 =	vadd.f32 v8, v0;
	v7 =	vld [tilespmem:s21+$0xF20]  }
0x1be: {  	v8 =	vld [tilespmem:s21+$0x1080];
	v2 =	vadd.f32 v4, v2  }
0x1bf: {  	v4 =	vld [tilespmem:s21+$0x1090];
	v1 =	vadd.f32 v3, v1  }
0x1c0: {  	v0 =	vadd.f32 v5, v0;
	v3 =	vld [tilespmem:s21+$0x10A0]  }
0x1c1: {  	v5 =	vld [tilespmem:s21+$0x1200];
	v2 =	vadd.f32 v6, v2  }
0x1c2: {  	v6 =	vld [tilespmem:s21+$0x1210];
	v1 =	vadd.f32 v7, v1  }
0x1c3: {  	v0 =	vadd.f32 v8, v0;
	v7 =	vld [tilespmem:s21+$0x1220]  }
0x1c4: {  	v8 =	vld [tilespmem:s21+$0x1380];
	v2 =	vadd.f32 v4, v2  }
0x1c5: {  	v4 =	vld [tilespmem:s21+$0x1390];
	v3 =	vadd.f32 v3, v1  }
0x1c6: {  	v0 =	vadd.f32 v5, v0;
	v9 =	vld [tilespmem:s21+$0x13A0]  }
0x1c7: {  	v10 =	vld [tilespmem:s21+$0x1500];
	v5 =	vadd.f32 v6, v2  }
.Ltmp0:
0x1c8: {  	v1 =	vld [tilespmem:s21+$0x1510];
	v6 =	vadd.f32 v7, v3;
	(pc) =	sbr.rel @p0 .LBB2_2-.Ltmp0, $4  }
0x1c9: {  	v8 =	vadd.f32 v8, v0;
	v0 =	vld [tilespmem:s21+$0x1520]  }
0x1ca: {  	v2 =	vld [tilespmem:s21+$0x1680];
	v5 =	vadd.f32 v4, v5  }
0x1cb: {  	v3 =	vld [tilespmem:s21+$0x1690];
	v7 =	vadd.f32 v9, v6  }
0x1cc: {  	s10 =	sadd.s32 $0x40, s10;
	v6 =	vadd.f32 v10, v8;
	v4 =	vld [tilespmem:s21+$0x16A0];
	s21 =	sadd.s32 $0x40, s21  }
0x1cd: {  	_ = 	snop  }
0x1ce: {  	v1 =	vadd.f32 v1, v5  }
0x1cf: {  	v0 =	vadd.f32 v0, v7;
	v2 =	vadd.f32 v2, v6  }
0x1d0: {  	v1 =	vadd.f32 v3, v1  }
0x1d1: {  	[tilespmem:s19+$0xFFFFFFF0] =	vst v2;
	v0 =	vadd.f32 v4, v0  }
0x1d2: {  	[tilespmem:s19+$0x0] =	vst v1  }
0x1d3: {  	[tilespmem:s19+$0x10] =	vst v0  }
0x1d4: {  	_ =	swait.ge [sflag:s14], $0x4000  }
0x1d5: {  	[sflag:s14] =	ssyncset.done $0x0  }
0x1d6: {  	[sflag:s14] =	ssyncadd.s32 $0xFFFFC000  }
0x1d7: {  	_ =	swait.ge [sflag:s15], $0x4000  }
0x1d8: {  	[sflag:s15] =	ssyncset.done $0x0  }
0x1d9: {  	[sflag:s15] =	ssyncadd.s32 $0xFFFFC000  }
0x1da: {  	_ =	swait.ge [sflag:s16], $0x4000  }
0x1db: {  	[sflag:s16] =	ssyncset.done $0x0  }
0x1dc: {  	s10 =	simm.s32 $0x3400;
	[sflag:s16] =	ssyncadd.s32 $0xFFFFC000  }
0x1dd: {  	v1 =	vld [tilespmem:s10+$0x80]  }
0x1de: {  	v2 =	vld [tilespmem:s10+$0x90]  }
0x1df: {  	v3 =	vld [tilespmem:s10+$0xA0]  }
0x1e0: {  	v4 =	vld [tilespmem:s10+$0xB0]  }
0x1e1: {  	v5 =	vld [tilespmem:s10+$0xC0]  }
0x1e2: {  	s22 =	simm.s32 $0x3;
	v6 =	vld [tilespmem:s10+$0xD0]  }
0x1e3: {  	s20 =	simm.s32 $0x0;
	v0 =	vmov s22;
	v17 =	vld [tilespmem:s10+$0x0]  }
0x1e4: {  	v7 =	vmov s20;
	v18 =	vld [tilespmem:s10+$0x10]  }
0x1e5: {  	v7 =	vand.u32 $0xFFFFFFFC, v7;
	v19 =	vld [tilespmem:s10+$0xFFFFFF80]  }
0x1e6: {  	s21 =	simm.s32 $0x2;
	v7 =	vbroadcast v7, $0x0;
	v21 =	vld [tilespmem:s10+$0xFFFFFF00]  }
0x1e7: {  	v8 =	vmov s21;
	v22 =	vld [tilespmem:s10+$0xFFFFFF10]  }
0x1e8: {  	v8 =	vand.u32 $0xFFFFFFFE, v8;
	s22 =	simm.s32 $0x1;
	v0 =	vld.idx.msk [tilespmem:v0+s17+$0x0], $0xffff  }
0x1e9: {  	v10 =	vbroadcast v8, $0x0;
	v9 =	vmov s22;
	v24 =	vld [tilespmem:s10+$0xFFFFFF20]  }
0x1ea: {  	v9 =	vand.u32 $0xFFFFFFFD, v9;
	v25 =	vld [tilespmem:s10+$0xFFFFFF30]  }
0x1eb: {  	v12 =	vbroadcast v9, $0x0;
	v26 =	vld [tilespmem:s10+$0xFFFFFF40]  }
0x1ec: {  	v20 =	vld.idx.msk [tilespmem:v7+s17+$0x0], $0xffff  }
0x1ed: {  	v11 =	vimm.f32 $0.0e+00;
	v8 =	vimm.f32 $0.0e+00;
	v27 =	vld [tilespmem:s10+$0xFFFFFF50]  }
0x1ee: {  	v9 =	vimm.f32 $0.0e+00;
	v28 =	vld [tilespmem:s10+$0xFFFFFF60];
	v14 =	vmul.f32 v1, v0;
	v15 =	vmul.f32 v2, v0  }
0x1ef: {  	v7 =	vld.idx.msk [tilespmem:v10+s17+$0x0], $0xffff;
	v10 =	vimm.f32 $0.0e+00;
	v16 =	vmul.f32 v3, v0;
	v13 =	vmul.f32 v4, v0  }
0x1f0: {  	v23 =	vld [tilespmem:s10+$0xFFFFFF70];
	v2 =	vmul.f32 v5, v0;
	v1 =	vmul.f32 v6, v0;
	v6 =	vimm.f32 $0.0e+00  }
0x1f1: {  	s19 =	simm.s32 $0x4;
	v12 =	vld.idx.msk [tilespmem:v12+s17+$0x0], $0xffff;
	v5 =	vimm.f32 $0.0e+00;
	v4 =	vimm.f32 $0.0e+00;
	v3 =	vimm.f32 $0.0e+00  }
.LBB2_4:
0x1f2: {  	p0 =	slt.u32 s19, $0x17C;
	v21 =	vmul.f32 v21, v20;
	v22 =	vmul.f32 v22, v20;
	v29 =	vld [tilespmem:s10+$0xFFFFFF90]  }
0x1f3: {  	v24 =	vmul.f32 v24, v20;
	v25 =	vmul.f32 v25, v20;
	v30 =	vld [tilespmem:s10+$0xFFFFFFA0]  }
0x1f4: {  	v26 =	vmul.f32 v26, v20;
	v27 =	vmul.f32 v27, v20;
	v31 =	vld [tilespmem:s10+$0xFFFFFFB0]  }
0x1f5: {  	v28 =	vmul.f32 v28, v20;
	v20 =	vmul.f32 v23, v20;
	v23 =	vld [tilespmem:s10+$0x20]  }
0x1f6: {  	v17 =	vmul.f32 v17, v7;
	v18 =	vmul.f32 v18, v7;
	v32 =	vld [tilespmem:s10+$0x30]  }
0x1f7: {  	v19 =	vmul.f32 v19, v12;
	v29 =	vmul.f32 v29, v12;
	v33 =	vld [tilespmem:s10+$0x40]  }
0x1f8: {  	v8 =	vadd.f32 v21, v8;
	v11 =	vadd.f32 v22, v11;
	v21 =	vmul.f32 v30, v12;
	v22 =	vld [tilespmem:s10+$0x50]  }
0x1f9: {  	v9 =	vadd.f32 v24, v9;
	v10 =	vadd.f32 v25, v10;
	v24 =	vmul.f32 v31, v12;
	v25 =	vld [tilespmem:s10+$0xFFFFFFC0]  }
0x1fa: {  	v8 =	vadd.f32 v19, v8;
	v11 =	vadd.f32 v29, v11;
	v19 =	vld [tilespmem:s10+$0xFFFFFFD0];
	v23 =	vmul.f32 v23, v7  }
0x1fb: {  	v9 =	vadd.f32 v21, v9;
	v10 =	vadd.f32 v24, v10;
	v21 =	vld [tilespmem:s10+$0xFFFFFFE0];
	v24 =	vmul.f32 v32, v7  }
0x1fc: {  	v8 =	vadd.f32 v17, v8;
	v11 =	vadd.f32 v18, v11;
	v29 =	vld [tilespmem:s10+$0xFFFFFFF0];
	v17 =	vmul.f32 v33, v7  }
0x1fd: {  	v9 =	vadd.f32 v23, v9;
	v10 =	vadd.f32 v24, v10;
	v18 =	vmul.f32 v22, v7;
	v22 =	vld [tilespmem:s10+$0x60]  }
0x1fe: {  	v8 =	vadd.f32 v14, v8;
	v11 =	vadd.f32 v15, v11;
	v23 =	vmul.f32 v25, v12;
	v24 =	vld [tilespmem:s10+$0x70]  }
0x1ff: {  	v9 =	vadd.f32 v16, v9;
	v14 =	vmul.f32 v19, v12;
	v10 =	vadd.f32 v13, v10;
	v13 =	vld [tilespmem:s10+$0xE0]  }
0x200: {  	v6 =	vadd.f32 v26, v6;
	v5 =	vadd.f32 v27, v5;
	v15 =	vmul.f32 v21, v12;
	v16 =	vld [tilespmem:s10+$0xF0];
	s10 =	sadd.s32 $0x200, s10  }
0x201: {  	v4 =	vadd.f32 v28, v4;
	v3 =	vadd.f32 v20, v3;
	v30 =	vld [tilespmem:s10+$0x80];
	v12 =	vmul.f32 v29, v12  }
0x202: {  	v6 =	vadd.f32 v23, v6;
	v5 =	vadd.f32 v14, v5;
	v29 =	vld [tilespmem:s10+$0x90];
	v14 =	vmul.f32 v22, v7  }
0x203: {  	v4 =	vadd.f32 v15, v4;
	v31 =	vld [tilespmem:s10+$0xA0];
	v3 =	vadd.f32 v12, v3;
	v7 =	vmul.f32 v24, v7  }
0x204: {  	v6 =	vadd.f32 v17, v6;
	v5 =	vadd.f32 v18, v5;
	v12 =	vld [tilespmem:s10+$0xB0];
	v13 =	vmul.f32 v13, v0  }
0x205: {  	v4 =	vadd.f32 v14, v4;
	v32 =	vld [tilespmem:s10+$0xC0];
	v3 =	vadd.f32 v7, v3;
	v0 =	vmul.f32 v16, v0  }
0x206: {  	v6 =	vadd.f32 v2, v6;
	v5 =	vadd.f32 v1, v5;
	v33 =	vld [tilespmem:s10+$0xD0]  }
0x207: {  	s20 =	sadd.s32 $0x3, s19;
	v4 =	vadd.f32 v13, v4;
	v17 =	vld [tilespmem:s10+$0x0];
	v3 =	vadd.f32 v0, v3  }
0x208: {  	v1 =	vmov s20;
	v0 =	vmov s19;
	v18 =	vld [tilespmem:s10+$0x10]  }
0x209: {  	v0 =	vand.u32 $0xFFFFFFFC, v0;
	v19 =	vld [tilespmem:s10+$0xFFFFFF80]  }
0x20a: {  	v2 =	vbroadcast v0, $0x0;
	v21 =	vld [tilespmem:s10+$0xFFFFFF00]  }
0x20b: {  	s20 =	sadd.s32 $0x2, s19;
	v22 =	vld [tilespmem:s10+$0xFFFFFF10]  }
0x20c: {  	s21 =	sadd.s32 $0x1, s19;
	v0 =	vmov s20;
	v24 =	vld [tilespmem:s10+$0xFFFFFF20]  }
0x20d: {  	v7 =	vmov s21;
	v13 =	vand.u32 $0xFFFFFFFE, v0;
	v0 =	vld.idx.msk [tilespmem:v1+s17+$0x0], $0xffff  }
0x20e: {  	v1 =	vand.u32 $0xFFFFFFFD, v7;
	v7 =	vbroadcast v13, $0x0;
	v25 =	vld [tilespmem:s10+$0xFFFFFF30]  }
0x20f: {  	v1 =	vbroadcast v1, $0x0;
	v26 =	vld [tilespmem:s10+$0xFFFFFF40]  }
0x210: {  	v20 =	vld.idx.msk [tilespmem:v2+s17+$0x0], $0xffff  }
.Ltmp1:
0x211: {  	v27 =	vld [tilespmem:s10+$0xFFFFFF50];
	(pc) =	sbr.rel @p0 .LBB2_4-.Ltmp1, $4  }
0x212: {  	v28 =	vld [tilespmem:s10+$0xFFFFFF60]  }
0x213: {  	v14 =	vmul.f32 v30, v0;
	v15 =	vmul.f32 v29, v0;
	v23 =	vld [tilespmem:s10+$0xFFFFFF70]  }
0x214: {  	v16 =	vmul.f32 v31, v0;
	v13 =	vmul.f32 v12, v0;
	v7 =	vld.idx.msk [tilespmem:v7+s17+$0x0], $0xffff  }
0x215: {  	s19 =	sadd.s32 $0x4, s19;
	v2 =	vmul.f32 v32, v0;
	v12 =	vld.idx.msk [tilespmem:v1+s17+$0x0], $0xffff;
	v1 =	vmul.f32 v33, v0  }
0x216: {  	v21 =	vmul.f32 v21, v20;
	v29 =	vld [tilespmem:s10+$0xFFFFFF90]  }
0x217: {  	v22 =	vmul.f32 v22, v20;
	v24 =	vmul.f32 v24, v20;
	v30 =	vld [tilespmem:s10+$0xFFFFFFA0]  }
0x218: {  	v25 =	vmul.f32 v25, v20;
	v26 =	vmul.f32 v26, v20;
	v31 =	vld [tilespmem:s10+$0xFFFFFFB0]  }
0x219: {  	v27 =	vmul.f32 v27, v20;
	v43 =	vld [tilespmem:s10+$0xFFFFFFC0];
	v8 =	vadd.f32 v21, v8;
	v11 =	vadd.f32 v22, v11  }
0x21a: {  	v45 =	vld [tilespmem:s10+$0xFFFFFFD0];
	v28 =	vmul.f32 v28, v20;
	v9 =	vadd.f32 v24, v9;
	v10 =	vadd.f32 v25, v10  }
0x21b: {  	v48 =	vld [tilespmem:s10+$0xFFFFFFE0];
	v47 =	vmul.f32 v23, v20;
	v6 =	vadd.f32 v26, v6;
	v17 =	vmul.f32 v17, v7  }
0x21c: {  	v49 =	vld [tilespmem:s10+$0xFFFFFFF0];
	v5 =	vadd.f32 v27, v5;
	v18 =	vmul.f32 v18, v7;
	v19 =	vmul.f32 v19, v12  }
0x21d: {  	v32 =	vld [tilespmem:s10+$0x20];
	v4 =	vadd.f32 v28, v4;
	v29 =	vmul.f32 v29, v12;
	v40 =	vmul.f32 v30, v12  }
0x21e: {  	v33 =	vld [tilespmem:s10+$0x30];
	v3 =	vadd.f32 v47, v3;
	v42 =	vmul.f32 v31, v12;
	v53 =	vmul.f32 v43, v12  }
0x21f: {  	v39 =	vld [tilespmem:s10+$0x40];
	v55 =	vmul.f32 v45, v12;
	v8 =	vadd.f32 v19, v8;
	v11 =	vadd.f32 v29, v11  }
0x220: {  	v41 =	vld [tilespmem:s10+$0x50];
	v57 =	vmul.f32 v48, v12;
	v9 =	vadd.f32 v40, v9;
	v10 =	vadd.f32 v42, v10  }
0x221: {  	v52 =	vld [tilespmem:s10+$0x60];
	v59 =	vmul.f32 v49, v12;
	v6 =	vadd.f32 v53, v6;
	v5 =	vadd.f32 v55, v5  }
0x222: {  	v54 =	vld [tilespmem:s10+$0x70];
	v44 =	vmul.f32 v32, v7;
	v4 =	vadd.f32 v57, v4;
	v8 =	vadd.f32 v17, v8  }
0x223: {  	v56 =	vld [tilespmem:s10+$0xE0];
	v46 =	vmul.f32 v33, v7;
	v3 =	vadd.f32 v59, v3;
	v11 =	vadd.f32 v18, v11  }
0x224: {  	v58 =	vld [tilespmem:s10+$0xF0];
	v50 =	vmul.f32 v39, v7;
	v9 =	vadd.f32 v44, v9;
	v8 =	vadd.f32 v14, v8  }
0x225: {  	v51 =	vmul.f32 v41, v7;
	v10 =	vadd.f32 v46, v10;
	v11 =	vadd.f32 v15, v11  }
0x226: {  	v60 =	vmul.f32 v52, v7;
	v6 =	vadd.f32 v50, v6;
	v9 =	vadd.f32 v16, v9;
	[tilespmem:$0xF300] =	vst v8  }
0x227: {  	v61 =	vmul.f32 v54, v7;
	v5 =	vadd.f32 v51, v5;
	v10 =	vadd.f32 v13, v10;
	[tilespmem:$0xF310] =	vst v11  }
0x228: {  	v62 =	vmul.f32 v56, v0;
	v4 =	vadd.f32 v60, v4;
	v2 =	vadd.f32 v2, v6;
	[tilespmem:$0xF320] =	vst v9  }
0x229: {  	v63 =	vmul.f32 v58, v0;
	v3 =	vadd.f32 v61, v3;
	v1 =	vadd.f32 v1, v5;
	[tilespmem:$0xF330] =	vst v10  }
0x22a: {  	v4 =	vadd.f32 v62, v4;
	[tilespmem:$0xF340] =	vst v2  }
0x22b: {  	s18 =	sadd.s32 $0x1, s18;
	v0 =	vadd.f32 v63, v3;
	[tilespmem:$0xF350] =	vst v1  }
0x22c: {  	p0 =	sne.s32 s18, s9;
	[tilespmem:$0xF360] =	vst v4  }
.Ltmp2:
0x22d: {  	s22 =	simm.s32 $0xF300;
	[tilespmem:$0xF370] =	vst v0;
	(pc) =	sbr.rel @p0 .LBB2_1-.Ltmp2, $4  }
0x22e: {  	[hbm4b:s8+s3] =	stream.linear.scatter [tilespmem:s22], [sflag:$0x5], $0x80, $0x38;
	[tilespmem:$0xF380] =	vst v63  }
0x22f: {  	_ =	swait.ge [sflag:s11], $0x80  }
0x230: {  	[sflag:s11] =	ssyncset.done $0x0  }
0x231: {  	[sflag:s11] =	ssyncadd.s32 $0xFFFFFF80  }
0x232: {  	_ =	sfence.sel $0x180000  }
0x233: {  	[bflag:$0x0] =	sbarrier.arrive $0xFFFF  }
0x234: {  	_ =	strace $0x9000004A  }
0x235: {  	s0 =	stileid.u32;
	[bflag:$0x2] =	sbarrier.arrive $0xFFFF  }
0x236: {  	p0 =	sne.s32 s0, $0x0;
	s0 =	rddreg [dreg:$0x2]  }
0x237: {  	s0 =	sadd.s32 @!p0 $0x100000, s0  }
0x238: {  	[sflag:s0] =	ssyncadd.tile.s32 @!p0 $0x1;
	_ =	shalt  }
.Lfunc_end2:
_tile_overlayer_lowered:
.L_overlay_start_2:
0x239: {  	(tag) =	ssettag $0x2  }
0x23a: {  	s0 =	rddreg [dreg:$0x0];
	s2 =	stileid.u32  }
0x23b: {  	s1 =	rddreg [dreg:$0x1];
	p0 =	sne.s32 s2, $0x0  }
0x23c: {  	s3 =	rddreg [dreg:$0x2];
	[bflag:$0x3] =	sbarrier.arrive $0xFFFF;
	s2 =	simm.s32 @!p0 $0x1C05  }
0x23d: {  	[timem:s3], [sflag:s2] =	dma.local @!p0 [hbm:s0], s1  }
0x23e: {  	s0 =	simm.s32 @!p0 $0x5  }
0x23f: {  	_ =	swait.ge @!p0 [sflag:s0], s1  }
0x240: {  	s1 =	ssub.s32 @!p0 $0x0, s1;
	[sflag:s0] =	ssyncset.done @!p0 $0x0  }
0x241: {  	[sflag:s0] =	ssyncadd.s32 @!p0 s1  }
0x242: {  	[bflag:$0x3] =	sbarrier.arrive $0xFFFF  }
0x243: {  	_ =	shalt  }

</sc_bundles>
